<compile_context>
chip_gen: v7x
topology: tpu7x:2x2x1
jax: 0.10.2.dev20260603
libtpu: 0.0.44.dev20260713+nightly
codegen_flags: <defaults>
</compile_context>

<pallas_src>
import jax
import jax.numpy as jnp
from jax import lax
from jax.experimental import pallas as pl
from jax.experimental.pallas import tpu as pltpu
from jax.experimental.pallas import tpu_sc as plsc

_T = 26
_V = 100000
_D = 32
_B = 81920
_NC = 2
_NS = 16
_NW = _NC * _NS
_CHUNK = 128
_ROWS = _B // _NW // _CHUNK
_VFULL = _V // _CHUNK
_VTAIL = _V - _VFULL * _CHUNK


def _detile_body(tt_hbm, tails_hbm, s_hbm, inb, outb, tailb, sem, osem):
    wid = lax.axis_index("s") * _NC + lax.axis_index("c")
    iota = lax.iota(jnp.int32, 16)

    qruns = [(vl0 * 16 + iota) >> 2 for vl0 in range(8)]
    k32runs = [((vl0 * 16 + iota) & 3) * 32 for vl0 in range(8)]

    nk = jnp.where(wid < _VFULL - 24 * _NW, 25, 24)
    nslots = _T * nk

    def fire_in(t, c, b):
        pltpu.async_copy(
            tt_hbm.at[t, :, pl.ds(c * _CHUNK, _CHUNK)],
            inb.at[b, :, pl.ds(0, _CHUNK)],
            sem.at[b],
        )

    def wait_in(b):
        pltpu.make_async_copy(
            tt_hbm.at[0, :, pl.ds(0, _CHUNK)],
            inb.at[0, :, pl.ds(0, _CHUNK)],
            sem.at[b],
        ).wait()

    def wait_out(b):
        pltpu.make_async_copy(
            outb.at[0, :, pl.ds(0, _CHUNK)], s_hbm.at[0, pl.ds(0, 32)], osem.at[b]
        ).wait()

    def advance(t, k):
        wrap = k + 1 >= nk
        return jnp.where(wrap, t + 1, t), jnp.where(wrap, 0, k + 1)

    def compute(t, c, bin_, bout):
        def one_d(d2, carry):
            for dd in range(2):
                d = d2 * 2 + dd
                dv = jnp.full((16,), d, jnp.int32)
                for vl0 in range(8):
                    x = inb[bin_, d, pl.ds(vl0 * 16, 16)]
                    plsc.store_scatter(
                        outb.at[bout], [qruns[vl0], k32runs[vl0] + dv], x
                    )
            return carry

        lax.fori_loop(0, 16, one_d, 0)
        pltpu.async_copy(
            outb.at[bout, :, pl.ds(0, _CHUNK)],
            s_hbm.at[t, pl.ds(c * 32, 32)],
            osem.at[bout],
        )

    def slot_step(i, carry):
        tc, kc, tp, kp = carry

        @pl.when(i + 2 < nslots)
        def _():
            fire_in(tp, wid + kp * _NW, (i + 2) % 3)

        wait_in(i % 3)

        @pl.when(i >= 2)
        def _():
            wait_out(i % 2)

        compute(tc, wid + kc * _NW, i % 3, i % 2)
        tc2, kc2 = advance(tc, kc)
        tp2, kp2 = advance(tp, kp)
        return (tc2, kc2, tp2, kp2)

    fire_in(0, wid, 0)

    @pl.when(nslots > 1)
    def _():
        t1, k1_ = advance(jnp.int32(0), jnp.int32(0))
        fire_in(t1, wid + k1_ * _NW, 1)

    t2, k2_ = advance(jnp.int32(0), jnp.int32(0))
    t2, k2_ = advance(t2, k2_)
    lax.fori_loop(
        0,
        nslots,
        slot_step,
        (jnp.int32(0), jnp.int32(0), t2, k2_),
    )
    wait_out(nslots % 2)
    wait_out((nslots + 1) % 2)

    @pl.when(wid < _T)
    def _():
        t = wid
        pltpu.sync_copy(tails_hbm.at[t], tailb)
        pltpu.sync_copy(tailb, s_hbm.at[t, pl.ds(_VFULL * 32, 8)])


def _gather_body(values_hbm, s_hbm, o_hbm, idx_v, rows_v, outb, gsem, osem):
    wid = lax.axis_index("s") * _NC + lax.axis_index("c")
    iota = lax.iota(jnp.int32, 16)
    gruns = [(k * 16 + iota) >> 3 for k in range(2)]
    rruns = [(k * 16 + iota) & 7 for k in range(2)]

    def table_step(t, carry):
        pltpu.sync_copy(values_hbm.at[t, wid], idx_v)
        for j in range(_ROWS):
            pltpu.async_copy(s_hbm.at[t].at[idx_v.at[j]], rows_v.at[j], gsem.at[j])

        def wait_out(b):
            pltpu.make_async_copy(
                outb.at[0, :, :, pl.ds(0, _CHUNK)], o_hbm.at[0, :, 0], osem.at[b]
            ).wait()

        def chunk_step(j, c2):
            pltpu.make_async_copy(
                s_hbm.at[t, pl.ds(0, _CHUNK)], rows_v.at[0], gsem.at[j]
            ).wait()

            @pl.when(j >= 2)
            def _():
                wait_out(j % 2)

            def one_m(m2, c3):
                for dm in range(2):
                    m = m2 * 2 + dm
                    mv = jnp.full((16,), m, jnp.int32)
                    for k in range(2):
                        x = rows_v[j, m, pl.ds(k * 16, 16)]
                        plsc.store_scatter(
                            outb.at[j % 2], [gruns[k], rruns[k], mv], x
                        )
                return c3

            lax.fori_loop(0, _CHUNK // 2, one_m, 0)
            pltpu.async_copy(
                outb.at[j % 2, :, :, pl.ds(0, _CHUNK)],
                o_hbm.at[t, :, wid * _ROWS + j],
                osem.at[j % 2],
            )
            return c2

        lax.fori_loop(0, _ROWS, chunk_step, 0)
        wait_out(0)
        wait_out(1)
        return carry

    lax.fori_loop(0, _T, table_step, 0)


def kernel(values, tables):
    mesh = plsc.VectorSubcoreMesh(core_axis_name="c", subcore_axis_name="s")
    tt = tables.transpose(0, 2, 1)
    tails5 = tables[:, _VFULL * _CHUNK :, :].reshape(_T, 8, _CHUNK)
    s = pl.kernel(
        _detile_body,
        out_type=jax.ShapeDtypeStruct((_T, _V // 4, _CHUNK), jnp.float32),
        mesh=mesh,
        scratch_types=[
            pltpu.VMEM((3, _D, _CHUNK + 1), jnp.float32),
            pltpu.VMEM((2, 32, _CHUNK + 4), jnp.float32),
            pltpu.VMEM((8, _CHUNK), jnp.float32),
            pltpu.SemaphoreType.DMA((3,)),
            pltpu.SemaphoreType.DMA((2,)),
        ],
        compiler_params=pltpu.CompilerParams(
            use_tc_tiling_on_sc=True, needs_layout_passes=False
        ),
    )(tt, tails5)

    values_r = values.reshape(_T, _NW, _ROWS, _CHUNK)
    o5 = pl.kernel(
        _gather_body,
        out_type=jax.ShapeDtypeStruct((_T, 4, _NW * _ROWS, 8, _CHUNK), jnp.float32),
        mesh=mesh,
        scratch_types=[
            pltpu.VMEM((_ROWS, _CHUNK), jnp.int32),
            pltpu.VMEM((_ROWS, _CHUNK, _D), jnp.float32),
            pltpu.VMEM((2, 4, 8, _CHUNK + 1), jnp.float32),
            pltpu.SemaphoreType.DMA((_ROWS,)),
            pltpu.SemaphoreType.DMA((2,)),
        ],
        compiler_params=pltpu.CompilerParams(
            use_tc_tiling_on_sc=False, needs_layout_passes=False
        ),
    )(values_r, s.reshape(_T, _V, _D))
    return o5.transpose(0, 2, 4, 1, 3).reshape(_T, _B, _D)

# --- scband reference (transcript-rebuilt; emitter-appended) ---
"""Pipeline reference for scband-torch-rec-embedding-collection-adapter-5248450036157 (READ-ONLY COPY).

The authoritative reference and input builder live on the scoring server;
editing this copy changes nothing except your own understanding.
"""

import jax, jax.numpy as jnp
import numpy as np

N_TABLES = 26
VOCAB = 100000
DIM = 32
TOTAL_VALUES = 81920  # batch 4096 * avg jagged len 20 per feature


def setup_inputs(seed: int = 0) -> dict:
    key = jax.random.key(seed)
    k_idx, k_tbl = jax.random.split(key)
    # Jagged index values per feature/table (KeyedJaggedTensor .values(), stacked per key).
    values = jax.random.randint(k_idx, (N_TABLES, TOTAL_VALUES), 0, VOCAB, dtype=jnp.int32)
    # One embedding table per EmbeddingConfig in the collection, stacked: [T, vocab, dim].
    tables = jax.random.normal(k_tbl, (N_TABLES, VOCAB, DIM), dtype=jnp.float32) * 0.01
    return {"values": values, "tables": tables}


def reference(values, tables):
    # TorchRec EmbeddingCollection: per-key un-pooled (sequence) lookup.
    # Each table gathers its own jagged value ids; output is the stacked
    # per-key JaggedTensor values: [T, total_values, dim].
    def one_table(tbl, idx):
        return jnp.take(tbl, idx, axis=0)
    out = jax.vmap(one_table)(tables, values)
    return out

if __name__ == "__main__":
    import jax
    _d = setup_inputs()
    print(jax.jit(kernel)(*tuple(_d.values())))

</pallas_src>

<mosaic_0001>
#map = affine_map<(d0, d1) -> (0, 0, 0, 0)>
#map1 = affine_map<(d0, d1) -> (0, 0, 0)>
#map2 = affine_map<(d0, d1) -> (0, 0, 0, 0, 0)>
module attributes {stable_mosaic.version = 14 : i64} {
  func.func @_gather_body(%arg0: i32, %arg1: i32, %arg2: memref<26x32x20x128xi32, #tpu.memory_space<hbm>>, %arg3: memref<26x100000x32xf32, #tpu.memory_space<hbm>>, %arg4: memref<26x4x640x8x128xf32, #tpu.memory_space<hbm>>, %arg5: memref<20x128xi32, #tpu.memory_space<vmem>>, %arg6: memref<20x128x32xf32, #tpu.memory_space<vmem>>, %arg7: memref<2x4x8x129xf32, #tpu.memory_space<vmem>>, %arg8: memref<20x!tpu.dma_semaphore, #tpu.memory_space<semaphore_mem>>, %arg9: memref<2x!tpu.dma_semaphore, #tpu.memory_space<semaphore_mem>>) attributes {dimension_semantics = [#tpu.dimension_semantics<core_parallel>, #tpu.dimension_semantics<subcore_parallel>], iteration_bounds = array<i64: 2, 16>, scalar_prefetch = 0 : i64, scratch_operands = 5 : i64, tpu.core_type = #tpu.core_type<sc_vector_subcore>, window_params = [{transform_indices = #map}, {transform_indices = #map1}, {transform_indices = #map2}]} {
    %mul3A = arith.constant 2 : i32
    %mul3A_0 = arith.muli %arg1, %mul3A : i32
    %add3A = arith.addi %mul3A_0, %arg0 : i32
    %iota3A = tpu.iota {dimensions = array<i32: 0>} : vector<16xi32>
    %add3A_1 = arith.constant 0 : i32
    %add3A_2 = vector.broadcast %add3A_1 : i32 to vector<16xi32>
    %add3A_3 = arith.addi %add3A_2, %iota3A : vector<16xi32>
    %shift_right_arithmetic3A = arith.constant 3 : i32
    %shift_right_arithmetic3A_4 = vector.broadcast %shift_right_arithmetic3A : i32 to vector<16xi32>
    %shift_right_arithmetic3A_5 = arith.shrsi %add3A_3, %shift_right_arithmetic3A_4 : vector<16xi32>
    %add3A_6 = arith.constant 16 : i32
    %add3A_7 = vector.broadcast %add3A_6 : i32 to vector<16xi32>
    %add3A_8 = arith.addi %add3A_7, %iota3A : vector<16xi32>
    %shift_right_arithmetic3A_9 = arith.constant 3 : i32
    %shift_right_arithmetic3A_10 = vector.broadcast %shift_right_arithmetic3A_9 : i32 to vector<16xi32>
    %shift_right_arithmetic3A_11 = arith.shrsi %add3A_8, %shift_right_arithmetic3A_10 : vector<16xi32>
    %add3A_12 = arith.constant 0 : i32
    %add3A_13 = vector.broadcast %add3A_12 : i32 to vector<16xi32>
    %add3A_14 = arith.addi %add3A_13, %iota3A : vector<16xi32>
    %and3A = arith.constant 7 : i32
    %and3A_15 = vector.broadcast %and3A : i32 to vector<16xi32>
    %and3A_16 = arith.andi %add3A_14, %and3A_15 : vector<16xi32>
    %add3A_17 = arith.constant 16 : i32
    %add3A_18 = vector.broadcast %add3A_17 : i32 to vector<16xi32>
    %add3A_19 = arith.addi %add3A_18, %iota3A : vector<16xi32>
    %and3A_20 = arith.constant 7 : i32
    %and3A_21 = vector.broadcast %and3A_20 : i32 to vector<16xi32>
    %and3A_22 = arith.andi %add3A_19, %and3A_21 : vector<16xi32>
    %scan3A = arith.constant 0 : i32
    %scan3A_23 = arith.constant 0 : i32
    %scan3A_24 = arith.constant 26 : i32
    %scan3A_25 = arith.addi %scan3A_23, %scan3A_24 : i32
    %scan3A_26 = arith.constant 1 : i32
    scf.for %scan3A_28 = %scan3A_23 to %scan3A_25 step %scan3A_26  : i32 {
      "tpu.region"() ({
        %run_scoped3A = tpu.sem_alloc : memref<!tpu.dma_semaphore, #tpu.memory_space<semaphore_mem>>
        %dma_start3A_465 = arith.constant 0 : i32
        %dma_start3A_466 = arith.constant 0 : i32
        %dma_start3A_467 = tpu.memref_slice %arg2[%scan3A_28, %add3A, %dma_start3A_465, %dma_start3A_466] : memref<26x32x20x128xi32, #tpu.memory_space<hbm>> -> memref<1x1x20x128xi32, #tpu.memory_space<hbm>>
        %dma_start3A_468 = tpu.memref_squeeze %dma_start3A_467 : memref<1x1x20x128xi32, #tpu.memory_space<hbm>> -> memref<20x128xi32, #tpu.memory_space<hbm>>
        %dma_start3A_469 = arith.constant 0 : i32
        %dma_start3A_470 = arith.constant 0 : i32
        %dma_start3A_471 = tpu.memref_slice %arg2[%scan3A_28, %add3A, %dma_start3A_469, %dma_start3A_470] : memref<26x32x20x128xi32, #tpu.memory_space<hbm>> -> memref<1x1x20x128xi32, #tpu.memory_space<hbm>>
        %dma_start3A_472 = tpu.memref_squeeze %dma_start3A_471 : memref<1x1x20x128xi32, #tpu.memory_space<hbm>> -> memref<20x128xi32, #tpu.memory_space<hbm>>
        tpu.enqueue_dma source(%dma_start3A_472 : memref<20x128xi32, #tpu.memory_space<hbm>>) target(%arg5 : memref<20x128xi32, #tpu.memory_space<vmem>>) target_semaphore(%run_scoped3A : memref<!tpu.dma_semaphore, #tpu.memory_space<semaphore_mem>>)
        %dma_wait3A_473 = arith.constant 0 : i32
        %dma_wait3A_474 = arith.constant 0 : i32
        %dma_wait3A_475 = tpu.memref_slice %arg2[%scan3A_28, %add3A, %dma_wait3A_473, %dma_wait3A_474] : memref<26x32x20x128xi32, #tpu.memory_space<hbm>> -> memref<1x1x20x128xi32, #tpu.memory_space<hbm>>
        %dma_wait3A_476 = tpu.memref_squeeze %dma_wait3A_475 : memref<1x1x20x128xi32, #tpu.memory_space<hbm>> -> memref<20x128xi32, #tpu.memory_space<hbm>>
        %dma_wait3A_477 = arith.constant 0 : i32
        %dma_wait3A_478 = arith.constant 0 : i32
        %dma_wait3A_479 = tpu.memref_slice %arg2[%scan3A_28, %add3A, %dma_wait3A_477, %dma_wait3A_478] : memref<26x32x20x128xi32, #tpu.memory_space<hbm>> -> memref<1x1x20x128xi32, #tpu.memory_space<hbm>>
        %dma_wait3A_480 = tpu.memref_squeeze %dma_wait3A_479 : memref<1x1x20x128xi32, #tpu.memory_space<hbm>> -> memref<20x128xi32, #tpu.memory_space<hbm>>
        tpu.wait_dma2 semaphore(%run_scoped3A : memref<!tpu.dma_semaphore, #tpu.memory_space<semaphore_mem>>) src(%dma_wait3A_480 : memref<20x128xi32, #tpu.memory_space<hbm>>) dst(%arg5 : memref<20x128xi32, #tpu.memory_space<vmem>>)
        tpu.yield
      }) : () -> ()
      %dma_start3A = arith.constant 0 : i32
      %dma_start3A_29 = arith.constant 0 : i32
      %dma_start3A_30 = arith.constant 0 : i32
      %dma_start3A_31 = arith.constant 0 : i32
      %dma_start3A_32 = arith.constant 0 : i32
      %dma_start3A_33 = tpu.memref_slice %arg6[%dma_start3A_29, %dma_start3A_31, %dma_start3A_32] : memref<20x128x32xf32, #tpu.memory_space<vmem>> -> memref<1x128x32xf32, #tpu.memory_space<vmem>>
      %dma_start3A_34 = tpu.memref_squeeze %dma_start3A_33 : memref<1x128x32xf32, #tpu.memory_space<vmem>> -> memref<128x32xf32, #tpu.memory_space<vmem>>
      %dma_start3A_35 = arith.constant 0 : i32
      %dma_start3A_36 = tpu.memref_slice %arg5[%dma_start3A, %dma_start3A_35] : memref<20x128xi32, #tpu.memory_space<vmem>> -> memref<1x128xi32, #tpu.memory_space<vmem>>
      %dma_start3A_37 = tpu.memref_squeeze %dma_start3A_36 : memref<1x128xi32, #tpu.memory_space<vmem>> -> memref<128xi32, #tpu.memory_space<vmem>>
      %dma_start3A_38 = arith.constant 0 : i32
      %dma_start3A_39 = arith.constant 0 : i32
      %dma_start3A_40 = tpu.memref_slice %arg3[%scan3A_28, %dma_start3A_38, %dma_start3A_39] : memref<26x100000x32xf32, #tpu.memory_space<hbm>> -> memref<1x100000x32xf32, #tpu.memory_space<hbm>>
      %dma_start3A_41 = tpu.memref_squeeze %dma_start3A_40 : memref<1x100000x32xf32, #tpu.memory_space<hbm>> -> memref<100000x32xf32, #tpu.memory_space<hbm>>
      %dma_start3A_42 = arith.constant 0 : i32
      %dma_start3A_43 = arith.constant 0 : i32
      %dma_start3A_44 = tpu.memref_slice %dma_start3A_41[%dma_start3A_42, %dma_start3A_43] : memref<100000x32xf32, #tpu.memory_space<hbm>> -> memref<100000x32xf32, #tpu.memory_space<hbm>>
      %dma_start3A_45 = tpu.memref_slice %arg8[%dma_start3A_30] : memref<20x!tpu.dma_semaphore, #tpu.memory_space<semaphore_mem>> -> memref<1x!tpu.dma_semaphore, #tpu.memory_space<semaphore_mem>>
      %dma_start3A_46 = tpu.memref_squeeze %dma_start3A_45 : memref<1x!tpu.dma_semaphore, #tpu.memory_space<semaphore_mem>> -> memref<!tpu.dma_semaphore, #tpu.memory_space<semaphore_mem>>
      tpu.enqueue_indirect_dma source(%dma_start3A_44 : memref<100000x32xf32, #tpu.memory_space<hbm>>) target(%dma_start3A_34 : memref<128x32xf32, #tpu.memory_space<vmem>>) offsets(%dma_start3A_37 : memref<128xi32, #tpu.memory_space<vmem>>) semaphore(%dma_start3A_46 : memref<!tpu.dma_semaphore, #tpu.memory_space<semaphore_mem>>)
      %dma_start3A_47 = arith.constant 1 : i32
      %dma_start3A_48 = arith.constant 1 : i32
      %dma_start3A_49 = arith.constant 1 : i32
      %dma_start3A_50 = arith.constant 0 : i32
      %dma_start3A_51 = arith.constant 0 : i32
      %dma_start3A_52 = tpu.memref_slice %arg6[%dma_start3A_48, %dma_start3A_50, %dma_start3A_51] : memref<20x128x32xf32, #tpu.memory_space<vmem>> -> memref<1x128x32xf32, #tpu.memory_space<vmem>>
      %dma_start3A_53 = tpu.memref_squeeze %dma_start3A_52 : memref<1x128x32xf32, #tpu.memory_space<vmem>> -> memref<128x32xf32, #tpu.memory_space<vmem>>
      %dma_start3A_54 = arith.constant 0 : i32
      %dma_start3A_55 = tpu.memref_slice %arg5[%dma_start3A_47, %dma_start3A_54] : memref<20x128xi32, #tpu.memory_space<vmem>> -> memref<1x128xi32, #tpu.memory_space<vmem>>
      %dma_start3A_56 = tpu.memref_squeeze %dma_start3A_55 : memref<1x128xi32, #tpu.memory_space<vmem>> -> memref<128xi32, #tpu.memory_space<vmem>>
      %dma_start3A_57 = arith.constant 0 : i32
      %dma_start3A_58 = arith.constant 0 : i32
      %dma_start3A_59 = tpu.memref_slice %arg3[%scan3A_28, %dma_start3A_57, %dma_start3A_58] : memref<26x100000x32xf32, #tpu.memory_space<hbm>> -> memref<1x100000x32xf32, #tpu.memory_space<hbm>>
      %dma_start3A_60 = tpu.memref_squeeze %dma_start3A_59 : memref<1x100000x32xf32, #tpu.memory_space<hbm>> -> memref<100000x32xf32, #tpu.memory_space<hbm>>
      %dma_start3A_61 = arith.constant 0 : i32
      %dma_start3A_62 = arith.constant 0 : i32
      %dma_start3A_63 = tpu.memref_slice %dma_start3A_60[%dma_start3A_61, %dma_start3A_62] : memref<100000x32xf32, #tpu.memory_space<hbm>> -> memref<100000x32xf32, #tpu.memory_space<hbm>>
      %dma_start3A_64 = tpu.memref_slice %arg8[%dma_start3A_49] : memref<20x!tpu.dma_semaphore, #tpu.memory_space<semaphore_mem>> -> memref<1x!tpu.dma_semaphore, #tpu.memory_space<semaphore_mem>>
      %dma_start3A_65 = tpu.memref_squeeze %dma_start3A_64 : memref<1x!tpu.dma_semaphore, #tpu.memory_space<semaphore_mem>> -> memref<!tpu.dma_semaphore, #tpu.memory_space<semaphore_mem>>
      tpu.enqueue_indirect_dma source(%dma_start3A_63 : memref<100000x32xf32, #tpu.memory_space<hbm>>) target(%dma_start3A_53 : memref<128x32xf32, #tpu.memory_space<vmem>>) offsets(%dma_start3A_56 : memref<128xi32, #tpu.memory_space<vmem>>) semaphore(%dma_start3A_65 : memref<!tpu.dma_semaphore, #tpu.memory_space<semaphore_mem>>)
      %dma_start3A_66 = arith.constant 2 : i32
      %dma_start3A_67 = arith.constant 2 : i32
      %dma_start3A_68 = arith.constant 2 : i32
      %dma_start3A_69 = arith.constant 0 : i32
      %dma_start3A_70 = arith.constant 0 : i32
      %dma_start3A_71 = tpu.memref_slice %arg6[%dma_start3A_67, %dma_start3A_69, %dma_start3A_70] : memref<20x128x32xf32, #tpu.memory_space<vmem>> -> memref<1x128x32xf32, #tpu.memory_space<vmem>>
      %dma_start3A_72 = tpu.memref_squeeze %dma_start3A_71 : memref<1x128x32xf32, #tpu.memory_space<vmem>> -> memref<128x32xf32, #tpu.memory_space<vmem>>
      %dma_start3A_73 = arith.constant 0 : i32
      %dma_start3A_74 = tpu.memref_slice %arg5[%dma_start3A_66, %dma_start3A_73] : memref<20x128xi32, #tpu.memory_space<vmem>> -> memref<1x128xi32, #tpu.memory_space<vmem>>
      %dma_start3A_75 = tpu.memref_squeeze %dma_start3A_74 : memref<1x128xi32, #tpu.memory_space<vmem>> -> memref<128xi32, #tpu.memory_space<vmem>>
      %dma_start3A_76 = arith.constant 0 : i32
      %dma_start3A_77 = arith.constant 0 : i32
      %dma_start3A_78 = tpu.memref_slice %arg3[%scan3A_28, %dma_start3A_76, %dma_start3A_77] : memref<26x100000x32xf32, #tpu.memory_space<hbm>> -> memref<1x100000x32xf32, #tpu.memory_space<hbm>>
      %dma_start3A_79 = tpu.memref_squeeze %dma_start3A_78 : memref<1x100000x32xf32, #tpu.memory_space<hbm>> -> memref<100000x32xf32, #tpu.memory_space<hbm>>
      %dma_start3A_80 = arith.constant 0 : i32
      %dma_start3A_81 = arith.constant 0 : i32
      %dma_start3A_82 = tpu.memref_slice %dma_start3A_79[%dma_start3A_80, %dma_start3A_81] : memref<100000x32xf32, #tpu.memory_space<hbm>> -> memref<100000x32xf32, #tpu.memory_space<hbm>>
      %dma_start3A_83 = tpu.memref_slice %arg8[%dma_start3A_68] : memref<20x!tpu.dma_semaphore, #tpu.memory_space<semaphore_mem>> -> memref<1x!tpu.dma_semaphore, #tpu.memory_space<semaphore_mem>>
      %dma_start3A_84 = tpu.memref_squeeze %dma_start3A_83 : memref<1x!tpu.dma_semaphore, #tpu.memory_space<semaphore_mem>> -> memref<!tpu.dma_semaphore, #tpu.memory_space<semaphore_mem>>
      tpu.enqueue_indirect_dma source(%dma_start3A_82 : memref<100000x32xf32, #tpu.memory_space<hbm>>) target(%dma_start3A_72 : memref<128x32xf32, #tpu.memory_space<vmem>>) offsets(%dma_start3A_75 : memref<128xi32, #tpu.memory_space<vmem>>) semaphore(%dma_start3A_84 : memref<!tpu.dma_semaphore, #tpu.memory_space<semaphore_mem>>)
      %dma_start3A_85 = arith.constant 3 : i32
      %dma_start3A_86 = arith.constant 3 : i32
      %dma_start3A_87 = arith.constant 3 : i32
      %dma_start3A_88 = arith.constant 0 : i32
      %dma_start3A_89 = arith.constant 0 : i32
      %dma_start3A_90 = tpu.memref_slice %arg6[%dma_start3A_86, %dma_start3A_88, %dma_start3A_89] : memref<20x128x32xf32, #tpu.memory_space<vmem>> -> memref<1x128x32xf32, #tpu.memory_space<vmem>>
      %dma_start3A_91 = tpu.memref_squeeze %dma_start3A_90 : memref<1x128x32xf32, #tpu.memory_space<vmem>> -> memref<128x32xf32, #tpu.memory_space<vmem>>
      %dma_start3A_92 = arith.constant 0 : i32
      %dma_start3A_93 = tpu.memref_slice %arg5[%dma_start3A_85, %dma_start3A_92] : memref<20x128xi32, #tpu.memory_space<vmem>> -> memref<1x128xi32, #tpu.memory_space<vmem>>
      %dma_start3A_94 = tpu.memref_squeeze %dma_start3A_93 : memref<1x128xi32, #tpu.memory_space<vmem>> -> memref<128xi32, #tpu.memory_space<vmem>>
      %dma_start3A_95 = arith.constant 0 : i32
      %dma_start3A_96 = arith.constant 0 : i32
      %dma_start3A_97 = tpu.memref_slice %arg3[%scan3A_28, %dma_start3A_95, %dma_start3A_96] : memref<26x100000x32xf32, #tpu.memory_space<hbm>> -> memref<1x100000x32xf32, #tpu.memory_space<hbm>>
      %dma_start3A_98 = tpu.memref_squeeze %dma_start3A_97 : memref<1x100000x32xf32, #tpu.memory_space<hbm>> -> memref<100000x32xf32, #tpu.memory_space<hbm>>
      %dma_start3A_99 = arith.constant 0 : i32
      %dma_start3A_100 = arith.constant 0 : i32
      %dma_start3A_101 = tpu.memref_slice %dma_start3A_98[%dma_start3A_99, %dma_start3A_100] : memref<100000x32xf32, #tpu.memory_space<hbm>> -> memref<100000x32xf32, #tpu.memory_space<hbm>>
      %dma_start3A_102 = tpu.memref_slice %arg8[%dma_start3A_87] : memref<20x!tpu.dma_semaphore, #tpu.memory_space<semaphore_mem>> -> memref<1x!tpu.dma_semaphore, #tpu.memory_space<semaphore_mem>>
      %dma_start3A_103 = tpu.memref_squeeze %dma_start3A_102 : memref<1x!tpu.dma_semaphore, #tpu.memory_space<semaphore_mem>> -> memref<!tpu.dma_semaphore, #tpu.memory_space<semaphore_mem>>
      tpu.enqueue_indirect_dma source(%dma_start3A_101 : memref<100000x32xf32, #tpu.memory_space<hbm>>) target(%dma_start3A_91 : memref<128x32xf32, #tpu.memory_space<vmem>>) offsets(%dma_start3A_94 : memref<128xi32, #tpu.memory_space<vmem>>) semaphore(%dma_start3A_103 : memref<!tpu.dma_semaphore, #tpu.memory_space<semaphore_mem>>)
      %dma_start3A_104 = arith.constant 4 : i32
      %dma_start3A_105 = arith.constant 4 : i32
      %dma_start3A_106 = arith.constant 4 : i32
      %dma_start3A_107 = arith.constant 0 : i32
      %dma_start3A_108 = arith.constant 0 : i32
      %dma_start3A_109 = tpu.memref_slice %arg6[%dma_start3A_105, %dma_start3A_107, %dma_start3A_108] : memref<20x128x32xf32, #tpu.memory_space<vmem>> -> memref<1x128x32xf32, #tpu.memory_space<vmem>>
      %dma_start3A_110 = tpu.memref_squeeze %dma_start3A_109 : memref<1x128x32xf32, #tpu.memory_space<vmem>> -> memref<128x32xf32, #tpu.memory_space<vmem>>
      %dma_start3A_111 = arith.constant 0 : i32
      %dma_start3A_112 = tpu.memref_slice %arg5[%dma_start3A_104, %dma_start3A_111] : memref<20x128xi32, #tpu.memory_space<vmem>> -> memref<1x128xi32, #tpu.memory_space<vmem>>
      %dma_start3A_113 = tpu.memref_squeeze %dma_start3A_112 : memref<1x128xi32, #tpu.memory_space<vmem>> -> memref<128xi32, #tpu.memory_space<vmem>>
      %dma_start3A_114 = arith.constant 0 : i32
      %dma_start3A_115 = arith.constant 0 : i32
      %dma_start3A_116 = tpu.memref_slice %arg3[%scan3A_28, %dma_start3A_114, %dma_start3A_115] : memref<26x100000x32xf32, #tpu.memory_space<hbm>> -> memref<1x100000x32xf32, #tpu.memory_space<hbm>>
      %dma_start3A_117 = tpu.memref_squeeze %dma_start3A_116 : memref<1x100000x32xf32, #tpu.memory_space<hbm>> -> memref<100000x32xf32, #tpu.memory_space<hbm>>
      %dma_start3A_118 = arith.constant 0 : i32
      %dma_start3A_119 = arith.constant 0 : i32
      %dma_start3A_120 = tpu.memref_slice %dma_start3A_117[%dma_start3A_118, %dma_start3A_119] : memref<100000x32xf32, #tpu.memory_space<hbm>> -> memref<100000x32xf32, #tpu.memory_space<hbm>>
      %dma_start3A_121 = tpu.memref_slice %arg8[%dma_start3A_106] : memref<20x!tpu.dma_semaphore, #tpu.memory_space<semaphore_mem>> -> memref<1x!tpu.dma_semaphore, #tpu.memory_space<semaphore_mem>>
      %dma_start3A_122 = tpu.memref_squeeze %dma_start3A_121 : memref<1x!tpu.dma_semaphore, #tpu.memory_space<semaphore_mem>> -> memref<!tpu.dma_semaphore, #tpu.memory_space<semaphore_mem>>
      tpu.enqueue_indirect_dma source(%dma_start3A_120 : memref<100000x32xf32, #tpu.memory_space<hbm>>) target(%dma_start3A_110 : memref<128x32xf32, #tpu.memory_space<vmem>>) offsets(%dma_start3A_113 : memref<128xi32, #tpu.memory_space<vmem>>) semaphore(%dma_start3A_122 : memref<!tpu.dma_semaphore, #tpu.memory_space<semaphore_mem>>)
      %dma_start3A_123 = arith.constant 5 : i32
      %dma_start3A_124 = arith.constant 5 : i32
      %dma_start3A_125 = arith.constant 5 : i32
      %dma_start3A_126 = arith.constant 0 : i32
      %dma_start3A_127 = arith.constant 0 : i32
      %dma_start3A_128 = tpu.memref_slice %arg6[%dma_start3A_124, %dma_start3A_126, %dma_start3A_127] : memref<20x128x32xf32, #tpu.memory_space<vmem>> -> memref<1x128x32xf32, #tpu.memory_space<vmem>>
      %dma_start3A_129 = tpu.memref_squeeze %dma_start3A_128 : memref<1x128x32xf32, #tpu.memory_space<vmem>> -> memref<128x32xf32, #tpu.memory_space<vmem>>
      %dma_start3A_130 = arith.constant 0 : i32
      %dma_start3A_131 = tpu.memref_slice %arg5[%dma_start3A_123, %dma_start3A_130] : memref<20x128xi32, #tpu.memory_space<vmem>> -> memref<1x128xi32, #tpu.memory_space<vmem>>
      %dma_start3A_132 = tpu.memref_squeeze %dma_start3A_131 : memref<1x128xi32, #tpu.memory_space<vmem>> -> memref<128xi32, #tpu.memory_space<vmem>>
      %dma_start3A_133 = arith.constant 0 : i32
      %dma_start3A_134 = arith.constant 0 : i32
      %dma_start3A_135 = tpu.memref_slice %arg3[%scan3A_28, %dma_start3A_133, %dma_start3A_134] : memref<26x100000x32xf32, #tpu.memory_space<hbm>> -> memref<1x100000x32xf32, #tpu.memory_space<hbm>>
      %dma_start3A_136 = tpu.memref_squeeze %dma_start3A_135 : memref<1x100000x32xf32, #tpu.memory_space<hbm>> -> memref<100000x32xf32, #tpu.memory_space<hbm>>
      %dma_start3A_137 = arith.constant 0 : i32
      %dma_start3A_138 = arith.constant 0 : i32
      %dma_start3A_139 = tpu.memref_slice %dma_start3A_136[%dma_start3A_137, %dma_start3A_138] : memref<100000x32xf32, #tpu.memory_space<hbm>> -> memref<100000x32xf32, #tpu.memory_space<hbm>>
      %dma_start3A_140 = tpu.memref_slice %arg8[%dma_start3A_125] : memref<20x!tpu.dma_semaphore, #tpu.memory_space<semaphore_mem>> -> memref<1x!tpu.dma_semaphore, #tpu.memory_space<semaphore_mem>>
      %dma_start3A_141 = tpu.memref_squeeze %dma_start3A_140 : memref<1x!tpu.dma_semaphore, #tpu.memory_space<semaphore_mem>> -> memref<!tpu.dma_semaphore, #tpu.memory_space<semaphore_mem>>
      tpu.enqueue_indirect_dma source(%dma_start3A_139 : memref<100000x32xf32, #tpu.memory_space<hbm>>) target(%dma_start3A_129 : memref<128x32xf32, #tpu.memory_space<vmem>>) offsets(%dma_start3A_132 : memref<128xi32, #tpu.memory_space<vmem>>) semaphore(%dma_start3A_141 : memref<!tpu.dma_semaphore, #tpu.memory_space<semaphore_mem>>)
      %dma_start3A_142 = arith.constant 6 : i32
      %dma_start3A_143 = arith.constant 6 : i32
      %dma_start3A_144 = arith.constant 6 : i32
      %dma_start3A_145 = arith.constant 0 : i32
      %dma_start3A_146 = arith.constant 0 : i32
      %dma_start3A_147 = tpu.memref_slice %arg6[%dma_start3A_143, %dma_start3A_145, %dma_start3A_146] : memref<20x128x32xf32, #tpu.memory_space<vmem>> -> memref<1x128x32xf32, #tpu.memory_space<vmem>>
      %dma_start3A_148 = tpu.memref_squeeze %dma_start3A_147 : memref<1x128x32xf32, #tpu.memory_space<vmem>> -> memref<128x32xf32, #tpu.memory_space<vmem>>
      %dma_start3A_149 = arith.constant 0 : i32
      %dma_start3A_150 = tpu.memref_slice %arg5[%dma_start3A_142, %dma_start3A_149] : memref<20x128xi32, #tpu.memory_space<vmem>> -> memref<1x128xi32, #tpu.memory_space<vmem>>
      %dma_start3A_151 = tpu.memref_squeeze %dma_start3A_150 : memref<1x128xi32, #tpu.memory_space<vmem>> -> memref<128xi32, #tpu.memory_space<vmem>>
      %dma_start3A_152 = arith.constant 0 : i32
      %dma_start3A_153 = arith.constant 0 : i32
      %dma_start3A_154 = tpu.memref_slice %arg3[%scan3A_28, %dma_start3A_152, %dma_start3A_153] : memref<26x100000x32xf32, #tpu.memory_space<hbm>> -> memref<1x100000x32xf32, #tpu.memory_space<hbm>>
      %dma_start3A_155 = tpu.memref_squeeze %dma_start3A_154 : memref<1x100000x32xf32, #tpu.memory_space<hbm>> -> memref<100000x32xf32, #tpu.memory_space<hbm>>
      %dma_start3A_156 = arith.constant 0 : i32
      %dma_start3A_157 = arith.constant 0 : i32
      %dma_start3A_158 = tpu.memref_slice %dma_start3A_155[%dma_start3A_156, %dma_start3A_157] : memref<100000x32xf32, #tpu.memory_space<hbm>> -> memref<100000x32xf32, #tpu.memory_space<hbm>>
      %dma_start3A_159 = tpu.memref_slice %arg8[%dma_start3A_144] : memref<20x!tpu.dma_semaphore, #tpu.memory_space<semaphore_mem>> -> memref<1x!tpu.dma_semaphore, #tpu.memory_space<semaphore_mem>>
      %dma_start3A_160 = tpu.memref_squeeze %dma_start3A_159 : memref<1x!tpu.dma_semaphore, #tpu.memory_space<semaphore_mem>> -> memref<!tpu.dma_semaphore, #tpu.memory_space<semaphore_mem>>
      tpu.enqueue_indirect_dma source(%dma_start3A_158 : memref<100000x32xf32, #tpu.memory_space<hbm>>) target(%dma_start3A_148 : memref<128x32xf32, #tpu.memory_space<vmem>>) offsets(%dma_start3A_151 : memref<128xi32, #tpu.memory_space<vmem>>) semaphore(%dma_start3A_160 : memref<!tpu.dma_semaphore, #tpu.memory_space<semaphore_mem>>)
      %dma_start3A_161 = arith.constant 7 : i32
      %dma_start3A_162 = arith.constant 7 : i32
      %dma_start3A_163 = arith.constant 7 : i32
      %dma_start3A_164 = arith.constant 0 : i32
      %dma_start3A_165 = arith.constant 0 : i32
      %dma_start3A_166 = tpu.memref_slice %arg6[%dma_start3A_162, %dma_start3A_164, %dma_start3A_165] : memref<20x128x32xf32, #tpu.memory_space<vmem>> -> memref<1x128x32xf32, #tpu.memory_space<vmem>>
      %dma_start3A_167 = tpu.memref_squeeze %dma_start3A_166 : memref<1x128x32xf32, #tpu.memory_space<vmem>> -> memref<128x32xf32, #tpu.memory_space<vmem>>
      %dma_start3A_168 = arith.constant 0 : i32
      %dma_start3A_169 = tpu.memref_slice %arg5[%dma_start3A_161, %dma_start3A_168] : memref<20x128xi32, #tpu.memory_space<vmem>> -> memref<1x128xi32, #tpu.memory_space<vmem>>
      %dma_start3A_170 = tpu.memref_squeeze %dma_start3A_169 : memref<1x128xi32, #tpu.memory_space<vmem>> -> memref<128xi32, #tpu.memory_space<vmem>>
      %dma_start3A_171 = arith.constant 0 : i32
      %dma_start3A_172 = arith.constant 0 : i32
      %dma_start3A_173 = tpu.memref_slice %arg3[%scan3A_28, %dma_start3A_171, %dma_start3A_172] : memref<26x100000x32xf32, #tpu.memory_space<hbm>> -> memref<1x100000x32xf32, #tpu.memory_space<hbm>>
      %dma_start3A_174 = tpu.memref_squeeze %dma_start3A_173 : memref<1x100000x32xf32, #tpu.memory_space<hbm>> -> memref<100000x32xf32, #tpu.memory_space<hbm>>
      %dma_start3A_175 = arith.constant 0 : i32
      %dma_start3A_176 = arith.constant 0 : i32
      %dma_start3A_177 = tpu.memref_slice %dma_start3A_174[%dma_start3A_175, %dma_start3A_176] : memref<100000x32xf32, #tpu.memory_space<hbm>> -> memref<100000x32xf32, #tpu.memory_space<hbm>>
      %dma_start3A_178 = tpu.memref_slice %arg8[%dma_start3A_163] : memref<20x!tpu.dma_semaphore, #tpu.memory_space<semaphore_mem>> -> memref<1x!tpu.dma_semaphore, #tpu.memory_space<semaphore_mem>>
      %dma_start3A_179 = tpu.memref_squeeze %dma_start3A_178 : memref<1x!tpu.dma_semaphore, #tpu.memory_space<semaphore_mem>> -> memref<!tpu.dma_semaphore, #tpu.memory_space<semaphore_mem>>
      tpu.enqueue_indirect_dma source(%dma_start3A_177 : memref<100000x32xf32, #tpu.memory_space<hbm>>) target(%dma_start3A_167 : memref<128x32xf32, #tpu.memory_space<vmem>>) offsets(%dma_start3A_170 : memref<128xi32, #tpu.memory_space<vmem>>) semaphore(%dma_start3A_179 : memref<!tpu.dma_semaphore, #tpu.memory_space<semaphore_mem>>)
      %dma_start3A_180 = arith.constant 8 : i32
      %dma_start3A_181 = arith.constant 8 : i32
      %dma_start3A_182 = arith.constant 8 : i32
      %dma_start3A_183 = arith.constant 0 : i32
      %dma_start3A_184 = arith.constant 0 : i32
      %dma_start3A_185 = tpu.memref_slice %arg6[%dma_start3A_181, %dma_start3A_183, %dma_start3A_184] : memref<20x128x32xf32, #tpu.memory_space<vmem>> -> memref<1x128x32xf32, #tpu.memory_space<vmem>>
      %dma_start3A_186 = tpu.memref_squeeze %dma_start3A_185 : memref<1x128x32xf32, #tpu.memory_space<vmem>> -> memref<128x32xf32, #tpu.memory_space<vmem>>
      %dma_start3A_187 = arith.constant 0 : i32
      %dma_start3A_188 = tpu.memref_slice %arg5[%dma_start3A_180, %dma_start3A_187] : memref<20x128xi32, #tpu.memory_space<vmem>> -> memref<1x128xi32, #tpu.memory_space<vmem>>
      %dma_start3A_189 = tpu.memref_squeeze %dma_start3A_188 : memref<1x128xi32, #tpu.memory_space<vmem>> -> memref<128xi32, #tpu.memory_space<vmem>>
      %dma_start3A_190 = arith.constant 0 : i32
      %dma_start3A_191 = arith.constant 0 : i32
      %dma_start3A_192 = tpu.memref_slice %arg3[%scan3A_28, %dma_start3A_190, %dma_start3A_191] : memref<26x100000x32xf32, #tpu.memory_space<hbm>> -> memref<1x100000x32xf32, #tpu.memory_space<hbm>>
      %dma_start3A_193 = tpu.memref_squeeze %dma_start3A_192 : memref<1x100000x32xf32, #tpu.memory_space<hbm>> -> memref<100000x32xf32, #tpu.memory_space<hbm>>
      %dma_start3A_194 = arith.constant 0 : i32
      %dma_start3A_195 = arith.constant 0 : i32
      %dma_start3A_196 = tpu.memref_slice %dma_start3A_193[%dma_start3A_194, %dma_start3A_195] : memref<100000x32xf32, #tpu.memory_space<hbm>> -> memref<100000x32xf32, #tpu.memory_space<hbm>>
      %dma_start3A_197 = tpu.memref_slice %arg8[%dma_start3A_182] : memref<20x!tpu.dma_semaphore, #tpu.memory_space<semaphore_mem>> -> memref<1x!tpu.dma_semaphore, #tpu.memory_space<semaphore_mem>>
      %dma_start3A_198 = tpu.memref_squeeze %dma_start3A_197 : memref<1x!tpu.dma_semaphore, #tpu.memory_space<semaphore_mem>> -> memref<!tpu.dma_semaphore, #tpu.memory_space<semaphore_mem>>
      tpu.enqueue_indirect_dma source(%dma_start3A_196 : memref<100000x32xf32, #tpu.memory_space<hbm>>) target(%dma_start3A_186 : memref<128x32xf32, #tpu.memory_space<vmem>>) offsets(%dma_start3A_189 : memref<128xi32, #tpu.memory_space<vmem>>) semaphore(%dma_start3A_198 : memref<!tpu.dma_semaphore, #tpu.memory_space<semaphore_mem>>)
      %dma_start3A_199 = arith.constant 9 : i32
      %dma_start3A_200 = arith.constant 9 : i32
      %dma_start3A_201 = arith.constant 9 : i32
      %dma_start3A_202 = arith.constant 0 : i32
      %dma_start3A_203 = arith.constant 0 : i32
      %dma_start3A_204 = tpu.memref_slice %arg6[%dma_start3A_200, %dma_start3A_202, %dma_start3A_203] : memref<20x128x32xf32, #tpu.memory_space<vmem>> -> memref<1x128x32xf32, #tpu.memory_space<vmem>>
      %dma_start3A_205 = tpu.memref_squeeze %dma_start3A_204 : memref<1x128x32xf32, #tpu.memory_space<vmem>> -> memref<128x32xf32, #tpu.memory_space<vmem>>
      %dma_start3A_206 = arith.constant 0 : i32
      %dma_start3A_207 = tpu.memref_slice %arg5[%dma_start3A_199, %dma_start3A_206] : memref<20x128xi32, #tpu.memory_space<vmem>> -> memref<1x128xi32, #tpu.memory_space<vmem>>
      %dma_start3A_208 = tpu.memref_squeeze %dma_start3A_207 : memref<1x128xi32, #tpu.memory_space<vmem>> -> memref<128xi32, #tpu.memory_space<vmem>>
      %dma_start3A_209 = arith.constant 0 : i32
      %dma_start3A_210 = arith.constant 0 : i32
      %dma_start3A_211 = tpu.memref_slice %arg3[%scan3A_28, %dma_start3A_209, %dma_start3A_210] : memref<26x100000x32xf32, #tpu.memory_space<hbm>> -> memref<1x100000x32xf32, #tpu.memory_space<hbm>>
      %dma_start3A_212 = tpu.memref_squeeze %dma_start3A_211 : memref<1x100000x32xf32, #tpu.memory_space<hbm>> -> memref<100000x32xf32, #tpu.memory_space<hbm>>
      %dma_start3A_213 = arith.constant 0 : i32
      %dma_start3A_214 = arith.constant 0 : i32
      %dma_start3A_215 = tpu.memref_slice %dma_start3A_212[%dma_start3A_213, %dma_start3A_214] : memref<100000x32xf32, #tpu.memory_space<hbm>> -> memref<100000x32xf32, #tpu.memory_space<hbm>>
      %dma_start3A_216 = tpu.memref_slice %arg8[%dma_start3A_201] : memref<20x!tpu.dma_semaphore, #tpu.memory_space<semaphore_mem>> -> memref<1x!tpu.dma_semaphore, #tpu.memory_space<semaphore_mem>>
      %dma_start3A_217 = tpu.memref_squeeze %dma_start3A_216 : memref<1x!tpu.dma_semaphore, #tpu.memory_space<semaphore_mem>> -> memref<!tpu.dma_semaphore, #tpu.memory_space<semaphore_mem>>
      tpu.enqueue_indirect_dma source(%dma_start3A_215 : memref<100000x32xf32, #tpu.memory_space<hbm>>) target(%dma_start3A_205 : memref<128x32xf32, #tpu.memory_space<vmem>>) offsets(%dma_start3A_208 : memref<128xi32, #tpu.memory_space<vmem>>) semaphore(%dma_start3A_217 : memref<!tpu.dma_semaphore, #tpu.memory_space<semaphore_mem>>)
      %dma_start3A_218 = arith.constant 10 : i32
      %dma_start3A_219 = arith.constant 10 : i32
      %dma_start3A_220 = arith.constant 10 : i32
      %dma_start3A_221 = arith.constant 0 : i32
      %dma_start3A_222 = arith.constant 0 : i32
      %dma_start3A_223 = tpu.memref_slice %arg6[%dma_start3A_219, %dma_start3A_221, %dma_start3A_222] : memref<20x128x32xf32, #tpu.memory_space<vmem>> -> memref<1x128x32xf32, #tpu.memory_space<vmem>>
      %dma_start3A_224 = tpu.memref_squeeze %dma_start3A_223 : memref<1x128x32xf32, #tpu.memory_space<vmem>> -> memref<128x32xf32, #tpu.memory_space<vmem>>
      %dma_start3A_225 = arith.constant 0 : i32
      %dma_start3A_226 = tpu.memref_slice %arg5[%dma_start3A_218, %dma_start3A_225] : memref<20x128xi32, #tpu.memory_space<vmem>> -> memref<1x128xi32, #tpu.memory_space<vmem>>
      %dma_start3A_227 = tpu.memref_squeeze %dma_start3A_226 : memref<1x128xi32, #tpu.memory_space<vmem>> -> memref<128xi32, #tpu.memory_space<vmem>>
      %dma_start3A_228 = arith.constant 0 : i32
      %dma_start3A_229 = arith.constant 0 : i32
      %dma_start3A_230 = tpu.memref_slice %arg3[%scan3A_28, %dma_start3A_228, %dma_start3A_229] : memref<26x100000x32xf32, #tpu.memory_space<hbm>> -> memref<1x100000x32xf32, #tpu.memory_space<hbm>>
      %dma_start3A_231 = tpu.memref_squeeze %dma_start3A_230 : memref<1x100000x32xf32, #tpu.memory_space<hbm>> -> memref<100000x32xf32, #tpu.memory_space<hbm>>
      %dma_start3A_232 = arith.constant 0 : i32
      %dma_start3A_233 = arith.constant 0 : i32
      %dma_start3A_234 = tpu.memref_slice %dma_start3A_231[%dma_start3A_232, %dma_start3A_233] : memref<100000x32xf32, #tpu.memory_space<hbm>> -> memref<100000x32xf32, #tpu.memory_space<hbm>>
      %dma_start3A_235 = tpu.memref_slice %arg8[%dma_start3A_220] : memref<20x!tpu.dma_semaphore, #tpu.memory_space<semaphore_mem>> -> memref<1x!tpu.dma_semaphore, #tpu.memory_space<semaphore_mem>>
      %dma_start3A_236 = tpu.memref_squeeze %dma_start3A_235 : memref<1x!tpu.dma_semaphore, #tpu.memory_space<semaphore_mem>> -> memref<!tpu.dma_semaphore, #tpu.memory_space<semaphore_mem>>
      tpu.enqueue_indirect_dma source(%dma_start3A_234 : memref<100000x32xf32, #tpu.memory_space<hbm>>) target(%dma_start3A_224 : memref<128x32xf32, #tpu.memory_space<vmem>>) offsets(%dma_start3A_227 : memref<128xi32, #tpu.memory_space<vmem>>) semaphore(%dma_start3A_236 : memref<!tpu.dma_semaphore, #tpu.memory_space<semaphore_mem>>)
      %dma_start3A_237 = arith.constant 11 : i32
      %dma_start3A_238 = arith.constant 11 : i32
      %dma_start3A_239 = arith.constant 11 : i32
      %dma_start3A_240 = arith.constant 0 : i32
      %dma_start3A_241 = arith.constant 0 : i32
      %dma_start3A_242 = tpu.memref_slice %arg6[%dma_start3A_238, %dma_start3A_240, %dma_start3A_241] : memref<20x128x32xf32, #tpu.memory_space<vmem>> -> memref<1x128x32xf32, #tpu.memory_space<vmem>>
      %dma_start3A_243 = tpu.memref_squeeze %dma_start3A_242 : memref<1x128x32xf32, #tpu.memory_space<vmem>> -> memref<128x32xf32, #tpu.memory_space<vmem>>
      %dma_start3A_244 = arith.constant 0 : i32
      %dma_start3A_245 = tpu.memref_slice %arg5[%dma_start3A_237, %dma_start3A_244] : memref<20x128xi32, #tpu.memory_space<vmem>> -> memref<1x128xi32, #tpu.memory_space<vmem>>
      %dma_start3A_246 = tpu.memref_squeeze %dma_start3A_245 : memref<1x128xi32, #tpu.memory_space<vmem>> -> memref<128xi32, #tpu.memory_space<vmem>>
      %dma_start3A_247 = arith.constant 0 : i32
      %dma_start3A_248 = arith.constant 0 : i32
      %dma_start3A_249 = tpu.memref_slice %arg3[%scan3A_28, %dma_start3A_247, %dma_start3A_248] : memref<26x100000x32xf32, #tpu.memory_space<hbm>> -> memref<1x100000x32xf32, #tpu.memory_space<hbm>>
      %dma_start3A_250 = tpu.memref_squeeze %dma_start3A_249 : memref<1x100000x32xf32, #tpu.memory_space<hbm>> -> memref<100000x32xf32, #tpu.memory_space<hbm>>
      %dma_start3A_251 = arith.constant 0 : i32
      %dma_start3A_252 = arith.constant 0 : i32
      %dma_start3A_253 = tpu.memref_slice %dma_start3A_250[%dma_start3A_251, %dma_start3A_252] : memref<100000x32xf32, #tpu.memory_space<hbm>> -> memref<100000x32xf32, #tpu.memory_space<hbm>>
      %dma_start3A_254 = tpu.memref_slice %arg8[%dma_start3A_239] : memref<20x!tpu.dma_semaphore, #tpu.memory_space<semaphore_mem>> -> memref<1x!tpu.dma_semaphore, #tpu.memory_space<semaphore_mem>>
      %dma_start3A_255 = tpu.memref_squeeze %dma_start3A_254 : memref<1x!tpu.dma_semaphore, #tpu.memory_space<semaphore_mem>> -> memref<!tpu.dma_semaphore, #tpu.memory_space<semaphore_mem>>
      tpu.enqueue_indirect_dma source(%dma_start3A_253 : memref<100000x32xf32, #tpu.memory_space<hbm>>) target(%dma_start3A_243 : memref<128x32xf32, #tpu.memory_space<vmem>>) offsets(%dma_start3A_246 : memref<128xi32, #tpu.memory_space<vmem>>) semaphore(%dma_start3A_255 : memref<!tpu.dma_semaphore, #tpu.memory_space<semaphore_mem>>)
      %dma_start3A_256 = arith.constant 12 : i32
      %dma_start3A_257 = arith.constant 12 : i32
      %dma_start3A_258 = arith.constant 12 : i32
      %dma_start3A_259 = arith.constant 0 : i32
      %dma_start3A_260 = arith.constant 0 : i32
      %dma_start3A_261 = tpu.memref_slice %arg6[%dma_start3A_257, %dma_start3A_259, %dma_start3A_260] : memref<20x128x32xf32, #tpu.memory_space<vmem>> -> memref<1x128x32xf32, #tpu.memory_space<vmem>>
      %dma_start3A_262 = tpu.memref_squeeze %dma_start3A_261 : memref<1x128x32xf32, #tpu.memory_space<vmem>> -> memref<128x32xf32, #tpu.memory_space<vmem>>
      %dma_start3A_263 = arith.constant 0 : i32
      %dma_start3A_264 = tpu.memref_slice %arg5[%dma_start3A_256, %dma_start3A_263] : memref<20x128xi32, #tpu.memory_space<vmem>> -> memref<1x128xi32, #tpu.memory_space<vmem>>
      %dma_start3A_265 = tpu.memref_squeeze %dma_start3A_264 : memref<1x128xi32, #tpu.memory_space<vmem>> -> memref<128xi32, #tpu.memory_space<vmem>>
      %dma_start3A_266 = arith.constant 0 : i32
      %dma_start3A_267 = arith.constant 0 : i32
      %dma_start3A_268 = tpu.memref_slice %arg3[%scan3A_28, %dma_start3A_266, %dma_start3A_267] : memref<26x100000x32xf32, #tpu.memory_space<hbm>> -> memref<1x100000x32xf32, #tpu.memory_space<hbm>>
      %dma_start3A_269 = tpu.memref_squeeze %dma_start3A_268 : memref<1x100000x32xf32, #tpu.memory_space<hbm>> -> memref<100000x32xf32, #tpu.memory_space<hbm>>
      %dma_start3A_270 = arith.constant 0 : i32
      %dma_start3A_271 = arith.constant 0 : i32
      %dma_start3A_272 = tpu.memref_slice %dma_start3A_269[%dma_start3A_270, %dma_start3A_271] : memref<100000x32xf32, #tpu.memory_space<hbm>> -> memref<100000x32xf32, #tpu.memory_space<hbm>>
      %dma_start3A_273 = tpu.memref_slice %arg8[%dma_start3A_258] : memref<20x!tpu.dma_semaphore, #tpu.memory_space<semaphore_mem>> -> memref<1x!tpu.dma_semaphore, #tpu.memory_space<semaphore_mem>>
      %dma_start3A_274 = tpu.memref_squeeze %dma_start3A_273 : memref<1x!tpu.dma_semaphore, #tpu.memory_space<semaphore_mem>> -> memref<!tpu.dma_semaphore, #tpu.memory_space<semaphore_mem>>
      tpu.enqueue_indirect_dma source(%dma_start3A_272 : memref<100000x32xf32, #tpu.memory_space<hbm>>) target(%dma_start3A_262 : memref<128x32xf32, #tpu.memory_space<vmem>>) offsets(%dma_start3A_265 : memref<128xi32, #tpu.memory_space<vmem>>) semaphore(%dma_start3A_274 : memref<!tpu.dma_semaphore, #tpu.memory_space<semaphore_mem>>)
      %dma_start3A_275 = arith.constant 13 : i32
      %dma_start3A_276 = arith.constant 13 : i32
      %dma_start3A_277 = arith.constant 13 : i32
      %dma_start3A_278 = arith.constant 0 : i32
      %dma_start3A_279 = arith.constant 0 : i32
      %dma_start3A_280 = tpu.memref_slice %arg6[%dma_start3A_276, %dma_start3A_278, %dma_start3A_279] : memref<20x128x32xf32, #tpu.memory_space<vmem>> -> memref<1x128x32xf32, #tpu.memory_space<vmem>>
      %dma_start3A_281 = tpu.memref_squeeze %dma_start3A_280 : memref<1x128x32xf32, #tpu.memory_space<vmem>> -> memref<128x32xf32, #tpu.memory_space<vmem>>
      %dma_start3A_282 = arith.constant 0 : i32
      %dma_start3A_283 = tpu.memref_slice %arg5[%dma_start3A_275, %dma_start3A_282] : memref<20x128xi32, #tpu.memory_space<vmem>> -> memref<1x128xi32, #tpu.memory_space<vmem>>
      %dma_start3A_284 = tpu.memref_squeeze %dma_start3A_283 : memref<1x128xi32, #tpu.memory_space<vmem>> -> memref<128xi32, #tpu.memory_space<vmem>>
      %dma_start3A_285 = arith.constant 0 : i32
      %dma_start3A_286 = arith.constant 0 : i32
      %dma_start3A_287 = tpu.memref_slice %arg3[%scan3A_28, %dma_start3A_285, %dma_start3A_286] : memref<26x100000x32xf32, #tpu.memory_space<hbm>> -> memref<1x100000x32xf32, #tpu.memory_space<hbm>>
      %dma_start3A_288 = tpu.memref_squeeze %dma_start3A_287 : memref<1x100000x32xf32, #tpu.memory_space<hbm>> -> memref<100000x32xf32, #tpu.memory_space<hbm>>
      %dma_start3A_289 = arith.constant 0 : i32
      %dma_start3A_290 = arith.constant 0 : i32
      %dma_start3A_291 = tpu.memref_slice %dma_start3A_288[%dma_start3A_289, %dma_start3A_290] : memref<100000x32xf32, #tpu.memory_space<hbm>> -> memref<100000x32xf32, #tpu.memory_space<hbm>>
      %dma_start3A_292 = tpu.memref_slice %arg8[%dma_start3A_277] : memref<20x!tpu.dma_semaphore, #tpu.memory_space<semaphore_mem>> -> memref<1x!tpu.dma_semaphore, #tpu.memory_space<semaphore_mem>>
      %dma_start3A_293 = tpu.memref_squeeze %dma_start3A_292 : memref<1x!tpu.dma_semaphore, #tpu.memory_space<semaphore_mem>> -> memref<!tpu.dma_semaphore, #tpu.memory_space<semaphore_mem>>
      tpu.enqueue_indirect_dma source(%dma_start3A_291 : memref<100000x32xf32, #tpu.memory_space<hbm>>) target(%dma_start3A_281 : memref<128x32xf32, #tpu.memory_space<vmem>>) offsets(%dma_start3A_284 : memref<128xi32, #tpu.memory_space<vmem>>) semaphore(%dma_start3A_293 : memref<!tpu.dma_semaphore, #tpu.memory_space<semaphore_mem>>)
      %dma_start3A_294 = arith.constant 14 : i32
      %dma_start3A_295 = arith.constant 14 : i32
      %dma_start3A_296 = arith.constant 14 : i32
      %dma_start3A_297 = arith.constant 0 : i32
      %dma_start3A_298 = arith.constant 0 : i32
      %dma_start3A_299 = tpu.memref_slice %arg6[%dma_start3A_295, %dma_start3A_297, %dma_start3A_298] : memref<20x128x32xf32, #tpu.memory_space<vmem>> -> memref<1x128x32xf32, #tpu.memory_space<vmem>>
      %dma_start3A_300 = tpu.memref_squeeze %dma_start3A_299 : memref<1x128x32xf32, #tpu.memory_space<vmem>> -> memref<128x32xf32, #tpu.memory_space<vmem>>
      %dma_start3A_301 = arith.constant 0 : i32
      %dma_start3A_302 = tpu.memref_slice %arg5[%dma_start3A_294, %dma_start3A_301] : memref<20x128xi32, #tpu.memory_space<vmem>> -> memref<1x128xi32, #tpu.memory_space<vmem>>
      %dma_start3A_303 = tpu.memref_squeeze %dma_start3A_302 : memref<1x128xi32, #tpu.memory_space<vmem>> -> memref<128xi32, #tpu.memory_space<vmem>>
      %dma_start3A_304 = arith.constant 0 : i32
      %dma_start3A_305 = arith.constant 0 : i32
      %dma_start3A_306 = tpu.memref_slice %arg3[%scan3A_28, %dma_start3A_304, %dma_start3A_305] : memref<26x100000x32xf32, #tpu.memory_space<hbm>> -> memref<1x100000x32xf32, #tpu.memory_space<hbm>>
      %dma_start3A_307 = tpu.memref_squeeze %dma_start3A_306 : memref<1x100000x32xf32, #tpu.memory_space<hbm>> -> memref<100000x32xf32, #tpu.memory_space<hbm>>
      %dma_start3A_308 = arith.constant 0 : i32
      %dma_start3A_309 = arith.constant 0 : i32
      %dma_start3A_310 = tpu.memref_slice %dma_start3A_307[%dma_start3A_308, %dma_start3A_309] : memref<100000x32xf32, #tpu.memory_space<hbm>> -> memref<100000x32xf32, #tpu.memory_space<hbm>>
      %dma_start3A_311 = tpu.memref_slice %arg8[%dma_start3A_296] : memref<20x!tpu.dma_semaphore, #tpu.memory_space<semaphore_mem>> -> memref<1x!tpu.dma_semaphore, #tpu.memory_space<semaphore_mem>>
      %dma_start3A_312 = tpu.memref_squeeze %dma_start3A_311 : memref<1x!tpu.dma_semaphore, #tpu.memory_space<semaphore_mem>> -> memref<!tpu.dma_semaphore, #tpu.memory_space<semaphore_mem>>
      tpu.enqueue_indirect_dma source(%dma_start3A_310 : memref<100000x32xf32, #tpu.memory_space<hbm>>) target(%dma_start3A_300 : memref<128x32xf32, #tpu.memory_space<vmem>>) offsets(%dma_start3A_303 : memref<128xi32, #tpu.memory_space<vmem>>) semaphore(%dma_start3A_312 : memref<!tpu.dma_semaphore, #tpu.memory_space<semaphore_mem>>)
      %dma_start3A_313 = arith.constant 15 : i32
      %dma_start3A_314 = arith.constant 15 : i32
      %dma_start3A_315 = arith.constant 15 : i32
      %dma_start3A_316 = arith.constant 0 : i32
      %dma_start3A_317 = arith.constant 0 : i32
      %dma_start3A_318 = tpu.memref_slice %arg6[%dma_start3A_314, %dma_start3A_316, %dma_start3A_317] : memref<20x128x32xf32, #tpu.memory_space<vmem>> -> memref<1x128x32xf32, #tpu.memory_space<vmem>>
      %dma_start3A_319 = tpu.memref_squeeze %dma_start3A_318 : memref<1x128x32xf32, #tpu.memory_space<vmem>> -> memref<128x32xf32, #tpu.memory_space<vmem>>
      %dma_start3A_320 = arith.constant 0 : i32
      %dma_start3A_321 = tpu.memref_slice %arg5[%dma_start3A_313, %dma_start3A_320] : memref<20x128xi32, #tpu.memory_space<vmem>> -> memref<1x128xi32, #tpu.memory_space<vmem>>
      %dma_start3A_322 = tpu.memref_squeeze %dma_start3A_321 : memref<1x128xi32, #tpu.memory_space<vmem>> -> memref<128xi32, #tpu.memory_space<vmem>>
      %dma_start3A_323 = arith.constant 0 : i32
      %dma_start3A_324 = arith.constant 0 : i32
      %dma_start3A_325 = tpu.memref_slice %arg3[%scan3A_28, %dma_start3A_323, %dma_start3A_324] : memref<26x100000x32xf32, #tpu.memory_space<hbm>> -> memref<1x100000x32xf32, #tpu.memory_space<hbm>>
      %dma_start3A_326 = tpu.memref_squeeze %dma_start3A_325 : memref<1x100000x32xf32, #tpu.memory_space<hbm>> -> memref<100000x32xf32, #tpu.memory_space<hbm>>
      %dma_start3A_327 = arith.constant 0 : i32
      %dma_start3A_328 = arith.constant 0 : i32
      %dma_start3A_329 = tpu.memref_slice %dma_start3A_326[%dma_start3A_327, %dma_start3A_328] : memref<100000x32xf32, #tpu.memory_space<hbm>> -> memref<100000x32xf32, #tpu.memory_space<hbm>>
      %dma_start3A_330 = tpu.memref_slice %arg8[%dma_start3A_315] : memref<20x!tpu.dma_semaphore, #tpu.memory_space<semaphore_mem>> -> memref<1x!tpu.dma_semaphore, #tpu.memory_space<semaphore_mem>>
      %dma_start3A_331 = tpu.memref_squeeze %dma_start3A_330 : memref<1x!tpu.dma_semaphore, #tpu.memory_space<semaphore_mem>> -> memref<!tpu.dma_semaphore, #tpu.memory_space<semaphore_mem>>
      tpu.enqueue_indirect_dma source(%dma_start3A_329 : memref<100000x32xf32, #tpu.memory_space<hbm>>) target(%dma_start3A_319 : memref<128x32xf32, #tpu.memory_space<vmem>>) offsets(%dma_start3A_322 : memref<128xi32, #tpu.memory_space<vmem>>) semaphore(%dma_start3A_331 : memref<!tpu.dma_semaphore, #tpu.memory_space<semaphore_mem>>)
      %dma_start3A_332 = arith.constant 16 : i32
      %dma_start3A_333 = arith.constant 16 : i32
      %dma_start3A_334 = arith.constant 16 : i32
      %dma_start3A_335 = arith.constant 0 : i32
      %dma_start3A_336 = arith.constant 0 : i32
      %dma_start3A_337 = tpu.memref_slice %arg6[%dma_start3A_333, %dma_start3A_335, %dma_start3A_336] : memref<20x128x32xf32, #tpu.memory_space<vmem>> -> memref<1x128x32xf32, #tpu.memory_space<vmem>>
      %dma_start3A_338 = tpu.memref_squeeze %dma_start3A_337 : memref<1x128x32xf32, #tpu.memory_space<vmem>> -> memref<128x32xf32, #tpu.memory_space<vmem>>
      %dma_start3A_339 = arith.constant 0 : i32
      %dma_start3A_340 = tpu.memref_slice %arg5[%dma_start3A_332, %dma_start3A_339] : memref<20x128xi32, #tpu.memory_space<vmem>> -> memref<1x128xi32, #tpu.memory_space<vmem>>
      %dma_start3A_341 = tpu.memref_squeeze %dma_start3A_340 : memref<1x128xi32, #tpu.memory_space<vmem>> -> memref<128xi32, #tpu.memory_space<vmem>>
      %dma_start3A_342 = arith.constant 0 : i32
      %dma_start3A_343 = arith.constant 0 : i32
      %dma_start3A_344 = tpu.memref_slice %arg3[%scan3A_28, %dma_start3A_342, %dma_start3A_343] : memref<26x100000x32xf32, #tpu.memory_space<hbm>> -> memref<1x100000x32xf32, #tpu.memory_space<hbm>>
      %dma_start3A_345 = tpu.memref_squeeze %dma_start3A_344 : memref<1x100000x32xf32, #tpu.memory_space<hbm>> -> memref<100000x32xf32, #tpu.memory_space<hbm>>
      %dma_start3A_346 = arith.constant 0 : i32
      %dma_start3A_347 = arith.constant 0 : i32
      %dma_start3A_348 = tpu.memref_slice %dma_start3A_345[%dma_start3A_346, %dma_start3A_347] : memref<100000x32xf32, #tpu.memory_space<hbm>> -> memref<100000x32xf32, #tpu.memory_space<hbm>>
      %dma_start3A_349 = tpu.memref_slice %arg8[%dma_start3A_334] : memref<20x!tpu.dma_semaphore, #tpu.memory_space<semaphore_mem>> -> memref<1x!tpu.dma_semaphore, #tpu.memory_space<semaphore_mem>>
      %dma_start3A_350 = tpu.memref_squeeze %dma_start3A_349 : memref<1x!tpu.dma_semaphore, #tpu.memory_space<semaphore_mem>> -> memref<!tpu.dma_semaphore, #tpu.memory_space<semaphore_mem>>
      tpu.enqueue_indirect_dma source(%dma_start3A_348 : memref<100000x32xf32, #tpu.memory_space<hbm>>) target(%dma_start3A_338 : memref<128x32xf32, #tpu.memory_space<vmem>>) offsets(%dma_start3A_341 : memref<128xi32, #tpu.memory_space<vmem>>) semaphore(%dma_start3A_350 : memref<!tpu.dma_semaphore, #tpu.memory_space<semaphore_mem>>)
      %dma_start3A_351 = arith.constant 17 : i32
      %dma_start3A_352 = arith.constant 17 : i32
      %dma_start3A_353 = arith.constant 17 : i32
      %dma_start3A_354 = arith.constant 0 : i32
      %dma_start3A_355 = arith.constant 0 : i32
      %dma_start3A_356 = tpu.memref_slice %arg6[%dma_start3A_352, %dma_start3A_354, %dma_start3A_355] : memref<20x128x32xf32, #tpu.memory_space<vmem>> -> memref<1x128x32xf32, #tpu.memory_space<vmem>>
      %dma_start3A_357 = tpu.memref_squeeze %dma_start3A_356 : memref<1x128x32xf32, #tpu.memory_space<vmem>> -> memref<128x32xf32, #tpu.memory_space<vmem>>
      %dma_start3A_358 = arith.constant 0 : i32
      %dma_start3A_359 = tpu.memref_slice %arg5[%dma_start3A_351, %dma_start3A_358] : memref<20x128xi32, #tpu.memory_space<vmem>> -> memref<1x128xi32, #tpu.memory_space<vmem>>
      %dma_start3A_360 = tpu.memref_squeeze %dma_start3A_359 : memref<1x128xi32, #tpu.memory_space<vmem>> -> memref<128xi32, #tpu.memory_space<vmem>>
      %dma_start3A_361 = arith.constant 0 : i32
      %dma_start3A_362 = arith.constant 0 : i32
      %dma_start3A_363 = tpu.memref_slice %arg3[%scan3A_28, %dma_start3A_361, %dma_start3A_362] : memref<26x100000x32xf32, #tpu.memory_space<hbm>> -> memref<1x100000x32xf32, #tpu.memory_space<hbm>>
      %dma_start3A_364 = tpu.memref_squeeze %dma_start3A_363 : memref<1x100000x32xf32, #tpu.memory_space<hbm>> -> memref<100000x32xf32, #tpu.memory_space<hbm>>
      %dma_start3A_365 = arith.constant 0 : i32
      %dma_start3A_366 = arith.constant 0 : i32
      %dma_start3A_367 = tpu.memref_slice %dma_start3A_364[%dma_start3A_365, %dma_start3A_366] : memref<100000x32xf32, #tpu.memory_space<hbm>> -> memref<100000x32xf32, #tpu.memory_space<hbm>>
      %dma_start3A_368 = tpu.memref_slice %arg8[%dma_start3A_353] : memref<20x!tpu.dma_semaphore, #tpu.memory_space<semaphore_mem>> -> memref<1x!tpu.dma_semaphore, #tpu.memory_space<semaphore_mem>>
      %dma_start3A_369 = tpu.memref_squeeze %dma_start3A_368 : memref<1x!tpu.dma_semaphore, #tpu.memory_space<semaphore_mem>> -> memref<!tpu.dma_semaphore, #tpu.memory_space<semaphore_mem>>
      tpu.enqueue_indirect_dma source(%dma_start3A_367 : memref<100000x32xf32, #tpu.memory_space<hbm>>) target(%dma_start3A_357 : memref<128x32xf32, #tpu.memory_space<vmem>>) offsets(%dma_start3A_360 : memref<128xi32, #tpu.memory_space<vmem>>) semaphore(%dma_start3A_369 : memref<!tpu.dma_semaphore, #tpu.memory_space<semaphore_mem>>)
      %dma_start3A_370 = arith.constant 18 : i32
      %dma_start3A_371 = arith.constant 18 : i32
      %dma_start3A_372 = arith.constant 18 : i32
      %dma_start3A_373 = arith.constant 0 : i32
      %dma_start3A_374 = arith.constant 0 : i32
      %dma_start3A_375 = tpu.memref_slice %arg6[%dma_start3A_371, %dma_start3A_373, %dma_start3A_374] : memref<20x128x32xf32, #tpu.memory_space<vmem>> -> memref<1x128x32xf32, #tpu.memory_space<vmem>>
      %dma_start3A_376 = tpu.memref_squeeze %dma_start3A_375 : memref<1x128x32xf32, #tpu.memory_space<vmem>> -> memref<128x32xf32, #tpu.memory_space<vmem>>
      %dma_start3A_377 = arith.constant 0 : i32
      %dma_start3A_378 = tpu.memref_slice %arg5[%dma_start3A_370, %dma_start3A_377] : memref<20x128xi32, #tpu.memory_space<vmem>> -> memref<1x128xi32, #tpu.memory_space<vmem>>
      %dma_start3A_379 = tpu.memref_squeeze %dma_start3A_378 : memref<1x128xi32, #tpu.memory_space<vmem>> -> memref<128xi32, #tpu.memory_space<vmem>>
      %dma_start3A_380 = arith.constant 0 : i32
      %dma_start3A_381 = arith.constant 0 : i32
      %dma_start3A_382 = tpu.memref_slice %arg3[%scan3A_28, %dma_start3A_380, %dma_start3A_381] : memref<26x100000x32xf32, #tpu.memory_space<hbm>> -> memref<1x100000x32xf32, #tpu.memory_space<hbm>>
      %dma_start3A_383 = tpu.memref_squeeze %dma_start3A_382 : memref<1x100000x32xf32, #tpu.memory_space<hbm>> -> memref<100000x32xf32, #tpu.memory_space<hbm>>
      %dma_start3A_384 = arith.constant 0 : i32
      %dma_start3A_385 = arith.constant 0 : i32
      %dma_start3A_386 = tpu.memref_slice %dma_start3A_383[%dma_start3A_384, %dma_start3A_385] : memref<100000x32xf32, #tpu.memory_space<hbm>> -> memref<100000x32xf32, #tpu.memory_space<hbm>>
      %dma_start3A_387 = tpu.memref_slice %arg8[%dma_start3A_372] : memref<20x!tpu.dma_semaphore, #tpu.memory_space<semaphore_mem>> -> memref<1x!tpu.dma_semaphore, #tpu.memory_space<semaphore_mem>>
      %dma_start3A_388 = tpu.memref_squeeze %dma_start3A_387 : memref<1x!tpu.dma_semaphore, #tpu.memory_space<semaphore_mem>> -> memref<!tpu.dma_semaphore, #tpu.memory_space<semaphore_mem>>
      tpu.enqueue_indirect_dma source(%dma_start3A_386 : memref<100000x32xf32, #tpu.memory_space<hbm>>) target(%dma_start3A_376 : memref<128x32xf32, #tpu.memory_space<vmem>>) offsets(%dma_start3A_379 : memref<128xi32, #tpu.memory_space<vmem>>) semaphore(%dma_start3A_388 : memref<!tpu.dma_semaphore, #tpu.memory_space<semaphore_mem>>)
      %dma_start3A_389 = arith.constant 19 : i32
      %dma_start3A_390 = arith.constant 19 : i32
      %dma_start3A_391 = arith.constant 19 : i32
      %dma_start3A_392 = arith.constant 0 : i32
      %dma_start3A_393 = arith.constant 0 : i32
      %dma_start3A_394 = tpu.memref_slice %arg6[%dma_start3A_390, %dma_start3A_392, %dma_start3A_393] : memref<20x128x32xf32, #tpu.memory_space<vmem>> -> memref<1x128x32xf32, #tpu.memory_space<vmem>>
      %dma_start3A_395 = tpu.memref_squeeze %dma_start3A_394 : memref<1x128x32xf32, #tpu.memory_space<vmem>> -> memref<128x32xf32, #tpu.memory_space<vmem>>
      %dma_start3A_396 = arith.constant 0 : i32
      %dma_start3A_397 = tpu.memref_slice %arg5[%dma_start3A_389, %dma_start3A_396] : memref<20x128xi32, #tpu.memory_space<vmem>> -> memref<1x128xi32, #tpu.memory_space<vmem>>
      %dma_start3A_398 = tpu.memref_squeeze %dma_start3A_397 : memref<1x128xi32, #tpu.memory_space<vmem>> -> memref<128xi32, #tpu.memory_space<vmem>>
      %dma_start3A_399 = arith.constant 0 : i32
      %dma_start3A_400 = arith.constant 0 : i32
      %dma_start3A_401 = tpu.memref_slice %arg3[%scan3A_28, %dma_start3A_399, %dma_start3A_400] : memref<26x100000x32xf32, #tpu.memory_space<hbm>> -> memref<1x100000x32xf32, #tpu.memory_space<hbm>>
      %dma_start3A_402 = tpu.memref_squeeze %dma_start3A_401 : memref<1x100000x32xf32, #tpu.memory_space<hbm>> -> memref<100000x32xf32, #tpu.memory_space<hbm>>
      %dma_start3A_403 = arith.constant 0 : i32
      %dma_start3A_404 = arith.constant 0 : i32
      %dma_start3A_405 = tpu.memref_slice %dma_start3A_402[%dma_start3A_403, %dma_start3A_404] : memref<100000x32xf32, #tpu.memory_space<hbm>> -> memref<100000x32xf32, #tpu.memory_space<hbm>>
      %dma_start3A_406 = tpu.memref_slice %arg8[%dma_start3A_391] : memref<20x!tpu.dma_semaphore, #tpu.memory_space<semaphore_mem>> -> memref<1x!tpu.dma_semaphore, #tpu.memory_space<semaphore_mem>>
      %dma_start3A_407 = tpu.memref_squeeze %dma_start3A_406 : memref<1x!tpu.dma_semaphore, #tpu.memory_space<semaphore_mem>> -> memref<!tpu.dma_semaphore, #tpu.memory_space<semaphore_mem>>
      tpu.enqueue_indirect_dma source(%dma_start3A_405 : memref<100000x32xf32, #tpu.memory_space<hbm>>) target(%dma_start3A_395 : memref<128x32xf32, #tpu.memory_space<vmem>>) offsets(%dma_start3A_398 : memref<128xi32, #tpu.memory_space<vmem>>) semaphore(%dma_start3A_407 : memref<!tpu.dma_semaphore, #tpu.memory_space<semaphore_mem>>)
      %scan3A_408 = arith.constant 0 : i32
      %scan3A_409 = arith.constant 0 : i32
      %scan3A_410 = arith.constant 20 : i32
      %scan3A_411 = arith.addi %scan3A_409, %scan3A_410 : i32
      %scan3A_412 = arith.constant 1 : i32
      scf.for %scan3A_465 = %scan3A_409 to %scan3A_411 step %scan3A_412  : i32 {
        %dma_wait3A_466 = arith.constant 0 : i32
        %dma_wait3A_467 = arith.constant 0 : i32
        %dma_wait3A_468 = arith.constant 0 : i32
        %dma_wait3A_469 = tpu.memref_slice %arg6[%dma_wait3A_466, %dma_wait3A_467, %dma_wait3A_468] : memref<20x128x32xf32, #tpu.memory_space<vmem>> -> memref<1x128x32xf32, #tpu.memory_space<vmem>>
        %dma_wait3A_470 = tpu.memref_squeeze %dma_wait3A_469 : memref<1x128x32xf32, #tpu.memory_space<vmem>> -> memref<128x32xf32, #tpu.memory_space<vmem>>
        %dma_wait3A_471 = arith.constant 0 : i32
        %dma_wait3A_472 = arith.constant 0 : i32
        %dma_wait3A_473 = tpu.memref_slice %arg3[%scan3A_28, %dma_wait3A_471, %dma_wait3A_472] : memref<26x100000x32xf32, #tpu.memory_space<hbm>> -> memref<1x128x32xf32, #tpu.memory_space<hbm>>
        %dma_wait3A_474 = tpu.memref_squeeze %dma_wait3A_473 : memref<1x128x32xf32, #tpu.memory_space<hbm>> -> memref<128x32xf32, #tpu.memory_space<hbm>>
        %dma_wait3A_475 = tpu.memref_slice %arg8[%scan3A_465] : memref<20x!tpu.dma_semaphore, #tpu.memory_space<semaphore_mem>> -> memref<1x!tpu.dma_semaphore, #tpu.memory_space<semaphore_mem>>
        %dma_wait3A_476 = tpu.memref_squeeze %dma_wait3A_475 : memref<1x!tpu.dma_semaphore, #tpu.memory_space<semaphore_mem>> -> memref<!tpu.dma_semaphore, #tpu.memory_space<semaphore_mem>>
        %dma_wait3A_477 = arith.constant 0 : i32
        %dma_wait3A_478 = arith.constant 0 : i32
        %dma_wait3A_479 = tpu.memref_slice %arg6[%dma_wait3A_466, %dma_wait3A_477, %dma_wait3A_478] : memref<20x128x32xf32, #tpu.memory_space<vmem>> -> memref<1x128x32xf32, #tpu.memory_space<vmem>>
        %dma_wait3A_480 = tpu.memref_squeeze %dma_wait3A_479 : memref<1x128x32xf32, #tpu.memory_space<vmem>> -> memref<128x32xf32, #tpu.memory_space<vmem>>
        %dma_wait3A_481 = arith.constant 0 : i32
        %dma_wait3A_482 = arith.constant 0 : i32
        %dma_wait3A_483 = tpu.memref_slice %arg3[%scan3A_28, %dma_wait3A_481, %dma_wait3A_482] : memref<26x100000x32xf32, #tpu.memory_space<hbm>> -> memref<1x128x32xf32, #tpu.memory_space<hbm>>
        %dma_wait3A_484 = tpu.memref_squeeze %dma_wait3A_483 : memref<1x128x32xf32, #tpu.memory_space<hbm>> -> memref<128x32xf32, #tpu.memory_space<hbm>>
        tpu.wait_dma2 semaphore(%dma_wait3A_476 : memref<!tpu.dma_semaphore, #tpu.memory_space<semaphore_mem>>) src(%dma_wait3A_484 : memref<128x32xf32, #tpu.memory_space<hbm>>) dst(%dma_wait3A_480 : memref<128x32xf32, #tpu.memory_space<vmem>>)
        %ge3A = arith.constant 2 : i32
        %ge3A_485 = arith.cmpi sge, %scan3A_465, %ge3A : i32
        %convert_element_type3A = arith.extui %ge3A_485 : i1 to i32
        %cond3A = arith.constant 0 : i32
        %cond3A_486 = arith.cmpi ne, %convert_element_type3A, %cond3A : i32
        scf.if %cond3A_486 {
          %jit3A_544 = arith.constant 2 : i32
          %eq3A_545 = arith.constant 0 : i32
          %eq3A_546 = arith.cmpi eq, %jit3A_544, %eq3A_545 : i32
          %jit3A_547 = arith.constant 1 : i32
          %select_n3A_548 = arith.select %eq3A_546, %jit3A_547, %jit3A_544 : i32
          %rem3A_549 = arith.remsi %scan3A_465, %select_n3A_548 : i32
          %ne3A_550 = arith.constant 0 : i32
          %ne3A_551 = arith.cmpi ne, %rem3A_549, %ne3A_550 : i32
          %lt3A_552 = arith.constant 0 : i32
          %lt3A_553 = arith.cmpi slt, %rem3A_549, %lt3A_552 : i32
          %lt3A_554 = arith.constant 0 : i32
          %lt3A_555 = arith.cmpi slt, %select_n3A_548, %lt3A_554 : i32
          %ne3A_556 = arith.xori %lt3A_553, %lt3A_555 : i1
          %and3A_557 = arith.andi %ne3A_556, %ne3A_551 : i1
          %add3A_558 = arith.addi %rem3A_549, %select_n3A_548 : i32
          %select_n3A_559 = arith.select %and3A_557, %add3A_558, %rem3A_549 : i32
          %dma_wait3A_560 = arith.constant 0 : i32
          %dma_wait3A_561 = arith.constant 0 : i32
          %dma_wait3A_562 = arith.constant 0 : i32
          %dma_wait3A_563 = arith.constant 0 : i32
          %dma_wait3A_564 = arith.constant 0 : i32
          %dma_wait3A_565 = arith.constant 0 : i32
          %dma_wait3A_566 = tpu.memref_slice %arg7[%dma_wait3A_560, %dma_wait3A_563, %dma_wait3A_564, %dma_wait3A_565] : memref<2x4x8x129xf32, #tpu.memory_space<vmem>> -> memref<1x4x8x128xf32, #tpu.memory_space<vmem>>
          %dma_wait3A_567 = tpu.memref_squeeze %dma_wait3A_566 : memref<1x4x8x128xf32, #tpu.memory_space<vmem>> -> memref<4x8x128xf32, #tpu.memory_space<vmem>>
          %dma_wait3A_568 = arith.constant 0 : i32
          %dma_wait3A_569 = arith.constant 0 : i32
          %dma_wait3A_570 = arith.constant 0 : i32
          %dma_wait3A_571 = tpu.memref_slice %arg4[%dma_wait3A_561, %dma_wait3A_568, %dma_wait3A_562, %dma_wait3A_569, %dma_wait3A_570] : memref<26x4x640x8x128xf32, #tpu.memory_space<hbm>> -> memref<1x4x1x8x128xf32, #tpu.memory_space<hbm>>
          %dma_wait3A_572 = tpu.memref_squeeze %dma_wait3A_571 : memref<1x4x1x8x128xf32, #tpu.memory_space<hbm>> -> memref<4x8x128xf32, #tpu.memory_space<hbm>>
          %dma_wait3A_573 = tpu.memref_slice %arg9[%select_n3A_559] : memref<2x!tpu.dma_semaphore, #tpu.memory_space<semaphore_mem>> -> memref<1x!tpu.dma_semaphore, #tpu.memory_space<semaphore_mem>>
          %dma_wait3A_574 = tpu.memref_squeeze %dma_wait3A_573 : memref<1x!tpu.dma_semaphore, #tpu.memory_space<semaphore_mem>> -> memref<!tpu.dma_semaphore, #tpu.memory_space<semaphore_mem>>
          %dma_wait3A_575 = arith.constant 0 : i32
          %dma_wait3A_576 = arith.constant 0 : i32
          %dma_wait3A_577 = arith.constant 0 : i32
          %dma_wait3A_578 = tpu.memref_slice %arg4[%dma_wait3A_561, %dma_wait3A_575, %dma_wait3A_562, %dma_wait3A_576, %dma_wait3A_577] : memref<26x4x640x8x128xf32, #tpu.memory_space<hbm>> -> memref<1x4x1x8x128xf32, #tpu.memory_space<hbm>>
          %dma_wait3A_579 = tpu.memref_squeeze %dma_wait3A_578 : memref<1x4x1x8x128xf32, #tpu.memory_space<hbm>> -> memref<4x8x128xf32, #tpu.memory_space<hbm>>
          %dma_wait3A_580 = arith.constant 0 : i32
          %dma_wait3A_581 = arith.constant 0 : i32
          %dma_wait3A_582 = arith.constant 0 : i32
          %dma_wait3A_583 = tpu.memref_slice %arg7[%dma_wait3A_560, %dma_wait3A_580, %dma_wait3A_581, %dma_wait3A_582] : memref<2x4x8x129xf32, #tpu.memory_space<vmem>> -> memref<1x4x8x128xf32, #tpu.memory_space<vmem>>
          %dma_wait3A_584 = tpu.memref_squeeze %dma_wait3A_583 : memref<1x4x8x128xf32, #tpu.memory_space<vmem>> -> memref<4x8x128xf32, #tpu.memory_space<vmem>>
          tpu.wait_dma2 semaphore(%dma_wait3A_574 : memref<!tpu.dma_semaphore, #tpu.memory_space<semaphore_mem>>) src(%dma_wait3A_584 : memref<4x8x128xf32, #tpu.memory_space<vmem>>) dst(%dma_wait3A_579 : memref<4x8x128xf32, #tpu.memory_space<hbm>>)
        } else {
        }
        %scan3A_487 = arith.constant 0 : i32
        %scan3A_488 = arith.constant 0 : i32
        %scan3A_489 = arith.constant 64 : i32
        %scan3A_490 = arith.addi %scan3A_488, %scan3A_489 : i32
        %scan3A_491 = arith.constant 1 : i32
        scf.for %scan3A_544 = %scan3A_488 to %scan3A_490 step %scan3A_491  : i32 {
          %mul3A_545 = arith.constant 2 : i32
          %mul3A_546 = arith.muli %scan3A_544, %mul3A_545 : i32
          %add3A_547 = arith.constant 0 : i32
          %add3A_548 = arith.addi %mul3A_546, %add3A_547 : i32
          %broadcast_in_dim3A = vector.broadcast %add3A_548 : i32 to vector<16xi32>
          %get3A = arith.index_cast %scan3A_465 : i32 to index
          %get3A_549 = arith.index_cast %add3A_548 : i32 to index
          %get3A_550 = arith.constant 0 : index
          %get3A_551 = tpu.vector_load %arg6[%get3A, %get3A_549, %get3A_550] {strides = array<i32>} : memref<20x128x32xf32, #tpu.memory_space<vmem>>, vector<16xf32>,
          %jit3A_552 = arith.constant 2 : i32
          %eq3A_553 = arith.constant 0 : i32
          %eq3A_554 = arith.cmpi eq, %jit3A_552, %eq3A_553 : i32
          %jit3A_555 = arith.constant 1 : i32
          %select_n3A_556 = arith.select %eq3A_554, %jit3A_555, %jit3A_552 : i32
          %rem3A_557 = arith.remsi %scan3A_465, %select_n3A_556 : i32
          %ne3A_558 = arith.constant 0 : i32
          %ne3A_559 = arith.cmpi ne, %rem3A_557, %ne3A_558 : i32
          %lt3A_560 = arith.constant 0 : i32
          %lt3A_561 = arith.cmpi slt, %rem3A_557, %lt3A_560 : i32
          %lt3A_562 = arith.constant 0 : i32
          %lt3A_563 = arith.cmpi slt, %select_n3A_556, %lt3A_562 : i32
          %ne3A_564 = arith.xori %lt3A_561, %lt3A_563 : i1
          %and3A_565 = arith.andi %ne3A_564, %ne3A_559 : i1
          %add3A_566 = arith.addi %rem3A_557, %select_n3A_556 : i32
          %select_n3A_567 = arith.select %and3A_565, %add3A_566, %rem3A_557 : i32
          %scatter3A = arith.constant 0 : i32
          %scatter3A_568 = arith.constant 0 : i32
          %scatter3A_569 = arith.constant 0 : i32
          %scatter3A_570 = tpu.memref_slice %arg7[%select_n3A_567, %scatter3A, %scatter3A_568, %scatter3A_569] : memref<2x4x8x129xf32, #tpu.memory_space<vmem>> -> memref<1x4x8x129xf32, #tpu.memory_space<vmem>>
          %scatter3A_571 = tpu.memref_squeeze %scatter3A_570 : memref<1x4x8x129xf32, #tpu.memory_space<vmem>> -> memref<4x8x129xf32, #tpu.memory_space<vmem>>
          tpu.vector_store_idx %scatter3A_571[%shift_right_arithmetic3A_5, %and3A_16, %broadcast_in_dim3A], %get3A_551 : memref<4x8x129xf32, #tpu.memory_space<vmem>>[vector<16xi32>, vector<16xi32>, vector<16xi32>], vector<16xf32>,
          %get3A_572 = arith.index_cast %scan3A_465 : i32 to index
          %get3A_573 = arith.index_cast %add3A_548 : i32 to index
          %get3A_574 = arith.constant 16 : index
          %get3A_575 = tpu.vector_load %arg6[%get3A_572, %get3A_573, %get3A_574] {strides = array<i32>} : memref<20x128x32xf32, #tpu.memory_space<vmem>>, vector<16xf32>,
          %jit3A_576 = arith.constant 2 : i32
          %eq3A_577 = arith.constant 0 : i32
          %eq3A_578 = arith.cmpi eq, %jit3A_576, %eq3A_577 : i32
          %jit3A_579 = arith.constant 1 : i32
          %select_n3A_580 = arith.select %eq3A_578, %jit3A_579, %jit3A_576 : i32
          %rem3A_581 = arith.remsi %scan3A_465, %select_n3A_580 : i32
          %ne3A_582 = arith.constant 0 : i32
          %ne3A_583 = arith.cmpi ne, %rem3A_581, %ne3A_582 : i32
          %lt3A_584 = arith.constant 0 : i32
          %lt3A_585 = arith.cmpi slt, %rem3A_581, %lt3A_584 : i32
          %lt3A_586 = arith.constant 0 : i32
          %lt3A_587 = arith.cmpi slt, %select_n3A_580, %lt3A_586 : i32
          %ne3A_588 = arith.xori %lt3A_585, %lt3A_587 : i1
          %and3A_589 = arith.andi %ne3A_588, %ne3A_583 : i1
          %add3A_590 = arith.addi %rem3A_581, %select_n3A_580 : i32
          %select_n3A_591 = arith.select %and3A_589, %add3A_590, %rem3A_581 : i32
          %scatter3A_592 = arith.constant 0 : i32
          %scatter3A_593 = arith.constant 0 : i32
          %scatter3A_594 = arith.constant 0 : i32
          %scatter3A_595 = tpu.memref_slice %arg7[%select_n3A_591, %scatter3A_592, %scatter3A_593, %scatter3A_594] : memref<2x4x8x129xf32, #tpu.memory_space<vmem>> -> memref<1x4x8x129xf32, #tpu.memory_space<vmem>>
          %scatter3A_596 = tpu.memref_squeeze %scatter3A_595 : memref<1x4x8x129xf32, #tpu.memory_space<vmem>> -> memref<4x8x129xf32, #tpu.memory_space<vmem>>
          tpu.vector_store_idx %scatter3A_596[%shift_right_arithmetic3A_11, %and3A_22, %broadcast_in_dim3A], %get3A_575 : memref<4x8x129xf32, #tpu.memory_space<vmem>>[vector<16xi32>, vector<16xi32>, vector<16xi32>], vector<16xf32>,
          %mul3A_597 = arith.constant 2 : i32
          %mul3A_598 = arith.muli %scan3A_544, %mul3A_597 : i32
          %add3A_599 = arith.constant 1 : i32
          %add3A_600 = arith.addi %mul3A_598, %add3A_599 : i32
          %broadcast_in_dim3A_601 = vector.broadcast %add3A_600 : i32 to vector<16xi32>
          %get3A_602 = arith.index_cast %scan3A_465 : i32 to index
          %get3A_603 = arith.index_cast %add3A_600 : i32 to index
          %get3A_604 = arith.constant 0 : index
          %get3A_605 = tpu.vector_load %arg6[%get3A_602, %get3A_603, %get3A_604] {strides = array<i32>} : memref<20x128x32xf32, #tpu.memory_space<vmem>>, vector<16xf32>,
          %jit3A_606 = arith.constant 2 : i32
          %eq3A_607 = arith.constant 0 : i32
          %eq3A_608 = arith.cmpi eq, %jit3A_606, %eq3A_607 : i32
          %jit3A_609 = arith.constant 1 : i32
          %select_n3A_610 = arith.select %eq3A_608, %jit3A_609, %jit3A_606 : i32
          %rem3A_611 = arith.remsi %scan3A_465, %select_n3A_610 : i32
          %ne3A_612 = arith.constant 0 : i32
          %ne3A_613 = arith.cmpi ne, %rem3A_611, %ne3A_612 : i32
          %lt3A_614 = arith.constant 0 : i32
          %lt3A_615 = arith.cmpi slt, %rem3A_611, %lt3A_614 : i32
          %lt3A_616 = arith.constant 0 : i32
          %lt3A_617 = arith.cmpi slt, %select_n3A_610, %lt3A_616 : i32
          %ne3A_618 = arith.xori %lt3A_615, %lt3A_617 : i1
          %and3A_619 = arith.andi %ne3A_618, %ne3A_613 : i1
          %add3A_620 = arith.addi %rem3A_611, %select_n3A_610 : i32
          %select_n3A_621 = arith.select %and3A_619, %add3A_620, %rem3A_611 : i32
          %scatter3A_622 = arith.constant 0 : i32
          %scatter3A_623 = arith.constant 0 : i32
          %scatter3A_624 = arith.constant 0 : i32
          %scatter3A_625 = tpu.memref_slice %arg7[%select_n3A_621, %scatter3A_622, %scatter3A_623, %scatter3A_624] : memref<2x4x8x129xf32, #tpu.memory_space<vmem>> -> memref<1x4x8x129xf32, #tpu.memory_space<vmem>>
          %scatter3A_626 = tpu.memref_squeeze %scatter3A_625 : memref<1x4x8x129xf32, #tpu.memory_space<vmem>> -> memref<4x8x129xf32, #tpu.memory_space<vmem>>
          tpu.vector_store_idx %scatter3A_626[%shift_right_arithmetic3A_5, %and3A_16, %broadcast_in_dim3A_601], %get3A_605 : memref<4x8x129xf32, #tpu.memory_space<vmem>>[vector<16xi32>, vector<16xi32>, vector<16xi32>], vector<16xf32>,
          %get3A_627 = arith.index_cast %scan3A_465 : i32 to index
          %get3A_628 = arith.index_cast %add3A_600 : i32 to index
          %get3A_629 = arith.constant 16 : index
          %get3A_630 = tpu.vector_load %arg6[%get3A_627, %get3A_628, %get3A_629] {strides = array<i32>} : memref<20x128x32xf32, #tpu.memory_space<vmem>>, vector<16xf32>,
          %jit3A_631 = arith.constant 2 : i32
          %eq3A_632 = arith.constant 0 : i32
          %eq3A_633 = arith.cmpi eq, %jit3A_631, %eq3A_632 : i32
          %jit3A_634 = arith.constant 1 : i32
          %select_n3A_635 = arith.select %eq3A_633, %jit3A_634, %jit3A_631 : i32
          %rem3A_636 = arith.remsi %scan3A_465, %select_n3A_635 : i32
          %ne3A_637 = arith.constant 0 : i32
          %ne3A_638 = arith.cmpi ne, %rem3A_636, %ne3A_637 : i32
          %lt3A_639 = arith.constant 0 : i32
          %lt3A_640 = arith.cmpi slt, %rem3A_636, %lt3A_639 : i32
          %lt3A_641 = arith.constant 0 : i32
          %lt3A_642 = arith.cmpi slt, %select_n3A_635, %lt3A_641 : i32
          %ne3A_643 = arith.xori %lt3A_640, %lt3A_642 : i1
          %and3A_644 = arith.andi %ne3A_643, %ne3A_638 : i1
          %add3A_645 = arith.addi %rem3A_636, %select_n3A_635 : i32
          %select_n3A_646 = arith.select %and3A_644, %add3A_645, %rem3A_636 : i32
          %scatter3A_647 = arith.constant 0 : i32
          %scatter3A_648 = arith.constant 0 : i32
          %scatter3A_649 = arith.constant 0 : i32
          %scatter3A_650 = tpu.memref_slice %arg7[%select_n3A_646, %scatter3A_647, %scatter3A_648, %scatter3A_649] : memref<2x4x8x129xf32, #tpu.memory_space<vmem>> -> memref<1x4x8x129xf32, #tpu.memory_space<vmem>>
          %scatter3A_651 = tpu.memref_squeeze %scatter3A_650 : memref<1x4x8x129xf32, #tpu.memory_space<vmem>> -> memref<4x8x129xf32, #tpu.memory_space<vmem>>
          tpu.vector_store_idx %scatter3A_651[%shift_right_arithmetic3A_11, %and3A_22, %broadcast_in_dim3A_601], %get3A_630 : memref<4x8x129xf32, #tpu.memory_space<vmem>>[vector<16xi32>, vector<16xi32>, vector<16xi32>], vector<16xf32>,
        }
        %scan3A_492 = arith.constant 64 : i32
        %jit3A = arith.constant 2 : i32
        %eq3A = arith.constant 0 : i32
        %eq3A_493 = arith.cmpi eq, %jit3A, %eq3A : i32
        %jit3A_494 = arith.constant 1 : i32
        %select_n3A = arith.select %eq3A_493, %jit3A_494, %jit3A : i32
        %rem3A = arith.remsi %scan3A_465, %select_n3A : i32
        %ne3A = arith.constant 0 : i32
        %ne3A_495 = arith.cmpi ne, %rem3A, %ne3A : i32
        %lt3A = arith.constant 0 : i32
        %lt3A_496 = arith.cmpi slt, %rem3A, %lt3A : i32
        %lt3A_497 = arith.constant 0 : i32
        %lt3A_498 = arith.cmpi slt, %select_n3A, %lt3A_497 : i32
        %ne3A_499 = arith.xori %lt3A_496, %lt3A_498 : i1
        %and3A_500 = arith.andi %ne3A_499, %ne3A_495 : i1
        %add3A_501 = arith.addi %rem3A, %select_n3A : i32
        %select_n3A_502 = arith.select %and3A_500, %add3A_501, %rem3A : i32
        %mul3A_503 = arith.constant 20 : i32
        %mul3A_504 = arith.muli %add3A, %mul3A_503 : i32
        %add3A_505 = arith.addi %mul3A_504, %scan3A_465 : i32
        %jit3A_506 = arith.constant 2 : i32
        %eq3A_507 = arith.constant 0 : i32
        %eq3A_508 = arith.cmpi eq, %jit3A_506, %eq3A_507 : i32
        %jit3A_509 = arith.constant 1 : i32
        %select_n3A_510 = arith.select %eq3A_508, %jit3A_509, %jit3A_506 : i32
        %rem3A_511 = arith.remsi %scan3A_465, %select_n3A_510 : i32
        %ne3A_512 = arith.constant 0 : i32
        %ne3A_513 = arith.cmpi ne, %rem3A_511, %ne3A_512 : i32
        %lt3A_514 = arith.constant 0 : i32
        %lt3A_515 = arith.cmpi slt, %rem3A_511, %lt3A_514 : i32
        %lt3A_516 = arith.constant 0 : i32
        %lt3A_517 = arith.cmpi slt, %select_n3A_510, %lt3A_516 : i32
        %ne3A_518 = arith.xori %lt3A_515, %lt3A_517 : i1
        %and3A_519 = arith.andi %ne3A_518, %ne3A_513 : i1
        %add3A_520 = arith.addi %rem3A_511, %select_n3A_510 : i32
        %select_n3A_521 = arith.select %and3A_519, %add3A_520, %rem3A_511 : i32
        %dma_start3A_522 = arith.constant 0 : i32
        %dma_start3A_523 = arith.constant 0 : i32
        %dma_start3A_524 = arith.constant 0 : i32
        %dma_start3A_525 = tpu.memref_slice %arg7[%select_n3A_502, %dma_start3A_522, %dma_start3A_523, %dma_start3A_524] : memref<2x4x8x129xf32, #tpu.memory_space<vmem>> -> memref<1x4x8x128xf32, #tpu.memory_space<vmem>>
        %dma_start3A_526 = tpu.memref_squeeze %dma_start3A_525 : memref<1x4x8x128xf32, #tpu.memory_space<vmem>> -> memref<4x8x128xf32, #tpu.memory_space<vmem>>
        %dma_start3A_527 = arith.constant 0 : i32
        %dma_start3A_528 = arith.constant 0 : i32
        %dma_start3A_529 = arith.constant 0 : i32
        %dma_start3A_530 = tpu.memref_slice %arg4[%scan3A_28, %dma_start3A_527, %add3A_505, %dma_start3A_528, %dma_start3A_529] : memref<26x4x640x8x128xf32, #tpu.memory_space<hbm>> -> memref<1x4x1x8x128xf32, #tpu.memory_space<hbm>>
        %dma_start3A_531 = tpu.memref_squeeze %dma_start3A_530 : memref<1x4x1x8x128xf32, #tpu.memory_space<hbm>> -> memref<4x8x128xf32, #tpu.memory_space<hbm>>
        %dma_start3A_532 = tpu.memref_slice %arg9[%select_n3A_521] : memref<2x!tpu.dma_semaphore, #tpu.memory_space<semaphore_mem>> -> memref<1x!tpu.dma_semaphore, #tpu.memory_space<semaphore_mem>>
        %dma_start3A_533 = tpu.memref_squeeze %dma_start3A_532 : memref<1x!tpu.dma_semaphore, #tpu.memory_space<semaphore_mem>> -> memref<!tpu.dma_semaphore, #tpu.memory_space<semaphore_mem>>
        %dma_start3A_534 = arith.constant 0 : i32
        %dma_start3A_535 = arith.constant 0 : i32
        %dma_start3A_536 = arith.constant 0 : i32
        %dma_start3A_537 = tpu.memref_slice %arg4[%scan3A_28, %dma_start3A_534, %add3A_505, %dma_start3A_535, %dma_start3A_536] : memref<26x4x640x8x128xf32, #tpu.memory_space<hbm>> -> memref<1x4x1x8x128xf32, #tpu.memory_space<hbm>>
        %dma_start3A_538 = tpu.memref_squeeze %dma_start3A_537 : memref<1x4x1x8x128xf32, #tpu.memory_space<hbm>> -> memref<4x8x128xf32, #tpu.memory_space<hbm>>
        %dma_start3A_539 = arith.constant 0 : i32
        %dma_start3A_540 = arith.constant 0 : i32
        %dma_start3A_541 = arith.constant 0 : i32
        %dma_start3A_542 = tpu.memref_slice %arg7[%select_n3A_502, %dma_start3A_539, %dma_start3A_540, %dma_start3A_541] : memref<2x4x8x129xf32, #tpu.memory_space<vmem>> -> memref<1x4x8x128xf32, #tpu.memory_space<vmem>>
        %dma_start3A_543 = tpu.memref_squeeze %dma_start3A_542 : memref<1x4x8x128xf32, #tpu.memory_space<vmem>> -> memref<4x8x128xf32, #tpu.memory_space<vmem>>
        tpu.enqueue_dma source(%dma_start3A_543 : memref<4x8x128xf32, #tpu.memory_space<vmem>>) target(%dma_start3A_538 : memref<4x8x128xf32, #tpu.memory_space<hbm>>) target_semaphore(%dma_start3A_533 : memref<!tpu.dma_semaphore, #tpu.memory_space<semaphore_mem>>)
      }
      %scan3A_413 = arith.constant 20 : i32
      %dma_wait3A = arith.constant 0 : i32
      %dma_wait3A_414 = arith.constant 0 : i32
      %dma_wait3A_415 = arith.constant 0 : i32
      %dma_wait3A_416 = arith.constant 0 : i32
      %dma_wait3A_417 = arith.constant 0 : i32
      %dma_wait3A_418 = arith.constant 0 : i32
      %dma_wait3A_419 = arith.constant 0 : i32
      %dma_wait3A_420 = tpu.memref_slice %arg7[%dma_wait3A, %dma_wait3A_417, %dma_wait3A_418, %dma_wait3A_419] : memref<2x4x8x129xf32, #tpu.memory_space<vmem>> -> memref<1x4x8x128xf32, #tpu.memory_space<vmem>>
      %dma_wait3A_421 = tpu.memref_squeeze %dma_wait3A_420 : memref<1x4x8x128xf32, #tpu.memory_space<vmem>> -> memref<4x8x128xf32, #tpu.memory_space<vmem>>
      %dma_wait3A_422 = arith.constant 0 : i32
      %dma_wait3A_423 = arith.constant 0 : i32
      %dma_wait3A_424 = arith.constant 0 : i32
      %dma_wait3A_425 = tpu.memref_slice %arg4[%dma_wait3A_414, %dma_wait3A_422, %dma_wait3A_415, %dma_wait3A_423, %dma_wait3A_424] : memref<26x4x640x8x128xf32, #tpu.memory_space<hbm>> -> memref<1x4x1x8x128xf32, #tpu.memory_space<hbm>>
      %dma_wait3A_426 = tpu.memref_squeeze %dma_wait3A_425 : memref<1x4x1x8x128xf32, #tpu.memory_space<hbm>> -> memref<4x8x128xf32, #tpu.memory_space<hbm>>
      %dma_wait3A_427 = tpu.memref_slice %arg9[%dma_wait3A_416] : memref<2x!tpu.dma_semaphore, #tpu.memory_space<semaphore_mem>> -> memref<1x!tpu.dma_semaphore, #tpu.memory_space<semaphore_mem>>
      %dma_wait3A_428 = tpu.memref_squeeze %dma_wait3A_427 : memref<1x!tpu.dma_semaphore, #tpu.memory_space<semaphore_mem>> -> memref<!tpu.dma_semaphore, #tpu.memory_space<semaphore_mem>>
      %dma_wait3A_429 = arith.constant 0 : i32
      %dma_wait3A_430 = arith.constant 0 : i32
      %dma_wait3A_431 = arith.constant 0 : i32
      %dma_wait3A_432 = tpu.memref_slice %arg4[%dma_wait3A_414, %dma_wait3A_429, %dma_wait3A_415, %dma_wait3A_430, %dma_wait3A_431] : memref<26x4x640x8x128xf32, #tpu.memory_space<hbm>> -> memref<1x4x1x8x128xf32, #tpu.memory_space<hbm>>
      %dma_wait3A_433 = tpu.memref_squeeze %dma_wait3A_432 : memref<1x4x1x8x128xf32, #tpu.memory_space<hbm>> -> memref<4x8x128xf32, #tpu.memory_space<hbm>>
      %dma_wait3A_434 = arith.constant 0 : i32
      %dma_wait3A_435 = arith.constant 0 : i32
      %dma_wait3A_436 = arith.constant 0 : i32
      %dma_wait3A_437 = tpu.memref_slice %arg7[%dma_wait3A, %dma_wait3A_434, %dma_wait3A_435, %dma_wait3A_436] : memref<2x4x8x129xf32, #tpu.memory_space<vmem>> -> memref<1x4x8x128xf32, #tpu.memory_space<vmem>>
      %dma_wait3A_438 = tpu.memref_squeeze %dma_wait3A_437 : memref<1x4x8x128xf32, #tpu.memory_space<vmem>> -> memref<4x8x128xf32, #tpu.memory_space<vmem>>
      tpu.wait_dma2 semaphore(%dma_wait3A_428 : memref<!tpu.dma_semaphore, #tpu.memory_space<semaphore_mem>>) src(%dma_wait3A_438 : memref<4x8x128xf32, #tpu.memory_space<vmem>>) dst(%dma_wait3A_433 : memref<4x8x128xf32, #tpu.memory_space<hbm>>)
      %dma_wait3A_439 = arith.constant 0 : i32
      %dma_wait3A_440 = arith.constant 0 : i32
      %dma_wait3A_441 = arith.constant 0 : i32
      %dma_wait3A_442 = arith.constant 1 : i32
      %dma_wait3A_443 = arith.constant 0 : i32
      %dma_wait3A_444 = arith.constant 0 : i32
      %dma_wait3A_445 = arith.constant 0 : i32
      %dma_wait3A_446 = tpu.memref_slice %arg7[%dma_wait3A_439, %dma_wait3A_443, %dma_wait3A_444, %dma_wait3A_445] : memref<2x4x8x129xf32, #tpu.memory_space<vmem>> -> memref<1x4x8x128xf32, #tpu.memory_space<vmem>>
      %dma_wait3A_447 = tpu.memref_squeeze %dma_wait3A_446 : memref<1x4x8x128xf32, #tpu.memory_space<vmem>> -> memref<4x8x128xf32, #tpu.memory_space<vmem>>
      %dma_wait3A_448 = arith.constant 0 : i32
      %dma_wait3A_449 = arith.constant 0 : i32
      %dma_wait3A_450 = arith.constant 0 : i32
      %dma_wait3A_451 = tpu.memref_slice %arg4[%dma_wait3A_440, %dma_wait3A_448, %dma_wait3A_441, %dma_wait3A_449, %dma_wait3A_450] : memref<26x4x640x8x128xf32, #tpu.memory_space<hbm>> -> memref<1x4x1x8x128xf32, #tpu.memory_space<hbm>>
      %dma_wait3A_452 = tpu.memref_squeeze %dma_wait3A_451 : memref<1x4x1x8x128xf32, #tpu.memory_space<hbm>> -> memref<4x8x128xf32, #tpu.memory_space<hbm>>
      %dma_wait3A_453 = tpu.memref_slice %arg9[%dma_wait3A_442] : memref<2x!tpu.dma_semaphore, #tpu.memory_space<semaphore_mem>> -> memref<1x!tpu.dma_semaphore, #tpu.memory_space<semaphore_mem>>
      %dma_wait3A_454 = tpu.memref_squeeze %dma_wait3A_453 : memref<1x!tpu.dma_semaphore, #tpu.memory_space<semaphore_mem>> -> memref<!tpu.dma_semaphore, #tpu.memory_space<semaphore_mem>>
      %dma_wait3A_455 = arith.constant 0 : i32
      %dma_wait3A_456 = arith.constant 0 : i32
      %dma_wait3A_457 = arith.constant 0 : i32
      %dma_wait3A_458 = tpu.memref_slice %arg4[%dma_wait3A_440, %dma_wait3A_455, %dma_wait3A_441, %dma_wait3A_456, %dma_wait3A_457] : memref<26x4x640x8x128xf32, #tpu.memory_space<hbm>> -> memref<1x4x1x8x128xf32, #tpu.memory_space<hbm>>
      %dma_wait3A_459 = tpu.memref_squeeze %dma_wait3A_458 : memref<1x4x1x8x128xf32, #tpu.memory_space<hbm>> -> memref<4x8x128xf32, #tpu.memory_space<hbm>>
      %dma_wait3A_460 = arith.constant 0 : i32
      %dma_wait3A_461 = arith.constant 0 : i32
      %dma_wait3A_462 = arith.constant 0 : i32
      %dma_wait3A_463 = tpu.memref_slice %arg7[%dma_wait3A_439, %dma_wait3A_460, %dma_wait3A_461, %dma_wait3A_462] : memref<2x4x8x129xf32, #tpu.memory_space<vmem>> -> memref<1x4x8x128xf32, #tpu.memory_space<vmem>>
      %dma_wait3A_464 = tpu.memref_squeeze %dma_wait3A_463 : memref<1x4x8x128xf32, #tpu.memory_space<vmem>> -> memref<4x8x128xf32, #tpu.memory_space<vmem>>
      tpu.wait_dma2 semaphore(%dma_wait3A_454 : memref<!tpu.dma_semaphore, #tpu.memory_space<semaphore_mem>>) src(%dma_wait3A_464 : memref<4x8x128xf32, #tpu.memory_space<vmem>>) dst(%dma_wait3A_459 : memref<4x8x128xf32, #tpu.memory_space<hbm>>)
    }
    %scan3A_27 = arith.constant 26 : i32
    return
  }
}

#map = affine_map<(d0, d1) -> (0, 0, 0)>
module attributes {stable_mosaic.version = 14 : i64} {
  func.func @_detile_body(%arg0: i32, %arg1: i32, %arg2: memref<26x32x100000xf32, #tpu.memory_space<hbm>>, %arg3: memref<26x8x128xf32, #tpu.memory_space<hbm>>, %arg4: memref<26x25000x128xf32, #tpu.memory_space<hbm>>, %arg5: memref<3x32x129xf32, #tpu.memory_space<vmem>>, %arg6: memref<2x32x132xf32, #tpu.memory_space<vmem>>, %arg7: memref<8x128xf32, #tpu.memory_space<vmem>>, %arg8: memref<3x!tpu.dma_semaphore, #tpu.memory_space<semaphore_mem>>, %arg9: memref<2x!tpu.dma_semaphore, #tpu.memory_space<semaphore_mem>>) attributes {dimension_semantics = [#tpu.dimension_semantics<core_parallel>, #tpu.dimension_semantics<subcore_parallel>], iteration_bounds = array<i64: 2, 16>, scalar_prefetch = 0 : i64, scratch_operands = 5 : i64, tpu.core_type = #tpu.core_type<sc_vector_subcore>, window_params = [{transform_indices = #map}, {transform_indices = #map}, {transform_indices = #map}]} {
    %mul3A = arith.constant 2 : i32
    %mul3A_0 = arith.muli %arg1, %mul3A : i32
    %add3A = arith.addi %mul3A_0, %arg0 : i32
    %iota3A = tpu.iota {dimensions = array<i32: 0>} : vector<16xi32>
    %add3A_1 = arith.constant 0 : i32
    %add3A_2 = vector.broadcast %add3A_1 : i32 to vector<16xi32>
    %add3A_3 = arith.addi %add3A_2, %iota3A : vector<16xi32>
    %shift_right_arithmetic3A = arith.constant 2 : i32
    %shift_right_arithmetic3A_4 = vector.broadcast %shift_right_arithmetic3A : i32 to vector<16xi32>
    %shift_right_arithmetic3A_5 = arith.shrsi %add3A_3, %shift_right_arithmetic3A_4 : vector<16xi32>
    %add3A_6 = arith.constant 16 : i32
    %add3A_7 = vector.broadcast %add3A_6 : i32 to vector<16xi32>
    %add3A_8 = arith.addi %add3A_7, %iota3A : vector<16xi32>
    %shift_right_arithmetic3A_9 = arith.constant 2 : i32
    %shift_right_arithmetic3A_10 = vector.broadcast %shift_right_arithmetic3A_9 : i32 to vector<16xi32>
    %shift_right_arithmetic3A_11 = arith.shrsi %add3A_8, %shift_right_arithmetic3A_10 : vector<16xi32>
    %add3A_12 = arith.constant 32 : i32
    %add3A_13 = vector.broadcast %add3A_12 : i32 to vector<16xi32>
    %add3A_14 = arith.addi %add3A_13, %iota3A : vector<16xi32>
    %shift_right_arithmetic3A_15 = arith.constant 2 : i32
    %shift_right_arithmetic3A_16 = vector.broadcast %shift_right_arithmetic3A_15 : i32 to vector<16xi32>
    %shift_right_arithmetic3A_17 = arith.shrsi %add3A_14, %shift_right_arithmetic3A_16 : vector<16xi32>
    %add3A_18 = arith.constant 48 : i32
    %add3A_19 = vector.broadcast %add3A_18 : i32 to vector<16xi32>
    %add3A_20 = arith.addi %add3A_19, %iota3A : vector<16xi32>
    %shift_right_arithmetic3A_21 = arith.constant 2 : i32
    %shift_right_arithmetic3A_22 = vector.broadcast %shift_right_arithmetic3A_21 : i32 to vector<16xi32>
    %shift_right_arithmetic3A_23 = arith.shrsi %add3A_20, %shift_right_arithmetic3A_22 : vector<16xi32>
    %add3A_24 = arith.constant 64 : i32
    %add3A_25 = vector.broadcast %add3A_24 : i32 to vector<16xi32>
    %add3A_26 = arith.addi %add3A_25, %iota3A : vector<16xi32>
    %shift_right_arithmetic3A_27 = arith.constant 2 : i32
    %shift_right_arithmetic3A_28 = vector.broadcast %shift_right_arithmetic3A_27 : i32 to vector<16xi32>
    %shift_right_arithmetic3A_29 = arith.shrsi %add3A_26, %shift_right_arithmetic3A_28 : vector<16xi32>
    %add3A_30 = arith.constant 80 : i32
    %add3A_31 = vector.broadcast %add3A_30 : i32 to vector<16xi32>
    %add3A_32 = arith.addi %add3A_31, %iota3A : vector<16xi32>
    %shift_right_arithmetic3A_33 = arith.constant 2 : i32
    %shift_right_arithmetic3A_34 = vector.broadcast %shift_right_arithmetic3A_33 : i32 to vector<16xi32>
    %shift_right_arithmetic3A_35 = arith.shrsi %add3A_32, %shift_right_arithmetic3A_34 : vector<16xi32>
    %add3A_36 = arith.constant 96 : i32
    %add3A_37 = vector.broadcast %add3A_36 : i32 to vector<16xi32>
    %add3A_38 = arith.addi %add3A_37, %iota3A : vector<16xi32>
    %shift_right_arithmetic3A_39 = arith.constant 2 : i32
    %shift_right_arithmetic3A_40 = vector.broadcast %shift_right_arithmetic3A_39 : i32 to vector<16xi32>
    %shift_right_arithmetic3A_41 = arith.shrsi %add3A_38, %shift_right_arithmetic3A_40 : vector<16xi32>
    %add3A_42 = arith.constant 112 : i32
    %add3A_43 = vector.broadcast %add3A_42 : i32 to vector<16xi32>
    %add3A_44 = arith.addi %add3A_43, %iota3A : vector<16xi32>
    %shift_right_arithmetic3A_45 = arith.constant 2 : i32
    %shift_right_arithmetic3A_46 = vector.broadcast %shift_right_arithmetic3A_45 : i32 to vector<16xi32>
    %shift_right_arithmetic3A_47 = arith.shrsi %add3A_44, %shift_right_arithmetic3A_46 : vector<16xi32>
    %add3A_48 = arith.constant 0 : i32
    %add3A_49 = vector.broadcast %add3A_48 : i32 to vector<16xi32>
    %add3A_50 = arith.addi %add3A_49, %iota3A : vector<16xi32>
    %and3A = arith.constant 3 : i32
    %and3A_51 = vector.broadcast %and3A : i32 to vector<16xi32>
    %and3A_52 = arith.andi %add3A_50, %and3A_51 : vector<16xi32>
    %mul3A_53 = arith.constant 32 : i32
    %mul3A_54 = vector.broadcast %mul3A_53 : i32 to vector<16xi32>
    %mul3A_55 = arith.muli %and3A_52, %mul3A_54 : vector<16xi32>
    %add3A_56 = arith.constant 16 : i32
    %add3A_57 = vector.broadcast %add3A_56 : i32 to vector<16xi32>
    %add3A_58 = arith.addi %add3A_57, %iota3A : vector<16xi32>
    %and3A_59 = arith.constant 3 : i32
    %and3A_60 = vector.broadcast %and3A_59 : i32 to vector<16xi32>
    %and3A_61 = arith.andi %add3A_58, %and3A_60 : vector<16xi32>
    %mul3A_62 = arith.constant 32 : i32
    %mul3A_63 = vector.broadcast %mul3A_62 : i32 to vector<16xi32>
    %mul3A_64 = arith.muli %and3A_61, %mul3A_63 : vector<16xi32>
    %add3A_65 = arith.constant 32 : i32
    %add3A_66 = vector.broadcast %add3A_65 : i32 to vector<16xi32>
    %add3A_67 = arith.addi %add3A_66, %iota3A : vector<16xi32>
    %and3A_68 = arith.constant 3 : i32
    %and3A_69 = vector.broadcast %and3A_68 : i32 to vector<16xi32>
    %and3A_70 = arith.andi %add3A_67, %and3A_69 : vector<16xi32>
    %mul3A_71 = arith.constant 32 : i32
    %mul3A_72 = vector.broadcast %mul3A_71 : i32 to vector<16xi32>
    %mul3A_73 = arith.muli %and3A_70, %mul3A_72 : vector<16xi32>
    %add3A_74 = arith.constant 48 : i32
    %add3A_75 = vector.broadcast %add3A_74 : i32 to vector<16xi32>
    %add3A_76 = arith.addi %add3A_75, %iota3A : vector<16xi32>
    %and3A_77 = arith.constant 3 : i32
    %and3A_78 = vector.broadcast %and3A_77 : i32 to vector<16xi32>
    %and3A_79 = arith.andi %add3A_76, %and3A_78 : vector<16xi32>
    %mul3A_80 = arith.constant 32 : i32
    %mul3A_81 = vector.broadcast %mul3A_80 : i32 to vector<16xi32>
    %mul3A_82 = arith.muli %and3A_79, %mul3A_81 : vector<16xi32>
    %add3A_83 = arith.constant 64 : i32
    %add3A_84 = vector.broadcast %add3A_83 : i32 to vector<16xi32>
    %add3A_85 = arith.addi %add3A_84, %iota3A : vector<16xi32>
    %and3A_86 = arith.constant 3 : i32
    %and3A_87 = vector.broadcast %and3A_86 : i32 to vector<16xi32>
    %and3A_88 = arith.andi %add3A_85, %and3A_87 : vector<16xi32>
    %mul3A_89 = arith.constant 32 : i32
    %mul3A_90 = vector.broadcast %mul3A_89 : i32 to vector<16xi32>
    %mul3A_91 = arith.muli %and3A_88, %mul3A_90 : vector<16xi32>
    %add3A_92 = arith.constant 80 : i32
    %add3A_93 = vector.broadcast %add3A_92 : i32 to vector<16xi32>
    %add3A_94 = arith.addi %add3A_93, %iota3A : vector<16xi32>
    %and3A_95 = arith.constant 3 : i32
    %and3A_96 = vector.broadcast %and3A_95 : i32 to vector<16xi32>
    %and3A_97 = arith.andi %add3A_94, %and3A_96 : vector<16xi32>
    %mul3A_98 = arith.constant 32 : i32
    %mul3A_99 = vector.broadcast %mul3A_98 : i32 to vector<16xi32>
    %mul3A_100 = arith.muli %and3A_97, %mul3A_99 : vector<16xi32>
    %add3A_101 = arith.constant 96 : i32
    %add3A_102 = vector.broadcast %add3A_101 : i32 to vector<16xi32>
    %add3A_103 = arith.addi %add3A_102, %iota3A : vector<16xi32>
    %and3A_104 = arith.constant 3 : i32
    %and3A_105 = vector.broadcast %and3A_104 : i32 to vector<16xi32>
    %and3A_106 = arith.andi %add3A_103, %and3A_105 : vector<16xi32>
    %mul3A_107 = arith.constant 32 : i32
    %mul3A_108 = vector.broadcast %mul3A_107 : i32 to vector<16xi32>
    %mul3A_109 = arith.muli %and3A_106, %mul3A_108 : vector<16xi32>
    %add3A_110 = arith.constant 112 : i32
    %add3A_111 = vector.broadcast %add3A_110 : i32 to vector<16xi32>
    %add3A_112 = arith.addi %add3A_111, %iota3A : vector<16xi32>
    %and3A_113 = arith.constant 3 : i32
    %and3A_114 = vector.broadcast %and3A_113 : i32 to vector<16xi32>
    %and3A_115 = arith.andi %add3A_112, %and3A_114 : vector<16xi32>
    %mul3A_116 = arith.constant 32 : i32
    %mul3A_117 = vector.broadcast %mul3A_116 : i32 to vector<16xi32>
    %mul3A_118 = arith.muli %and3A_115, %mul3A_117 : vector<16xi32>
    %lt3A = arith.constant 13 : i32
    %lt3A_119 = arith.cmpi slt, %add3A, %lt3A : i32
    %jit3A = arith.constant 25 : i32
    %jit3A_120 = arith.constant 24 : i32
    %select_n3A = arith.select %lt3A_119, %jit3A, %jit3A_120 : i32
    %mul3A_121 = arith.constant 26 : i32
    %mul3A_122 = arith.muli %mul3A_121, %select_n3A : i32
    %mul3A_123 = arith.constant 128 : i32
    %mul3A_124 = arith.muli %add3A, %mul3A_123 : i32
    %dma_start3A = arith.constant 0 : i32
    %dma_start3A_125 = arith.constant 0 : i32
    %dma_start3A_126 = arith.constant 0 : i32
    %dma_start3A_127 = arith.constant 0 : i32
    %dma_start3A_128 = arith.constant 0 : i32
    %dma_start3A_129 = tpu.memref_slice %arg5[%dma_start3A_125, %dma_start3A_127, %dma_start3A_128] : memref<3x32x129xf32, #tpu.memory_space<vmem>> -> memref<1x32x128xf32, #tpu.memory_space<vmem>>
    %dma_start3A_130 = tpu.memref_squeeze %dma_start3A_129 : memref<1x32x128xf32, #tpu.memory_space<vmem>> -> memref<32x128xf32, #tpu.memory_space<vmem>>
    %dma_start3A_131 = arith.constant 0 : i32
    %dma_start3A_132 = tpu.memref_slice %arg2[%dma_start3A, %dma_start3A_131, %mul3A_124] : memref<26x32x100000xf32, #tpu.memory_space<hbm>> -> memref<1x32x128xf32, #tpu.memory_space<hbm>>
    %dma_start3A_133 = tpu.memref_squeeze %dma_start3A_132 : memref<1x32x128xf32, #tpu.memory_space<hbm>> -> memref<32x128xf32, #tpu.memory_space<hbm>>
    %dma_start3A_134 = tpu.memref_slice %arg8[%dma_start3A_126] : memref<3x!tpu.dma_semaphore, #tpu.memory_space<semaphore_mem>> -> memref<1x!tpu.dma_semaphore, #tpu.memory_space<semaphore_mem>>
    %dma_start3A_135 = tpu.memref_squeeze %dma_start3A_134 : memref<1x!tpu.dma_semaphore, #tpu.memory_space<semaphore_mem>> -> memref<!tpu.dma_semaphore, #tpu.memory_space<semaphore_mem>>
    %dma_start3A_136 = arith.constant 0 : i32
    %dma_start3A_137 = arith.constant 0 : i32
    %dma_start3A_138 = tpu.memref_slice %arg5[%dma_start3A_125, %dma_start3A_136, %dma_start3A_137] : memref<3x32x129xf32, #tpu.memory_space<vmem>> -> memref<1x32x128xf32, #tpu.memory_space<vmem>>
    %dma_start3A_139 = tpu.memref_squeeze %dma_start3A_138 : memref<1x32x128xf32, #tpu.memory_space<vmem>> -> memref<32x128xf32, #tpu.memory_space<vmem>>
    %dma_start3A_140 = arith.constant 0 : i32
    %dma_start3A_141 = tpu.memref_slice %arg2[%dma_start3A, %dma_start3A_140, %mul3A_124] : memref<26x32x100000xf32, #tpu.memory_space<hbm>> -> memref<1x32x128xf32, #tpu.memory_space<hbm>>
    %dma_start3A_142 = tpu.memref_squeeze %dma_start3A_141 : memref<1x32x128xf32, #tpu.memory_space<hbm>> -> memref<32x128xf32, #tpu.memory_space<hbm>>
    tpu.enqueue_dma source(%dma_start3A_142 : memref<32x128xf32, #tpu.memory_space<hbm>>) target(%dma_start3A_139 : memref<32x128xf32, #tpu.memory_space<vmem>>) target_semaphore(%dma_start3A_135 : memref<!tpu.dma_semaphore, #tpu.memory_space<semaphore_mem>>)
    %gt3A = arith.constant 1 : i32
    %gt3A_143 = arith.cmpi sgt, %mul3A_122, %gt3A : i32
    %convert_element_type3A = arith.extui %gt3A_143 : i1 to i32
    %cond3A = arith.constant 0 : i32
    %cond3A_144 = arith.cmpi ne, %convert_element_type3A, %cond3A : i32
    scf.if %cond3A_144 {
      %add3A_255 = arith.constant 0 : i32
      %add3A_256 = arith.constant 1 : i32
      %add3A_257 = arith.addi %add3A_255, %add3A_256 : i32
      %ge3A_258 = arith.cmpi sge, %add3A_257, %select_n3A : i32
      %add3A_259 = arith.constant 0 : i32
      %add3A_260 = arith.constant 1 : i32
      %add3A_261 = arith.addi %add3A_259, %add3A_260 : i32
      %jit3A_262 = arith.constant 0 : i32
      %select_n3A_263 = arith.select %ge3A_258, %add3A_261, %jit3A_262 : i32
      %add3A_264 = arith.constant 0 : i32
      %add3A_265 = arith.constant 1 : i32
      %add3A_266 = arith.addi %add3A_264, %add3A_265 : i32
      %jit3A_267 = arith.constant 0 : i32
      %select_n3A_268 = arith.select %ge3A_258, %jit3A_267, %add3A_266 : i32
      %mul3A_269 = arith.constant 32 : i32
      %mul3A_270 = arith.muli %select_n3A_268, %mul3A_269 : i32
      %add3A_271 = arith.addi %add3A, %mul3A_270 : i32
      %mul3A_272 = arith.constant 128 : i32
      %mul3A_273 = arith.muli %add3A_271, %mul3A_272 : i32
      %dma_start3A_274 = arith.constant 1 : i32
      %dma_start3A_275 = arith.constant 1 : i32
      %dma_start3A_276 = arith.constant 0 : i32
      %dma_start3A_277 = arith.constant 0 : i32
      %dma_start3A_278 = tpu.memref_slice %arg5[%dma_start3A_274, %dma_start3A_276, %dma_start3A_277] : memref<3x32x129xf32, #tpu.memory_space<vmem>> -> memref<1x32x128xf32, #tpu.memory_space<vmem>>
      %dma_start3A_279 = tpu.memref_squeeze %dma_start3A_278 : memref<1x32x128xf32, #tpu.memory_space<vmem>> -> memref<32x128xf32, #tpu.memory_space<vmem>>
      %dma_start3A_280 = arith.constant 0 : i32
      %dma_start3A_281 = tpu.memref_slice %arg2[%select_n3A_263, %dma_start3A_280, %mul3A_273] : memref<26x32x100000xf32, #tpu.memory_space<hbm>> -> memref<1x32x128xf32, #tpu.memory_space<hbm>>
      %dma_start3A_282 = tpu.memref_squeeze %dma_start3A_281 : memref<1x32x128xf32, #tpu.memory_space<hbm>> -> memref<32x128xf32, #tpu.memory_space<hbm>>
      %dma_start3A_283 = tpu.memref_slice %arg8[%dma_start3A_275] : memref<3x!tpu.dma_semaphore, #tpu.memory_space<semaphore_mem>> -> memref<1x!tpu.dma_semaphore, #tpu.memory_space<semaphore_mem>>
      %dma_start3A_284 = tpu.memref_squeeze %dma_start3A_283 : memref<1x!tpu.dma_semaphore, #tpu.memory_space<semaphore_mem>> -> memref<!tpu.dma_semaphore, #tpu.memory_space<semaphore_mem>>
      %dma_start3A_285 = arith.constant 0 : i32
      %dma_start3A_286 = arith.constant 0 : i32
      %dma_start3A_287 = tpu.memref_slice %arg5[%dma_start3A_274, %dma_start3A_285, %dma_start3A_286] : memref<3x32x129xf32, #tpu.memory_space<vmem>> -> memref<1x32x128xf32, #tpu.memory_space<vmem>>
      %dma_start3A_288 = tpu.memref_squeeze %dma_start3A_287 : memref<1x32x128xf32, #tpu.memory_space<vmem>> -> memref<32x128xf32, #tpu.memory_space<vmem>>
      %dma_start3A_289 = arith.constant 0 : i32
      %dma_start3A_290 = tpu.memref_slice %arg2[%select_n3A_263, %dma_start3A_289, %mul3A_273] : memref<26x32x100000xf32, #tpu.memory_space<hbm>> -> memref<1x32x128xf32, #tpu.memory_space<hbm>>
      %dma_start3A_291 = tpu.memref_squeeze %dma_start3A_290 : memref<1x32x128xf32, #tpu.memory_space<hbm>> -> memref<32x128xf32, #tpu.memory_space<hbm>>
      tpu.enqueue_dma source(%dma_start3A_291 : memref<32x128xf32, #tpu.memory_space<hbm>>) target(%dma_start3A_288 : memref<32x128xf32, #tpu.memory_space<vmem>>) target_semaphore(%dma_start3A_284 : memref<!tpu.dma_semaphore, #tpu.memory_space<semaphore_mem>>)
    } else {
    }
    %add3A_145 = arith.constant 0 : i32
    %add3A_146 = arith.constant 1 : i32
    %add3A_147 = arith.addi %add3A_145, %add3A_146 : i32
    %ge3A = arith.cmpi sge, %add3A_147, %select_n3A : i32
    %add3A_148 = arith.constant 0 : i32
    %add3A_149 = arith.constant 1 : i32
    %add3A_150 = arith.addi %add3A_148, %add3A_149 : i32
    %jit3A_151 = arith.constant 0 : i32
    %select_n3A_152 = arith.select %ge3A, %add3A_150, %jit3A_151 : i32
    %add3A_153 = arith.constant 0 : i32
    %add3A_154 = arith.constant 1 : i32
    %add3A_155 = arith.addi %add3A_153, %add3A_154 : i32
    %jit3A_156 = arith.constant 0 : i32
    %select_n3A_157 = arith.select %ge3A, %jit3A_156, %add3A_155 : i32
    %add3A_158 = arith.constant 1 : i32
    %add3A_159 = arith.addi %select_n3A_157, %add3A_158 : i32
    %ge3A_160 = arith.cmpi sge, %add3A_159, %select_n3A : i32
    %add3A_161 = arith.constant 1 : i32
    %add3A_162 = arith.addi %select_n3A_152, %add3A_161 : i32
    %select_n3A_163 = arith.select %ge3A_160, %add3A_162, %select_n3A_152 : i32
    %add3A_164 = arith.constant 1 : i32
    %add3A_165 = arith.addi %select_n3A_157, %add3A_164 : i32
    %jit3A_166 = arith.constant 0 : i32
    %select_n3A_167 = arith.select %ge3A_160, %jit3A_166, %add3A_165 : i32
    %while3A = arith.constant 0 : i32
    %while3A_168 = arith.constant 0 : i32
    %while3A_169 = arith.constant 0 : i32
    %while3A_170 = arith.subi %mul3A_122, %while3A : i32
    %while3A_171 = arith.addi %while3A, %while3A_170 : i32
    %while3A_172 = arith.constant 1 : i32
    %while3A_173 = arith.divsi %while3A_170, %while3A_172 : i32
    %while3A_174 = arith.muli %while3A_173, %while3A_172 : i32
    %while3A_175 = arith.addi %while3A, %while3A_174 : i32
    %while3A_176 = arith.constant 1 : i32
    %while3A_177:4 = scf.for %while3A_255 = %while3A to %while3A_175 step %while3A_176 iter_args(%while3A_256 = %while3A_168, %while3A_257 = %while3A_169, %while3A_258 = %select_n3A_163, %while3A_259 = %select_n3A_167) -> (i32, i32, i32, i32)  : i32 {
      %add3A_260 = arith.constant 2 : i32
      %add3A_261 = arith.addi %while3A_255, %add3A_260 : i32
      %lt3A_262 = arith.cmpi slt, %add3A_261, %mul3A_122 : i32
      %convert_element_type3A_263 = arith.extui %lt3A_262 : i1 to i32
      %cond3A_264 = arith.constant 0 : i32
      %cond3A_265 = arith.cmpi ne, %convert_element_type3A_263, %cond3A_264 : i32
      scf.if %cond3A_265 {
        %mul3A_385 = arith.constant 32 : i32
        %mul3A_386 = arith.muli %while3A_259, %mul3A_385 : i32
        %add3A_387 = arith.addi %add3A, %mul3A_386 : i32
        %add3A_388 = arith.constant 2 : i32
        %add3A_389 = arith.addi %while3A_255, %add3A_388 : i32
        %jit3A_390 = arith.constant 3 : i32
        %eq3A_391 = arith.constant 0 : i32
        %eq3A_392 = arith.cmpi eq, %jit3A_390, %eq3A_391 : i32
        %jit3A_393 = arith.constant 1 : i32
        %select_n3A_394 = arith.select %eq3A_392, %jit3A_393, %jit3A_390 : i32
        %rem3A_395 = arith.remsi %add3A_389, %select_n3A_394 : i32
        %ne3A_396 = arith.constant 0 : i32
        %ne3A_397 = arith.cmpi ne, %rem3A_395, %ne3A_396 : i32
        %lt3A_398 = arith.constant 0 : i32
        %lt3A_399 = arith.cmpi slt, %rem3A_395, %lt3A_398 : i32
        %lt3A_400 = arith.constant 0 : i32
        %lt3A_401 = arith.cmpi slt, %select_n3A_394, %lt3A_400 : i32
        %ne3A_402 = arith.xori %lt3A_399, %lt3A_401 : i1
        %and3A_403 = arith.andi %ne3A_402, %ne3A_397 : i1
        %add3A_404 = arith.addi %rem3A_395, %select_n3A_394 : i32
        %select_n3A_405 = arith.select %and3A_403, %add3A_404, %rem3A_395 : i32
        %mul3A_406 = arith.constant 128 : i32
        %mul3A_407 = arith.muli %add3A_387, %mul3A_406 : i32
        %dma_start3A_408 = arith.constant 0 : i32
        %dma_start3A_409 = arith.constant 0 : i32
        %dma_start3A_410 = tpu.memref_slice %arg5[%select_n3A_405, %dma_start3A_408, %dma_start3A_409] : memref<3x32x129xf32, #tpu.memory_space<vmem>> -> memref<1x32x128xf32, #tpu.memory_space<vmem>>
        %dma_start3A_411 = tpu.memref_squeeze %dma_start3A_410 : memref<1x32x128xf32, #tpu.memory_space<vmem>> -> memref<32x128xf32, #tpu.memory_space<vmem>>
        %dma_start3A_412 = arith.constant 0 : i32
        %dma_start3A_413 = tpu.memref_slice %arg2[%while3A_258, %dma_start3A_412, %mul3A_407] : memref<26x32x100000xf32, #tpu.memory_space<hbm>> -> memref<1x32x128xf32, #tpu.memory_space<hbm>>
        %dma_start3A_414 = tpu.memref_squeeze %dma_start3A_413 : memref<1x32x128xf32, #tpu.memory_space<hbm>> -> memref<32x128xf32, #tpu.memory_space<hbm>>
        %dma_start3A_415 = tpu.memref_slice %arg8[%select_n3A_405] : memref<3x!tpu.dma_semaphore, #tpu.memory_space<semaphore_mem>> -> memref<1x!tpu.dma_semaphore, #tpu.memory_space<semaphore_mem>>
        %dma_start3A_416 = tpu.memref_squeeze %dma_start3A_415 : memref<1x!tpu.dma_semaphore, #tpu.memory_space<semaphore_mem>> -> memref<!tpu.dma_semaphore, #tpu.memory_space<semaphore_mem>>
        %dma_start3A_417 = arith.constant 0 : i32
        %dma_start3A_418 = arith.constant 0 : i32
        %dma_start3A_419 = tpu.memref_slice %arg5[%select_n3A_405, %dma_start3A_417, %dma_start3A_418] : memref<3x32x129xf32, #tpu.memory_space<vmem>> -> memref<1x32x128xf32, #tpu.memory_space<vmem>>
        %dma_start3A_420 = tpu.memref_squeeze %dma_start3A_419 : memref<1x32x128xf32, #tpu.memory_space<vmem>> -> memref<32x128xf32, #tpu.memory_space<vmem>>
        %dma_start3A_421 = arith.constant 0 : i32
        %dma_start3A_422 = tpu.memref_slice %arg2[%while3A_258, %dma_start3A_421, %mul3A_407] : memref<26x32x100000xf32, #tpu.memory_space<hbm>> -> memref<1x32x128xf32, #tpu.memory_space<hbm>>
        %dma_start3A_423 = tpu.memref_squeeze %dma_start3A_422 : memref<1x32x128xf32, #tpu.memory_space<hbm>> -> memref<32x128xf32, #tpu.memory_space<hbm>>
        tpu.enqueue_dma source(%dma_start3A_423 : memref<32x128xf32, #tpu.memory_space<hbm>>) target(%dma_start3A_420 : memref<32x128xf32, #tpu.memory_space<vmem>>) target_semaphore(%dma_start3A_416 : memref<!tpu.dma_semaphore, #tpu.memory_space<semaphore_mem>>)
      } else {
      }
      %jit3A_266 = arith.constant 3 : i32
      %eq3A_267 = arith.constant 0 : i32
      %eq3A_268 = arith.cmpi eq, %jit3A_266, %eq3A_267 : i32
      %jit3A_269 = arith.constant 1 : i32
      %select_n3A_270 = arith.select %eq3A_268, %jit3A_269, %jit3A_266 : i32
      %rem3A_271 = arith.remsi %while3A_255, %select_n3A_270 : i32
      %ne3A_272 = arith.constant 0 : i32
      %ne3A_273 = arith.cmpi ne, %rem3A_271, %ne3A_272 : i32
      %lt3A_274 = arith.constant 0 : i32
      %lt3A_275 = arith.cmpi slt, %rem3A_271, %lt3A_274 : i32
      %lt3A_276 = arith.constant 0 : i32
      %lt3A_277 = arith.cmpi slt, %select_n3A_270, %lt3A_276 : i32
      %ne3A_278 = arith.xori %lt3A_275, %lt3A_277 : i1
      %and3A_279 = arith.andi %ne3A_278, %ne3A_273 : i1
      %add3A_280 = arith.addi %rem3A_271, %select_n3A_270 : i32
      %select_n3A_281 = arith.select %and3A_279, %add3A_280, %rem3A_271 : i32
      %dma_wait3A_282 = arith.constant 0 : i32
      %dma_wait3A_283 = arith.constant 0 : i32
      %dma_wait3A_284 = arith.constant 0 : i32
      %dma_wait3A_285 = arith.constant 0 : i32
      %dma_wait3A_286 = tpu.memref_slice %arg5[%dma_wait3A_283, %dma_wait3A_284, %dma_wait3A_285] : memref<3x32x129xf32, #tpu.memory_space<vmem>> -> memref<1x32x128xf32, #tpu.memory_space<vmem>>
      %dma_wait3A_287 = tpu.memref_squeeze %dma_wait3A_286 : memref<1x32x128xf32, #tpu.memory_space<vmem>> -> memref<32x128xf32, #tpu.memory_space<vmem>>
      %dma_wait3A_288 = arith.constant 0 : i32
      %dma_wait3A_289 = arith.constant 0 : i32
      %dma_wait3A_290 = tpu.memref_slice %arg2[%dma_wait3A_282, %dma_wait3A_288, %dma_wait3A_289] : memref<26x32x100000xf32, #tpu.memory_space<hbm>> -> memref<1x32x128xf32, #tpu.memory_space<hbm>>
      %dma_wait3A_291 = tpu.memref_squeeze %dma_wait3A_290 : memref<1x32x128xf32, #tpu.memory_space<hbm>> -> memref<32x128xf32, #tpu.memory_space<hbm>>
      %dma_wait3A_292 = tpu.memref_slice %arg8[%select_n3A_281] : memref<3x!tpu.dma_semaphore, #tpu.memory_space<semaphore_mem>> -> memref<1x!tpu.dma_semaphore, #tpu.memory_space<semaphore_mem>>
      %dma_wait3A_293 = tpu.memref_squeeze %dma_wait3A_292 : memref<1x!tpu.dma_semaphore, #tpu.memory_space<semaphore_mem>> -> memref<!tpu.dma_semaphore, #tpu.memory_space<semaphore_mem>>
      %dma_wait3A_294 = arith.constant 0 : i32
      %dma_wait3A_295 = arith.constant 0 : i32
      %dma_wait3A_296 = tpu.memref_slice %arg5[%dma_wait3A_283, %dma_wait3A_294, %dma_wait3A_295] : memref<3x32x129xf32, #tpu.memory_space<vmem>> -> memref<1x32x128xf32, #tpu.memory_space<vmem>>
      %dma_wait3A_297 = tpu.memref_squeeze %dma_wait3A_296 : memref<1x32x128xf32, #tpu.memory_space<vmem>> -> memref<32x128xf32, #tpu.memory_space<vmem>>
      %dma_wait3A_298 = arith.constant 0 : i32
      %dma_wait3A_299 = arith.constant 0 : i32
      %dma_wait3A_300 = tpu.memref_slice %arg2[%dma_wait3A_282, %dma_wait3A_298, %dma_wait3A_299] : memref<26x32x100000xf32, #tpu.memory_space<hbm>> -> memref<1x32x128xf32, #tpu.memory_space<hbm>>
      %dma_wait3A_301 = tpu.memref_squeeze %dma_wait3A_300 : memref<1x32x128xf32, #tpu.memory_space<hbm>> -> memref<32x128xf32, #tpu.memory_space<hbm>>
      tpu.wait_dma2 semaphore(%dma_wait3A_293 : memref<!tpu.dma_semaphore, #tpu.memory_space<semaphore_mem>>) src(%dma_wait3A_301 : memref<32x128xf32, #tpu.memory_space<hbm>>) dst(%dma_wait3A_297 : memref<32x128xf32, #tpu.memory_space<vmem>>)
      %ge3A_302 = arith.constant 2 : i32
      %ge3A_303 = arith.cmpi sge, %while3A_255, %ge3A_302 : i32
      %convert_element_type3A_304 = arith.extui %ge3A_303 : i1 to i32
      %cond3A_305 = arith.constant 0 : i32
      %cond3A_306 = arith.cmpi ne, %convert_element_type3A_304, %cond3A_305 : i32
      scf.if %cond3A_306 {
        %jit3A_385 = arith.constant 2 : i32
        %eq3A_386 = arith.constant 0 : i32
        %eq3A_387 = arith.cmpi eq, %jit3A_385, %eq3A_386 : i32
        %jit3A_388 = arith.constant 1 : i32
        %select_n3A_389 = arith.select %eq3A_387, %jit3A_388, %jit3A_385 : i32
        %rem3A_390 = arith.remsi %while3A_255, %select_n3A_389 : i32
        %ne3A_391 = arith.constant 0 : i32
        %ne3A_392 = arith.cmpi ne, %rem3A_390, %ne3A_391 : i32
        %lt3A_393 = arith.constant 0 : i32
        %lt3A_394 = arith.cmpi slt, %rem3A_390, %lt3A_393 : i32
        %lt3A_395 = arith.constant 0 : i32
        %lt3A_396 = arith.cmpi slt, %select_n3A_389, %lt3A_395 : i32
        %ne3A_397 = arith.xori %lt3A_394, %lt3A_396 : i1
        %and3A_398 = arith.andi %ne3A_397, %ne3A_392 : i1
        %add3A_399 = arith.addi %rem3A_390, %select_n3A_389 : i32
        %select_n3A_400 = arith.select %and3A_398, %add3A_399, %rem3A_390 : i32
        %dma_wait3A_401 = arith.constant 0 : i32
        %dma_wait3A_402 = arith.constant 0 : i32
        %dma_wait3A_403 = arith.constant 0 : i32
        %dma_wait3A_404 = arith.constant 0 : i32
        %dma_wait3A_405 = tpu.memref_slice %arg6[%dma_wait3A_401, %dma_wait3A_403, %dma_wait3A_404] : memref<2x32x132xf32, #tpu.memory_space<vmem>> -> memref<1x32x128xf32, #tpu.memory_space<vmem>>
        %dma_wait3A_406 = tpu.memref_squeeze %dma_wait3A_405 : memref<1x32x128xf32, #tpu.memory_space<vmem>> -> memref<32x128xf32, #tpu.memory_space<vmem>>
        %dma_wait3A_407 = arith.constant 0 : i32
        %dma_wait3A_408 = arith.constant 0 : i32
        %dma_wait3A_409 = tpu.memref_slice %arg4[%dma_wait3A_402, %dma_wait3A_407, %dma_wait3A_408] : memref<26x25000x128xf32, #tpu.memory_space<hbm>> -> memref<1x32x128xf32, #tpu.memory_space<hbm>>
        %dma_wait3A_410 = tpu.memref_squeeze %dma_wait3A_409 : memref<1x32x128xf32, #tpu.memory_space<hbm>> -> memref<32x128xf32, #tpu.memory_space<hbm>>
        %dma_wait3A_411 = tpu.memref_slice %arg9[%select_n3A_400] : memref<2x!tpu.dma_semaphore, #tpu.memory_space<semaphore_mem>> -> memref<1x!tpu.dma_semaphore, #tpu.memory_space<semaphore_mem>>
        %dma_wait3A_412 = tpu.memref_squeeze %dma_wait3A_411 : memref<1x!tpu.dma_semaphore, #tpu.memory_space<semaphore_mem>> -> memref<!tpu.dma_semaphore, #tpu.memory_space<semaphore_mem>>
        %dma_wait3A_413 = arith.constant 0 : i32
        %dma_wait3A_414 = arith.constant 0 : i32
        %dma_wait3A_415 = tpu.memref_slice %arg4[%dma_wait3A_402, %dma_wait3A_413, %dma_wait3A_414] : memref<26x25000x128xf32, #tpu.memory_space<hbm>> -> memref<1x32x128xf32, #tpu.memory_space<hbm>>
        %dma_wait3A_416 = tpu.memref_squeeze %dma_wait3A_415 : memref<1x32x128xf32, #tpu.memory_space<hbm>> -> memref<32x128xf32, #tpu.memory_space<hbm>>
        %dma_wait3A_417 = arith.constant 0 : i32
        %dma_wait3A_418 = arith.constant 0 : i32
        %dma_wait3A_419 = tpu.memref_slice %arg6[%dma_wait3A_401, %dma_wait3A_417, %dma_wait3A_418] : memref<2x32x132xf32, #tpu.memory_space<vmem>> -> memref<1x32x128xf32, #tpu.memory_space<vmem>>
        %dma_wait3A_420 = tpu.memref_squeeze %dma_wait3A_419 : memref<1x32x128xf32, #tpu.memory_space<vmem>> -> memref<32x128xf32, #tpu.memory_space<vmem>>
        tpu.wait_dma2 semaphore(%dma_wait3A_412 : memref<!tpu.dma_semaphore, #tpu.memory_space<semaphore_mem>>) src(%dma_wait3A_420 : memref<32x128xf32, #tpu.memory_space<vmem>>) dst(%dma_wait3A_416 : memref<32x128xf32, #tpu.memory_space<hbm>>)
      } else {
      }
      %mul3A_307 = arith.constant 32 : i32
      %mul3A_308 = arith.muli %while3A_257, %mul3A_307 : i32
      %add3A_309 = arith.addi %add3A, %mul3A_308 : i32
      %jit3A_310 = arith.constant 3 : i32
      %eq3A_311 = arith.constant 0 : i32
      %eq3A_312 = arith.cmpi eq, %jit3A_310, %eq3A_311 : i32
      %jit3A_313 = arith.constant 1 : i32
      %select_n3A_314 = arith.select %eq3A_312, %jit3A_313, %jit3A_310 : i32
      %rem3A_315 = arith.remsi %while3A_255, %select_n3A_314 : i32
      %ne3A_316 = arith.constant 0 : i32
      %ne3A_317 = arith.cmpi ne, %rem3A_315, %ne3A_316 : i32
      %lt3A_318 = arith.constant 0 : i32
      %lt3A_319 = arith.cmpi slt, %rem3A_315, %lt3A_318 : i32
      %lt3A_320 = arith.constant 0 : i32
      %lt3A_321 = arith.cmpi slt, %select_n3A_314, %lt3A_320 : i32
      %ne3A_322 = arith.xori %lt3A_319, %lt3A_321 : i1
      %and3A_323 = arith.andi %ne3A_322, %ne3A_317 : i1
      %add3A_324 = arith.addi %rem3A_315, %select_n3A_314 : i32
      %select_n3A_325 = arith.select %and3A_323, %add3A_324, %rem3A_315 : i32
      %jit3A_326 = arith.constant 2 : i32
      %eq3A_327 = arith.constant 0 : i32
      %eq3A_328 = arith.cmpi eq, %jit3A_326, %eq3A_327 : i32
      %jit3A_329 = arith.constant 1 : i32
      %select_n3A_330 = arith.select %eq3A_328, %jit3A_329, %jit3A_326 : i32
      %rem3A_331 = arith.remsi %while3A_255, %select_n3A_330 : i32
      %ne3A_332 = arith.constant 0 : i32
      %ne3A_333 = arith.cmpi ne, %rem3A_331, %ne3A_332 : i32
      %lt3A_334 = arith.constant 0 : i32
      %lt3A_335 = arith.cmpi slt, %rem3A_331, %lt3A_334 : i32
      %lt3A_336 = arith.constant 0 : i32
      %lt3A_337 = arith.cmpi slt, %select_n3A_330, %lt3A_336 : i32
      %ne3A_338 = arith.xori %lt3A_335, %lt3A_337 : i1
      %and3A_339 = arith.andi %ne3A_338, %ne3A_333 : i1
      %add3A_340 = arith.addi %rem3A_331, %select_n3A_330 : i32
      %select_n3A_341 = arith.select %and3A_339, %add3A_340, %rem3A_331 : i32
      %scan3A = arith.constant 0 : i32
      %scan3A_342 = arith.constant 0 : i32
      %scan3A_343 = arith.constant 16 : i32
      %scan3A_344 = arith.addi %scan3A_342, %scan3A_343 : i32
      %scan3A_345 = arith.constant 1 : i32
      scf.for %scan3A_385 = %scan3A_342 to %scan3A_344 step %scan3A_345  : i32 {
        %mul3A_386 = arith.constant 2 : i32
        %mul3A_387 = arith.muli %scan3A_385, %mul3A_386 : i32
        %add3A_388 = arith.constant 0 : i32
        %add3A_389 = arith.addi %mul3A_387, %add3A_388 : i32
        %broadcast_in_dim3A = vector.broadcast %add3A_389 : i32 to vector<16xi32>
        %get3A = arith.index_cast %select_n3A_325 : i32 to index
        %get3A_390 = arith.index_cast %add3A_389 : i32 to index
        %get3A_391 = arith.constant 0 : index
        %get3A_392 = tpu.vector_load %arg5[%get3A, %get3A_390, %get3A_391] {strides = array<i32>} : memref<3x32x129xf32, #tpu.memory_space<vmem>>, vector<16xf32>,
        %add3A_393 = arith.addi %mul3A_55, %broadcast_in_dim3A : vector<16xi32>
        %scatter3A = arith.constant 0 : i32
        %scatter3A_394 = arith.constant 0 : i32
        %scatter3A_395 = tpu.memref_slice %arg6[%select_n3A_341, %scatter3A, %scatter3A_394] : memref<2x32x132xf32, #tpu.memory_space<vmem>> -> memref<1x32x132xf32, #tpu.memory_space<vmem>>
        %scatter3A_396 = tpu.memref_squeeze %scatter3A_395 : memref<1x32x132xf32, #tpu.memory_space<vmem>> -> memref<32x132xf32, #tpu.memory_space<vmem>>
        tpu.vector_store_idx %scatter3A_396[%shift_right_arithmetic3A_5, %add3A_393], %get3A_392 : memref<32x132xf32, #tpu.memory_space<vmem>>[vector<16xi32>, vector<16xi32>], vector<16xf32>,
        %get3A_397 = arith.index_cast %select_n3A_325 : i32 to index
        %get3A_398 = arith.index_cast %add3A_389 : i32 to index
        %get3A_399 = arith.constant 16 : index
        %get3A_400 = tpu.vector_load %arg5[%get3A_397, %get3A_398, %get3A_399] {strides = array<i32>} : memref<3x32x129xf32, #tpu.memory_space<vmem>>, vector<16xf32>,
        %add3A_401 = arith.addi %mul3A_64, %broadcast_in_dim3A : vector<16xi32>
        %scatter3A_402 = arith.constant 0 : i32
        %scatter3A_403 = arith.constant 0 : i32
        %scatter3A_404 = tpu.memref_slice %arg6[%select_n3A_341, %scatter3A_402, %scatter3A_403] : memref<2x32x132xf32, #tpu.memory_space<vmem>> -> memref<1x32x132xf32, #tpu.memory_space<vmem>>
        %scatter3A_405 = tpu.memref_squeeze %scatter3A_404 : memref<1x32x132xf32, #tpu.memory_space<vmem>> -> memref<32x132xf32, #tpu.memory_space<vmem>>
        tpu.vector_store_idx %scatter3A_405[%shift_right_arithmetic3A_11, %add3A_401], %get3A_400 : memref<32x132xf32, #tpu.memory_space<vmem>>[vector<16xi32>, vector<16xi32>], vector<16xf32>,
        %get3A_406 = arith.index_cast %select_n3A_325 : i32 to index
        %get3A_407 = arith.index_cast %add3A_389 : i32 to index
        %get3A_408 = arith.constant 32 : index
        %get3A_409 = tpu.vector_load %arg5[%get3A_406, %get3A_407, %get3A_408] {strides = array<i32>} : memref<3x32x129xf32, #tpu.memory_space<vmem>>, vector<16xf32>,
        %add3A_410 = arith.addi %mul3A_73, %broadcast_in_dim3A : vector<16xi32>
        %scatter3A_411 = arith.constant 0 : i32
        %scatter3A_412 = arith.constant 0 : i32
        %scatter3A_413 = tpu.memref_slice %arg6[%select_n3A_341, %scatter3A_411, %scatter3A_412] : memref<2x32x132xf32, #tpu.memory_space<vmem>> -> memref<1x32x132xf32, #tpu.memory_space<vmem>>
        %scatter3A_414 = tpu.memref_squeeze %scatter3A_413 : memref<1x32x132xf32, #tpu.memory_space<vmem>> -> memref<32x132xf32, #tpu.memory_space<vmem>>
        tpu.vector_store_idx %scatter3A_414[%shift_right_arithmetic3A_17, %add3A_410], %get3A_409 : memref<32x132xf32, #tpu.memory_space<vmem>>[vector<16xi32>, vector<16xi32>], vector<16xf32>,
        %get3A_415 = arith.index_cast %select_n3A_325 : i32 to index
        %get3A_416 = arith.index_cast %add3A_389 : i32 to index
        %get3A_417 = arith.constant 48 : index
        %get3A_418 = tpu.vector_load %arg5[%get3A_415, %get3A_416, %get3A_417] {strides = array<i32>} : memref<3x32x129xf32, #tpu.memory_space<vmem>>, vector<16xf32>,
        %add3A_419 = arith.addi %mul3A_82, %broadcast_in_dim3A : vector<16xi32>
        %scatter3A_420 = arith.constant 0 : i32
        %scatter3A_421 = arith.constant 0 : i32
        %scatter3A_422 = tpu.memref_slice %arg6[%select_n3A_341, %scatter3A_420, %scatter3A_421] : memref<2x32x132xf32, #tpu.memory_space<vmem>> -> memref<1x32x132xf32, #tpu.memory_space<vmem>>
        %scatter3A_423 = tpu.memref_squeeze %scatter3A_422 : memref<1x32x132xf32, #tpu.memory_space<vmem>> -> memref<32x132xf32, #tpu.memory_space<vmem>>
        tpu.vector_store_idx %scatter3A_423[%shift_right_arithmetic3A_23, %add3A_419], %get3A_418 : memref<32x132xf32, #tpu.memory_space<vmem>>[vector<16xi32>, vector<16xi32>], vector<16xf32>,
        %get3A_424 = arith.index_cast %select_n3A_325 : i32 to index
        %get3A_425 = arith.index_cast %add3A_389 : i32 to index
        %get3A_426 = arith.constant 64 : index
        %get3A_427 = tpu.vector_load %arg5[%get3A_424, %get3A_425, %get3A_426] {strides = array<i32>} : memref<3x32x129xf32, #tpu.memory_space<vmem>>, vector<16xf32>,
        %add3A_428 = arith.addi %mul3A_91, %broadcast_in_dim3A : vector<16xi32>
        %scatter3A_429 = arith.constant 0 : i32
        %scatter3A_430 = arith.constant 0 : i32
        %scatter3A_431 = tpu.memref_slice %arg6[%select_n3A_341, %scatter3A_429, %scatter3A_430] : memref<2x32x132xf32, #tpu.memory_space<vmem>> -> memref<1x32x132xf32, #tpu.memory_space<vmem>>
        %scatter3A_432 = tpu.memref_squeeze %scatter3A_431 : memref<1x32x132xf32, #tpu.memory_space<vmem>> -> memref<32x132xf32, #tpu.memory_space<vmem>>
        tpu.vector_store_idx %scatter3A_432[%shift_right_arithmetic3A_29, %add3A_428], %get3A_427 : memref<32x132xf32, #tpu.memory_space<vmem>>[vector<16xi32>, vector<16xi32>], vector<16xf32>,
        %get3A_433 = arith.index_cast %select_n3A_325 : i32 to index
        %get3A_434 = arith.index_cast %add3A_389 : i32 to index
        %get3A_435 = arith.constant 80 : index
        %get3A_436 = tpu.vector_load %arg5[%get3A_433, %get3A_434, %get3A_435] {strides = array<i32>} : memref<3x32x129xf32, #tpu.memory_space<vmem>>, vector<16xf32>,
        %add3A_437 = arith.addi %mul3A_100, %broadcast_in_dim3A : vector<16xi32>
        %scatter3A_438 = arith.constant 0 : i32
        %scatter3A_439 = arith.constant 0 : i32
        %scatter3A_440 = tpu.memref_slice %arg6[%select_n3A_341, %scatter3A_438, %scatter3A_439] : memref<2x32x132xf32, #tpu.memory_space<vmem>> -> memref<1x32x132xf32, #tpu.memory_space<vmem>>
        %scatter3A_441 = tpu.memref_squeeze %scatter3A_440 : memref<1x32x132xf32, #tpu.memory_space<vmem>> -> memref<32x132xf32, #tpu.memory_space<vmem>>
        tpu.vector_store_idx %scatter3A_441[%shift_right_arithmetic3A_35, %add3A_437], %get3A_436 : memref<32x132xf32, #tpu.memory_space<vmem>>[vector<16xi32>, vector<16xi32>], vector<16xf32>,
        %get3A_442 = arith.index_cast %select_n3A_325 : i32 to index
        %get3A_443 = arith.index_cast %add3A_389 : i32 to index
        %get3A_444 = arith.constant 96 : index
        %get3A_445 = tpu.vector_load %arg5[%get3A_442, %get3A_443, %get3A_444] {strides = array<i32>} : memref<3x32x129xf32, #tpu.memory_space<vmem>>, vector<16xf32>,
        %add3A_446 = arith.addi %mul3A_109, %broadcast_in_dim3A : vector<16xi32>
        %scatter3A_447 = arith.constant 0 : i32
        %scatter3A_448 = arith.constant 0 : i32
        %scatter3A_449 = tpu.memref_slice %arg6[%select_n3A_341, %scatter3A_447, %scatter3A_448] : memref<2x32x132xf32, #tpu.memory_space<vmem>> -> memref<1x32x132xf32, #tpu.memory_space<vmem>>
        %scatter3A_450 = tpu.memref_squeeze %scatter3A_449 : memref<1x32x132xf32, #tpu.memory_space<vmem>> -> memref<32x132xf32, #tpu.memory_space<vmem>>
        tpu.vector_store_idx %scatter3A_450[%shift_right_arithmetic3A_41, %add3A_446], %get3A_445 : memref<32x132xf32, #tpu.memory_space<vmem>>[vector<16xi32>, vector<16xi32>], vector<16xf32>,
        %get3A_451 = arith.index_cast %select_n3A_325 : i32 to index
        %get3A_452 = arith.index_cast %add3A_389 : i32 to index
        %get3A_453 = arith.constant 112 : index
        %get3A_454 = tpu.vector_load %arg5[%get3A_451, %get3A_452, %get3A_453] {strides = array<i32>} : memref<3x32x129xf32, #tpu.memory_space<vmem>>, vector<16xf32>,
        %add3A_455 = arith.addi %mul3A_118, %broadcast_in_dim3A : vector<16xi32>
        %scatter3A_456 = arith.constant 0 : i32
        %scatter3A_457 = arith.constant 0 : i32
        %scatter3A_458 = tpu.memref_slice %arg6[%select_n3A_341, %scatter3A_456, %scatter3A_457] : memref<2x32x132xf32, #tpu.memory_space<vmem>> -> memref<1x32x132xf32, #tpu.memory_space<vmem>>
        %scatter3A_459 = tpu.memref_squeeze %scatter3A_458 : memref<1x32x132xf32, #tpu.memory_space<vmem>> -> memref<32x132xf32, #tpu.memory_space<vmem>>
        tpu.vector_store_idx %scatter3A_459[%shift_right_arithmetic3A_47, %add3A_455], %get3A_454 : memref<32x132xf32, #tpu.memory_space<vmem>>[vector<16xi32>, vector<16xi32>], vector<16xf32>,
        %mul3A_460 = arith.constant 2 : i32
        %mul3A_461 = arith.muli %scan3A_385, %mul3A_460 : i32
        %add3A_462 = arith.constant 1 : i32
        %add3A_463 = arith.addi %mul3A_461, %add3A_462 : i32
        %broadcast_in_dim3A_464 = vector.broadcast %add3A_463 : i32 to vector<16xi32>
        %get3A_465 = arith.index_cast %select_n3A_325 : i32 to index
        %get3A_466 = arith.index_cast %add3A_463 : i32 to index
        %get3A_467 = arith.constant 0 : index
        %get3A_468 = tpu.vector_load %arg5[%get3A_465, %get3A_466, %get3A_467] {strides = array<i32>} : memref<3x32x129xf32, #tpu.memory_space<vmem>>, vector<16xf32>,
        %add3A_469 = arith.addi %mul3A_55, %broadcast_in_dim3A_464 : vector<16xi32>
        %scatter3A_470 = arith.constant 0 : i32
        %scatter3A_471 = arith.constant 0 : i32
        %scatter3A_472 = tpu.memref_slice %arg6[%select_n3A_341, %scatter3A_470, %scatter3A_471] : memref<2x32x132xf32, #tpu.memory_space<vmem>> -> memref<1x32x132xf32, #tpu.memory_space<vmem>>
        %scatter3A_473 = tpu.memref_squeeze %scatter3A_472 : memref<1x32x132xf32, #tpu.memory_space<vmem>> -> memref<32x132xf32, #tpu.memory_space<vmem>>
        tpu.vector_store_idx %scatter3A_473[%shift_right_arithmetic3A_5, %add3A_469], %get3A_468 : memref<32x132xf32, #tpu.memory_space<vmem>>[vector<16xi32>, vector<16xi32>], vector<16xf32>,
        %get3A_474 = arith.index_cast %select_n3A_325 : i32 to index
        %get3A_475 = arith.index_cast %add3A_463 : i32 to index
        %get3A_476 = arith.constant 16 : index
        %get3A_477 = tpu.vector_load %arg5[%get3A_474, %get3A_475, %get3A_476] {strides = array<i32>} : memref<3x32x129xf32, #tpu.memory_space<vmem>>, vector<16xf32>,
        %add3A_478 = arith.addi %mul3A_64, %broadcast_in_dim3A_464 : vector<16xi32>
        %scatter3A_479 = arith.constant 0 : i32
        %scatter3A_480 = arith.constant 0 : i32
        %scatter3A_481 = tpu.memref_slice %arg6[%select_n3A_341, %scatter3A_479, %scatter3A_480] : memref<2x32x132xf32, #tpu.memory_space<vmem>> -> memref<1x32x132xf32, #tpu.memory_space<vmem>>
        %scatter3A_482 = tpu.memref_squeeze %scatter3A_481 : memref<1x32x132xf32, #tpu.memory_space<vmem>> -> memref<32x132xf32, #tpu.memory_space<vmem>>
        tpu.vector_store_idx %scatter3A_482[%shift_right_arithmetic3A_11, %add3A_478], %get3A_477 : memref<32x132xf32, #tpu.memory_space<vmem>>[vector<16xi32>, vector<16xi32>], vector<16xf32>,
        %get3A_483 = arith.index_cast %select_n3A_325 : i32 to index
        %get3A_484 = arith.index_cast %add3A_463 : i32 to index
        %get3A_485 = arith.constant 32 : index
        %get3A_486 = tpu.vector_load %arg5[%get3A_483, %get3A_484, %get3A_485] {strides = array<i32>} : memref<3x32x129xf32, #tpu.memory_space<vmem>>, vector<16xf32>,
        %add3A_487 = arith.addi %mul3A_73, %broadcast_in_dim3A_464 : vector<16xi32>
        %scatter3A_488 = arith.constant 0 : i32
        %scatter3A_489 = arith.constant 0 : i32
        %scatter3A_490 = tpu.memref_slice %arg6[%select_n3A_341, %scatter3A_488, %scatter3A_489] : memref<2x32x132xf32, #tpu.memory_space<vmem>> -> memref<1x32x132xf32, #tpu.memory_space<vmem>>
        %scatter3A_491 = tpu.memref_squeeze %scatter3A_490 : memref<1x32x132xf32, #tpu.memory_space<vmem>> -> memref<32x132xf32, #tpu.memory_space<vmem>>
        tpu.vector_store_idx %scatter3A_491[%shift_right_arithmetic3A_17, %add3A_487], %get3A_486 : memref<32x132xf32, #tpu.memory_space<vmem>>[vector<16xi32>, vector<16xi32>], vector<16xf32>,
        %get3A_492 = arith.index_cast %select_n3A_325 : i32 to index
        %get3A_493 = arith.index_cast %add3A_463 : i32 to index
        %get3A_494 = arith.constant 48 : index
        %get3A_495 = tpu.vector_load %arg5[%get3A_492, %get3A_493, %get3A_494] {strides = array<i32>} : memref<3x32x129xf32, #tpu.memory_space<vmem>>, vector<16xf32>,
        %add3A_496 = arith.addi %mul3A_82, %broadcast_in_dim3A_464 : vector<16xi32>
        %scatter3A_497 = arith.constant 0 : i32
        %scatter3A_498 = arith.constant 0 : i32
        %scatter3A_499 = tpu.memref_slice %arg6[%select_n3A_341, %scatter3A_497, %scatter3A_498] : memref<2x32x132xf32, #tpu.memory_space<vmem>> -> memref<1x32x132xf32, #tpu.memory_space<vmem>>
        %scatter3A_500 = tpu.memref_squeeze %scatter3A_499 : memref<1x32x132xf32, #tpu.memory_space<vmem>> -> memref<32x132xf32, #tpu.memory_space<vmem>>
        tpu.vector_store_idx %scatter3A_500[%shift_right_arithmetic3A_23, %add3A_496], %get3A_495 : memref<32x132xf32, #tpu.memory_space<vmem>>[vector<16xi32>, vector<16xi32>], vector<16xf32>,
        %get3A_501 = arith.index_cast %select_n3A_325 : i32 to index
        %get3A_502 = arith.index_cast %add3A_463 : i32 to index
        %get3A_503 = arith.constant 64 : index
        %get3A_504 = tpu.vector_load %arg5[%get3A_501, %get3A_502, %get3A_503] {strides = array<i32>} : memref<3x32x129xf32, #tpu.memory_space<vmem>>, vector<16xf32>,
        %add3A_505 = arith.addi %mul3A_91, %broadcast_in_dim3A_464 : vector<16xi32>
        %scatter3A_506 = arith.constant 0 : i32
        %scatter3A_507 = arith.constant 0 : i32
        %scatter3A_508 = tpu.memref_slice %arg6[%select_n3A_341, %scatter3A_506, %scatter3A_507] : memref<2x32x132xf32, #tpu.memory_space<vmem>> -> memref<1x32x132xf32, #tpu.memory_space<vmem>>
        %scatter3A_509 = tpu.memref_squeeze %scatter3A_508 : memref<1x32x132xf32, #tpu.memory_space<vmem>> -> memref<32x132xf32, #tpu.memory_space<vmem>>
        tpu.vector_store_idx %scatter3A_509[%shift_right_arithmetic3A_29, %add3A_505], %get3A_504 : memref<32x132xf32, #tpu.memory_space<vmem>>[vector<16xi32>, vector<16xi32>], vector<16xf32>,
        %get3A_510 = arith.index_cast %select_n3A_325 : i32 to index
        %get3A_511 = arith.index_cast %add3A_463 : i32 to index
        %get3A_512 = arith.constant 80 : index
        %get3A_513 = tpu.vector_load %arg5[%get3A_510, %get3A_511, %get3A_512] {strides = array<i32>} : memref<3x32x129xf32, #tpu.memory_space<vmem>>, vector<16xf32>,
        %add3A_514 = arith.addi %mul3A_100, %broadcast_in_dim3A_464 : vector<16xi32>
        %scatter3A_515 = arith.constant 0 : i32
        %scatter3A_516 = arith.constant 0 : i32
        %scatter3A_517 = tpu.memref_slice %arg6[%select_n3A_341, %scatter3A_515, %scatter3A_516] : memref<2x32x132xf32, #tpu.memory_space<vmem>> -> memref<1x32x132xf32, #tpu.memory_space<vmem>>
        %scatter3A_518 = tpu.memref_squeeze %scatter3A_517 : memref<1x32x132xf32, #tpu.memory_space<vmem>> -> memref<32x132xf32, #tpu.memory_space<vmem>>
        tpu.vector_store_idx %scatter3A_518[%shift_right_arithmetic3A_35, %add3A_514], %get3A_513 : memref<32x132xf32, #tpu.memory_space<vmem>>[vector<16xi32>, vector<16xi32>], vector<16xf32>,
        %get3A_519 = arith.index_cast %select_n3A_325 : i32 to index
        %get3A_520 = arith.index_cast %add3A_463 : i32 to index
        %get3A_521 = arith.constant 96 : index
        %get3A_522 = tpu.vector_load %arg5[%get3A_519, %get3A_520, %get3A_521] {strides = array<i32>} : memref<3x32x129xf32, #tpu.memory_space<vmem>>, vector<16xf32>,
        %add3A_523 = arith.addi %mul3A_109, %broadcast_in_dim3A_464 : vector<16xi32>
        %scatter3A_524 = arith.constant 0 : i32
        %scatter3A_525 = arith.constant 0 : i32
        %scatter3A_526 = tpu.memref_slice %arg6[%select_n3A_341, %scatter3A_524, %scatter3A_525] : memref<2x32x132xf32, #tpu.memory_space<vmem>> -> memref<1x32x132xf32, #tpu.memory_space<vmem>>
        %scatter3A_527 = tpu.memref_squeeze %scatter3A_526 : memref<1x32x132xf32, #tpu.memory_space<vmem>> -> memref<32x132xf32, #tpu.memory_space<vmem>>
        tpu.vector_store_idx %scatter3A_527[%shift_right_arithmetic3A_41, %add3A_523], %get3A_522 : memref<32x132xf32, #tpu.memory_space<vmem>>[vector<16xi32>, vector<16xi32>], vector<16xf32>,
        %get3A_528 = arith.index_cast %select_n3A_325 : i32 to index
        %get3A_529 = arith.index_cast %add3A_463 : i32 to index
        %get3A_530 = arith.constant 112 : index
        %get3A_531 = tpu.vector_load %arg5[%get3A_528, %get3A_529, %get3A_530] {strides = array<i32>} : memref<3x32x129xf32, #tpu.memory_space<vmem>>, vector<16xf32>,
        %add3A_532 = arith.addi %mul3A_118, %broadcast_in_dim3A_464 : vector<16xi32>
        %scatter3A_533 = arith.constant 0 : i32
        %scatter3A_534 = arith.constant 0 : i32
        %scatter3A_535 = tpu.memref_slice %arg6[%select_n3A_341, %scatter3A_533, %scatter3A_534] : memref<2x32x132xf32, #tpu.memory_space<vmem>> -> memref<1x32x132xf32, #tpu.memory_space<vmem>>
        %scatter3A_536 = tpu.memref_squeeze %scatter3A_535 : memref<1x32x132xf32, #tpu.memory_space<vmem>> -> memref<32x132xf32, #tpu.memory_space<vmem>>
        tpu.vector_store_idx %scatter3A_536[%shift_right_arithmetic3A_47, %add3A_532], %get3A_531 : memref<32x132xf32, #tpu.memory_space<vmem>>[vector<16xi32>, vector<16xi32>], vector<16xf32>,
      }
      %scan3A_346 = arith.constant 16 : i32
      %mul3A_347 = arith.constant 32 : i32
      %mul3A_348 = arith.muli %add3A_309, %mul3A_347 : i32
      %dma_start3A_349 = arith.constant 0 : i32
      %dma_start3A_350 = arith.constant 0 : i32
      %dma_start3A_351 = tpu.memref_slice %arg6[%select_n3A_341, %dma_start3A_349, %dma_start3A_350] : memref<2x32x132xf32, #tpu.memory_space<vmem>> -> memref<1x32x128xf32, #tpu.memory_space<vmem>>
      %dma_start3A_352 = tpu.memref_squeeze %dma_start3A_351 : memref<1x32x128xf32, #tpu.memory_space<vmem>> -> memref<32x128xf32, #tpu.memory_space<vmem>>
      %dma_start3A_353 = arith.constant 0 : i32
      %dma_start3A_354 = tpu.memref_slice %arg4[%while3A_256, %mul3A_348, %dma_start3A_353] : memref<26x25000x128xf32, #tpu.memory_space<hbm>> -> memref<1x32x128xf32, #tpu.memory_space<hbm>>
      %dma_start3A_355 = tpu.memref_squeeze %dma_start3A_354 : memref<1x32x128xf32, #tpu.memory_space<hbm>> -> memref<32x128xf32, #tpu.memory_space<hbm>>
      %dma_start3A_356 = tpu.memref_slice %arg9[%select_n3A_341] : memref<2x!tpu.dma_semaphore, #tpu.memory_space<semaphore_mem>> -> memref<1x!tpu.dma_semaphore, #tpu.memory_space<semaphore_mem>>
      %dma_start3A_357 = tpu.memref_squeeze %dma_start3A_356 : memref<1x!tpu.dma_semaphore, #tpu.memory_space<semaphore_mem>> -> memref<!tpu.dma_semaphore, #tpu.memory_space<semaphore_mem>>
      %dma_start3A_358 = arith.constant 0 : i32
      %dma_start3A_359 = tpu.memref_slice %arg4[%while3A_256, %mul3A_348, %dma_start3A_358] : memref<26x25000x128xf32, #tpu.memory_space<hbm>> -> memref<1x32x128xf32, #tpu.memory_space<hbm>>
      %dma_start3A_360 = tpu.memref_squeeze %dma_start3A_359 : memref<1x32x128xf32, #tpu.memory_space<hbm>> -> memref<32x128xf32, #tpu.memory_space<hbm>>
      %dma_start3A_361 = arith.constant 0 : i32
      %dma_start3A_362 = arith.constant 0 : i32
      %dma_start3A_363 = tpu.memref_slice %arg6[%select_n3A_341, %dma_start3A_361, %dma_start3A_362] : memref<2x32x132xf32, #tpu.memory_space<vmem>> -> memref<1x32x128xf32, #tpu.memory_space<vmem>>
      %dma_start3A_364 = tpu.memref_squeeze %dma_start3A_363 : memref<1x32x128xf32, #tpu.memory_space<vmem>> -> memref<32x128xf32, #tpu.memory_space<vmem>>
      tpu.enqueue_dma source(%dma_start3A_364 : memref<32x128xf32, #tpu.memory_space<vmem>>) target(%dma_start3A_360 : memref<32x128xf32, #tpu.memory_space<hbm>>) target_semaphore(%dma_start3A_357 : memref<!tpu.dma_semaphore, #tpu.memory_space<semaphore_mem>>)
      %add3A_365 = arith.constant 1 : i32
      %add3A_366 = arith.addi %while3A_257, %add3A_365 : i32
      %ge3A_367 = arith.cmpi sge, %add3A_366, %select_n3A : i32
      %add3A_368 = arith.constant 1 : i32
      %add3A_369 = arith.addi %while3A_256, %add3A_368 : i32
      %select_n3A_370 = arith.select %ge3A_367, %add3A_369, %while3A_256 : i32
      %add3A_371 = arith.constant 1 : i32
      %add3A_372 = arith.addi %while3A_257, %add3A_371 : i32
      %jit3A_373 = arith.constant 0 : i32
      %select_n3A_374 = arith.select %ge3A_367, %jit3A_373, %add3A_372 : i32
      %add3A_375 = arith.constant 1 : i32
      %add3A_376 = arith.addi %while3A_259, %add3A_375 : i32
      %ge3A_377 = arith.cmpi sge, %add3A_376, %select_n3A : i32
      %add3A_378 = arith.constant 1 : i32
      %add3A_379 = arith.addi %while3A_258, %add3A_378 : i32
      %select_n3A_380 = arith.select %ge3A_377, %add3A_379, %while3A_258 : i32
      %add3A_381 = arith.constant 1 : i32
      %add3A_382 = arith.addi %while3A_259, %add3A_381 : i32
      %jit3A_383 = arith.constant 0 : i32
      %select_n3A_384 = arith.select %ge3A_377, %jit3A_383, %add3A_382 : i32
      scf.yield %select_n3A_370, %select_n3A_374, %select_n3A_380, %select_n3A_384 : i32, i32, i32, i32
    }
    %while3A_178 = arith.constant 1 : i32
    %while3A_179:4 = scf.for %while3A_255 = %while3A_175 to %while3A_171 step %while3A_178 iter_args(%while3A_256 = %while3A_177#0, %while3A_257 = %while3A_177#1, %while3A_258 = %while3A_177#2, %while3A_259 = %while3A_177#3) -> (i32, i32, i32, i32)  : i32 {
      %add3A_260 = arith.constant 2 : i32
      %add3A_261 = arith.addi %while3A_255, %add3A_260 : i32
      %lt3A_262 = arith.cmpi slt, %add3A_261, %mul3A_122 : i32
      %convert_element_type3A_263 = arith.extui %lt3A_262 : i1 to i32
      %cond3A_264 = arith.constant 0 : i32
      %cond3A_265 = arith.cmpi ne, %convert_element_type3A_263, %cond3A_264 : i32
      scf.if %cond3A_265 {
        %mul3A_385 = arith.constant 32 : i32
        %mul3A_386 = arith.muli %while3A_259, %mul3A_385 : i32
        %add3A_387 = arith.addi %add3A, %mul3A_386 : i32
        %add3A_388 = arith.constant 2 : i32
        %add3A_389 = arith.addi %while3A_255, %add3A_388 : i32
        %jit3A_390 = arith.constant 3 : i32
        %eq3A_391 = arith.constant 0 : i32
        %eq3A_392 = arith.cmpi eq, %jit3A_390, %eq3A_391 : i32
        %jit3A_393 = arith.constant 1 : i32
        %select_n3A_394 = arith.select %eq3A_392, %jit3A_393, %jit3A_390 : i32
        %rem3A_395 = arith.remsi %add3A_389, %select_n3A_394 : i32
        %ne3A_396 = arith.constant 0 : i32
        %ne3A_397 = arith.cmpi ne, %rem3A_395, %ne3A_396 : i32
        %lt3A_398 = arith.constant 0 : i32
        %lt3A_399 = arith.cmpi slt, %rem3A_395, %lt3A_398 : i32
        %lt3A_400 = arith.constant 0 : i32
        %lt3A_401 = arith.cmpi slt, %select_n3A_394, %lt3A_400 : i32
        %ne3A_402 = arith.xori %lt3A_399, %lt3A_401 : i1
        %and3A_403 = arith.andi %ne3A_402, %ne3A_397 : i1
        %add3A_404 = arith.addi %rem3A_395, %select_n3A_394 : i32
        %select_n3A_405 = arith.select %and3A_403, %add3A_404, %rem3A_395 : i32
        %mul3A_406 = arith.constant 128 : i32
        %mul3A_407 = arith.muli %add3A_387, %mul3A_406 : i32
        %dma_start3A_408 = arith.constant 0 : i32
        %dma_start3A_409 = arith.constant 0 : i32
        %dma_start3A_410 = tpu.memref_slice %arg5[%select_n3A_405, %dma_start3A_408, %dma_start3A_409] : memref<3x32x129xf32, #tpu.memory_space<vmem>> -> memref<1x32x128xf32, #tpu.memory_space<vmem>>
        %dma_start3A_411 = tpu.memref_squeeze %dma_start3A_410 : memref<1x32x128xf32, #tpu.memory_space<vmem>> -> memref<32x128xf32, #tpu.memory_space<vmem>>
        %dma_start3A_412 = arith.constant 0 : i32
        %dma_start3A_413 = tpu.memref_slice %arg2[%while3A_258, %dma_start3A_412, %mul3A_407] : memref<26x32x100000xf32, #tpu.memory_space<hbm>> -> memref<1x32x128xf32, #tpu.memory_space<hbm>>
        %dma_start3A_414 = tpu.memref_squeeze %dma_start3A_413 : memref<1x32x128xf32, #tpu.memory_space<hbm>> -> memref<32x128xf32, #tpu.memory_space<hbm>>
        %dma_start3A_415 = tpu.memref_slice %arg8[%select_n3A_405] : memref<3x!tpu.dma_semaphore, #tpu.memory_space<semaphore_mem>> -> memref<1x!tpu.dma_semaphore, #tpu.memory_space<semaphore_mem>>
        %dma_start3A_416 = tpu.memref_squeeze %dma_start3A_415 : memref<1x!tpu.dma_semaphore, #tpu.memory_space<semaphore_mem>> -> memref<!tpu.dma_semaphore, #tpu.memory_space<semaphore_mem>>
        %dma_start3A_417 = arith.constant 0 : i32
        %dma_start3A_418 = arith.constant 0 : i32
        %dma_start3A_419 = tpu.memref_slice %arg5[%select_n3A_405, %dma_start3A_417, %dma_start3A_418] : memref<3x32x129xf32, #tpu.memory_space<vmem>> -> memref<1x32x128xf32, #tpu.memory_space<vmem>>
        %dma_start3A_420 = tpu.memref_squeeze %dma_start3A_419 : memref<1x32x128xf32, #tpu.memory_space<vmem>> -> memref<32x128xf32, #tpu.memory_space<vmem>>
        %dma_start3A_421 = arith.constant 0 : i32
        %dma_start3A_422 = tpu.memref_slice %arg2[%while3A_258, %dma_start3A_421, %mul3A_407] : memref<26x32x100000xf32, #tpu.memory_space<hbm>> -> memref<1x32x128xf32, #tpu.memory_space<hbm>>
        %dma_start3A_423 = tpu.memref_squeeze %dma_start3A_422 : memref<1x32x128xf32, #tpu.memory_space<hbm>> -> memref<32x128xf32, #tpu.memory_space<hbm>>
        tpu.enqueue_dma source(%dma_start3A_423 : memref<32x128xf32, #tpu.memory_space<hbm>>) target(%dma_start3A_420 : memref<32x128xf32, #tpu.memory_space<vmem>>) target_semaphore(%dma_start3A_416 : memref<!tpu.dma_semaphore, #tpu.memory_space<semaphore_mem>>)
      } else {
      }
      %jit3A_266 = arith.constant 3 : i32
      %eq3A_267 = arith.constant 0 : i32
      %eq3A_268 = arith.cmpi eq, %jit3A_266, %eq3A_267 : i32
      %jit3A_269 = arith.constant 1 : i32
      %select_n3A_270 = arith.select %eq3A_268, %jit3A_269, %jit3A_266 : i32
      %rem3A_271 = arith.remsi %while3A_255, %select_n3A_270 : i32
      %ne3A_272 = arith.constant 0 : i32
      %ne3A_273 = arith.cmpi ne, %rem3A_271, %ne3A_272 : i32
      %lt3A_274 = arith.constant 0 : i32
      %lt3A_275 = arith.cmpi slt, %rem3A_271, %lt3A_274 : i32
      %lt3A_276 = arith.constant 0 : i32
      %lt3A_277 = arith.cmpi slt, %select_n3A_270, %lt3A_276 : i32
      %ne3A_278 = arith.xori %lt3A_275, %lt3A_277 : i1
      %and3A_279 = arith.andi %ne3A_278, %ne3A_273 : i1
      %add3A_280 = arith.addi %rem3A_271, %select_n3A_270 : i32
      %select_n3A_281 = arith.select %and3A_279, %add3A_280, %rem3A_271 : i32
      %dma_wait3A_282 = arith.constant 0 : i32
      %dma_wait3A_283 = arith.constant 0 : i32
      %dma_wait3A_284 = arith.constant 0 : i32
      %dma_wait3A_285 = arith.constant 0 : i32
      %dma_wait3A_286 = tpu.memref_slice %arg5[%dma_wait3A_283, %dma_wait3A_284, %dma_wait3A_285] : memref<3x32x129xf32, #tpu.memory_space<vmem>> -> memref<1x32x128xf32, #tpu.memory_space<vmem>>
      %dma_wait3A_287 = tpu.memref_squeeze %dma_wait3A_286 : memref<1x32x128xf32, #tpu.memory_space<vmem>> -> memref<32x128xf32, #tpu.memory_space<vmem>>
      %dma_wait3A_288 = arith.constant 0 : i32
      %dma_wait3A_289 = arith.constant 0 : i32
      %dma_wait3A_290 = tpu.memref_slice %arg2[%dma_wait3A_282, %dma_wait3A_288, %dma_wait3A_289] : memref<26x32x100000xf32, #tpu.memory_space<hbm>> -> memref<1x32x128xf32, #tpu.memory_space<hbm>>
      %dma_wait3A_291 = tpu.memref_squeeze %dma_wait3A_290 : memref<1x32x128xf32, #tpu.memory_space<hbm>> -> memref<32x128xf32, #tpu.memory_space<hbm>>
      %dma_wait3A_292 = tpu.memref_slice %arg8[%select_n3A_281] : memref<3x!tpu.dma_semaphore, #tpu.memory_space<semaphore_mem>> -> memref<1x!tpu.dma_semaphore, #tpu.memory_space<semaphore_mem>>
      %dma_wait3A_293 = tpu.memref_squeeze %dma_wait3A_292 : memref<1x!tpu.dma_semaphore, #tpu.memory_space<semaphore_mem>> -> memref<!tpu.dma_semaphore, #tpu.memory_space<semaphore_mem>>
      %dma_wait3A_294 = arith.constant 0 : i32
      %dma_wait3A_295 = arith.constant 0 : i32
      %dma_wait3A_296 = tpu.memref_slice %arg5[%dma_wait3A_283, %dma_wait3A_294, %dma_wait3A_295] : memref<3x32x129xf32, #tpu.memory_space<vmem>> -> memref<1x32x128xf32, #tpu.memory_space<vmem>>
      %dma_wait3A_297 = tpu.memref_squeeze %dma_wait3A_296 : memref<1x32x128xf32, #tpu.memory_space<vmem>> -> memref<32x128xf32, #tpu.memory_space<vmem>>
      %dma_wait3A_298 = arith.constant 0 : i32
      %dma_wait3A_299 = arith.constant 0 : i32
      %dma_wait3A_300 = tpu.memref_slice %arg2[%dma_wait3A_282, %dma_wait3A_298, %dma_wait3A_299] : memref<26x32x100000xf32, #tpu.memory_space<hbm>> -> memref<1x32x128xf32, #tpu.memory_space<hbm>>
      %dma_wait3A_301 = tpu.memref_squeeze %dma_wait3A_300 : memref<1x32x128xf32, #tpu.memory_space<hbm>> -> memref<32x128xf32, #tpu.memory_space<hbm>>
      tpu.wait_dma2 semaphore(%dma_wait3A_293 : memref<!tpu.dma_semaphore, #tpu.memory_space<semaphore_mem>>) src(%dma_wait3A_301 : memref<32x128xf32, #tpu.memory_space<hbm>>) dst(%dma_wait3A_297 : memref<32x128xf32, #tpu.memory_space<vmem>>)
      %ge3A_302 = arith.constant 2 : i32
      %ge3A_303 = arith.cmpi sge, %while3A_255, %ge3A_302 : i32
      %convert_element_type3A_304 = arith.extui %ge3A_303 : i1 to i32
      %cond3A_305 = arith.constant 0 : i32
      %cond3A_306 = arith.cmpi ne, %convert_element_type3A_304, %cond3A_305 : i32
      scf.if %cond3A_306 {
        %jit3A_385 = arith.constant 2 : i32
        %eq3A_386 = arith.constant 0 : i32
        %eq3A_387 = arith.cmpi eq, %jit3A_385, %eq3A_386 : i32
        %jit3A_388 = arith.constant 1 : i32
        %select_n3A_389 = arith.select %eq3A_387, %jit3A_388, %jit3A_385 : i32
        %rem3A_390 = arith.remsi %while3A_255, %select_n3A_389 : i32
        %ne3A_391 = arith.constant 0 : i32
        %ne3A_392 = arith.cmpi ne, %rem3A_390, %ne3A_391 : i32
        %lt3A_393 = arith.constant 0 : i32
        %lt3A_394 = arith.cmpi slt, %rem3A_390, %lt3A_393 : i32
        %lt3A_395 = arith.constant 0 : i32
        %lt3A_396 = arith.cmpi slt, %select_n3A_389, %lt3A_395 : i32
        %ne3A_397 = arith.xori %lt3A_394, %lt3A_396 : i1
        %and3A_398 = arith.andi %ne3A_397, %ne3A_392 : i1
        %add3A_399 = arith.addi %rem3A_390, %select_n3A_389 : i32
        %select_n3A_400 = arith.select %and3A_398, %add3A_399, %rem3A_390 : i32
        %dma_wait3A_401 = arith.constant 0 : i32
        %dma_wait3A_402 = arith.constant 0 : i32
        %dma_wait3A_403 = arith.constant 0 : i32
        %dma_wait3A_404 = arith.constant 0 : i32
        %dma_wait3A_405 = tpu.memref_slice %arg6[%dma_wait3A_401, %dma_wait3A_403, %dma_wait3A_404] : memref<2x32x132xf32, #tpu.memory_space<vmem>> -> memref<1x32x128xf32, #tpu.memory_space<vmem>>
        %dma_wait3A_406 = tpu.memref_squeeze %dma_wait3A_405 : memref<1x32x128xf32, #tpu.memory_space<vmem>> -> memref<32x128xf32, #tpu.memory_space<vmem>>
        %dma_wait3A_407 = arith.constant 0 : i32
        %dma_wait3A_408 = arith.constant 0 : i32
        %dma_wait3A_409 = tpu.memref_slice %arg4[%dma_wait3A_402, %dma_wait3A_407, %dma_wait3A_408] : memref<26x25000x128xf32, #tpu.memory_space<hbm>> -> memref<1x32x128xf32, #tpu.memory_space<hbm>>
        %dma_wait3A_410 = tpu.memref_squeeze %dma_wait3A_409 : memref<1x32x128xf32, #tpu.memory_space<hbm>> -> memref<32x128xf32, #tpu.memory_space<hbm>>
        %dma_wait3A_411 = tpu.memref_slice %arg9[%select_n3A_400] : memref<2x!tpu.dma_semaphore, #tpu.memory_space<semaphore_mem>> -> memref<1x!tpu.dma_semaphore, #tpu.memory_space<semaphore_mem>>
        %dma_wait3A_412 = tpu.memref_squeeze %dma_wait3A_411 : memref<1x!tpu.dma_semaphore, #tpu.memory_space<semaphore_mem>> -> memref<!tpu.dma_semaphore, #tpu.memory_space<semaphore_mem>>
        %dma_wait3A_413 = arith.constant 0 : i32
        %dma_wait3A_414 = arith.constant 0 : i32
        %dma_wait3A_415 = tpu.memref_slice %arg4[%dma_wait3A_402, %dma_wait3A_413, %dma_wait3A_414] : memref<26x25000x128xf32, #tpu.memory_space<hbm>> -> memref<1x32x128xf32, #tpu.memory_space<hbm>>
        %dma_wait3A_416 = tpu.memref_squeeze %dma_wait3A_415 : memref<1x32x128xf32, #tpu.memory_space<hbm>> -> memref<32x128xf32, #tpu.memory_space<hbm>>
        %dma_wait3A_417 = arith.constant 0 : i32
        %dma_wait3A_418 = arith.constant 0 : i32
        %dma_wait3A_419 = tpu.memref_slice %arg6[%dma_wait3A_401, %dma_wait3A_417, %dma_wait3A_418] : memref<2x32x132xf32, #tpu.memory_space<vmem>> -> memref<1x32x128xf32, #tpu.memory_space<vmem>>
        %dma_wait3A_420 = tpu.memref_squeeze %dma_wait3A_419 : memref<1x32x128xf32, #tpu.memory_space<vmem>> -> memref<32x128xf32, #tpu.memory_space<vmem>>
        tpu.wait_dma2 semaphore(%dma_wait3A_412 : memref<!tpu.dma_semaphore, #tpu.memory_space<semaphore_mem>>) src(%dma_wait3A_420 : memref<32x128xf32, #tpu.memory_space<vmem>>) dst(%dma_wait3A_416 : memref<32x128xf32, #tpu.memory_space<hbm>>)
      } else {
      }
      %mul3A_307 = arith.constant 32 : i32
      %mul3A_308 = arith.muli %while3A_257, %mul3A_307 : i32
      %add3A_309 = arith.addi %add3A, %mul3A_308 : i32
      %jit3A_310 = arith.constant 3 : i32
      %eq3A_311 = arith.constant 0 : i32
      %eq3A_312 = arith.cmpi eq, %jit3A_310, %eq3A_311 : i32
      %jit3A_313 = arith.constant 1 : i32
      %select_n3A_314 = arith.select %eq3A_312, %jit3A_313, %jit3A_310 : i32
      %rem3A_315 = arith.remsi %while3A_255, %select_n3A_314 : i32
      %ne3A_316 = arith.constant 0 : i32
      %ne3A_317 = arith.cmpi ne, %rem3A_315, %ne3A_316 : i32
      %lt3A_318 = arith.constant 0 : i32
      %lt3A_319 = arith.cmpi slt, %rem3A_315, %lt3A_318 : i32
      %lt3A_320 = arith.constant 0 : i32
      %lt3A_321 = arith.cmpi slt, %select_n3A_314, %lt3A_320 : i32
      %ne3A_322 = arith.xori %lt3A_319, %lt3A_321 : i1
      %and3A_323 = arith.andi %ne3A_322, %ne3A_317 : i1
      %add3A_324 = arith.addi %rem3A_315, %select_n3A_314 : i32
      %select_n3A_325 = arith.select %and3A_323, %add3A_324, %rem3A_315 : i32
      %jit3A_326 = arith.constant 2 : i32
      %eq3A_327 = arith.constant 0 : i32
      %eq3A_328 = arith.cmpi eq, %jit3A_326, %eq3A_327 : i32
      %jit3A_329 = arith.constant 1 : i32
      %select_n3A_330 = arith.select %eq3A_328, %jit3A_329, %jit3A_326 : i32
      %rem3A_331 = arith.remsi %while3A_255, %select_n3A_330 : i32
      %ne3A_332 = arith.constant 0 : i32
      %ne3A_333 = arith.cmpi ne, %rem3A_331, %ne3A_332 : i32
      %lt3A_334 = arith.constant 0 : i32
      %lt3A_335 = arith.cmpi slt, %rem3A_331, %lt3A_334 : i32
      %lt3A_336 = arith.constant 0 : i32
      %lt3A_337 = arith.cmpi slt, %select_n3A_330, %lt3A_336 : i32
      %ne3A_338 = arith.xori %lt3A_335, %lt3A_337 : i1
      %and3A_339 = arith.andi %ne3A_338, %ne3A_333 : i1
      %add3A_340 = arith.addi %rem3A_331, %select_n3A_330 : i32
      %select_n3A_341 = arith.select %and3A_339, %add3A_340, %rem3A_331 : i32
      %scan3A = arith.constant 0 : i32
      %scan3A_342 = arith.constant 0 : i32
      %scan3A_343 = arith.constant 16 : i32
      %scan3A_344 = arith.addi %scan3A_342, %scan3A_343 : i32
      %scan3A_345 = arith.constant 1 : i32
      scf.for %scan3A_385 = %scan3A_342 to %scan3A_344 step %scan3A_345  : i32 {
        %mul3A_386 = arith.constant 2 : i32
        %mul3A_387 = arith.muli %scan3A_385, %mul3A_386 : i32
        %add3A_388 = arith.constant 0 : i32
        %add3A_389 = arith.addi %mul3A_387, %add3A_388 : i32
        %broadcast_in_dim3A = vector.broadcast %add3A_389 : i32 to vector<16xi32>
        %get3A = arith.index_cast %select_n3A_325 : i32 to index
        %get3A_390 = arith.index_cast %add3A_389 : i32 to index
        %get3A_391 = arith.constant 0 : index
        %get3A_392 = tpu.vector_load %arg5[%get3A, %get3A_390, %get3A_391] {strides = array<i32>} : memref<3x32x129xf32, #tpu.memory_space<vmem>>, vector<16xf32>,
        %add3A_393 = arith.addi %mul3A_55, %broadcast_in_dim3A : vector<16xi32>
        %scatter3A = arith.constant 0 : i32
        %scatter3A_394 = arith.constant 0 : i32
        %scatter3A_395 = tpu.memref_slice %arg6[%select_n3A_341, %scatter3A, %scatter3A_394] : memref<2x32x132xf32, #tpu.memory_space<vmem>> -> memref<1x32x132xf32, #tpu.memory_space<vmem>>
        %scatter3A_396 = tpu.memref_squeeze %scatter3A_395 : memref<1x32x132xf32, #tpu.memory_space<vmem>> -> memref<32x132xf32, #tpu.memory_space<vmem>>
        tpu.vector_store_idx %scatter3A_396[%shift_right_arithmetic3A_5, %add3A_393], %get3A_392 : memref<32x132xf32, #tpu.memory_space<vmem>>[vector<16xi32>, vector<16xi32>], vector<16xf32>,
        %get3A_397 = arith.index_cast %select_n3A_325 : i32 to index
        %get3A_398 = arith.index_cast %add3A_389 : i32 to index
        %get3A_399 = arith.constant 16 : index
        %get3A_400 = tpu.vector_load %arg5[%get3A_397, %get3A_398, %get3A_399] {strides = array<i32>} : memref<3x32x129xf32, #tpu.memory_space<vmem>>, vector<16xf32>,
        %add3A_401 = arith.addi %mul3A_64, %broadcast_in_dim3A : vector<16xi32>
        %scatter3A_402 = arith.constant 0 : i32
        %scatter3A_403 = arith.constant 0 : i32
        %scatter3A_404 = tpu.memref_slice %arg6[%select_n3A_341, %scatter3A_402, %scatter3A_403] : memref<2x32x132xf32, #tpu.memory_space<vmem>> -> memref<1x32x132xf32, #tpu.memory_space<vmem>>
        %scatter3A_405 = tpu.memref_squeeze %scatter3A_404 : memref<1x32x132xf32, #tpu.memory_space<vmem>> -> memref<32x132xf32, #tpu.memory_space<vmem>>
        tpu.vector_store_idx %scatter3A_405[%shift_right_arithmetic3A_11, %add3A_401], %get3A_400 : memref<32x132xf32, #tpu.memory_space<vmem>>[vector<16xi32>, vector<16xi32>], vector<16xf32>,
        %get3A_406 = arith.index_cast %select_n3A_325 : i32 to index
        %get3A_407 = arith.index_cast %add3A_389 : i32 to index
        %get3A_408 = arith.constant 32 : index
        %get3A_409 = tpu.vector_load %arg5[%get3A_406, %get3A_407, %get3A_408] {strides = array<i32>} : memref<3x32x129xf32, #tpu.memory_space<vmem>>, vector<16xf32>,
        %add3A_410 = arith.addi %mul3A_73, %broadcast_in_dim3A : vector<16xi32>
        %scatter3A_411 = arith.constant 0 : i32
        %scatter3A_412 = arith.constant 0 : i32
        %scatter3A_413 = tpu.memref_slice %arg6[%select_n3A_341, %scatter3A_411, %scatter3A_412] : memref<2x32x132xf32, #tpu.memory_space<vmem>> -> memref<1x32x132xf32, #tpu.memory_space<vmem>>
        %scatter3A_414 = tpu.memref_squeeze %scatter3A_413 : memref<1x32x132xf32, #tpu.memory_space<vmem>> -> memref<32x132xf32, #tpu.memory_space<vmem>>
        tpu.vector_store_idx %scatter3A_414[%shift_right_arithmetic3A_17, %add3A_410], %get3A_409 : memref<32x132xf32, #tpu.memory_space<vmem>>[vector<16xi32>, vector<16xi32>], vector<16xf32>,
        %get3A_415 = arith.index_cast %select_n3A_325 : i32 to index
        %get3A_416 = arith.index_cast %add3A_389 : i32 to index
        %get3A_417 = arith.constant 48 : index
        %get3A_418 = tpu.vector_load %arg5[%get3A_415, %get3A_416, %get3A_417] {strides = array<i32>} : memref<3x32x129xf32, #tpu.memory_space<vmem>>, vector<16xf32>,
        %add3A_419 = arith.addi %mul3A_82, %broadcast_in_dim3A : vector<16xi32>
        %scatter3A_420 = arith.constant 0 : i32
        %scatter3A_421 = arith.constant 0 : i32
        %scatter3A_422 = tpu.memref_slice %arg6[%select_n3A_341, %scatter3A_420, %scatter3A_421] : memref<2x32x132xf32, #tpu.memory_space<vmem>> -> memref<1x32x132xf32, #tpu.memory_space<vmem>>
        %scatter3A_423 = tpu.memref_squeeze %scatter3A_422 : memref<1x32x132xf32, #tpu.memory_space<vmem>> -> memref<32x132xf32, #tpu.memory_space<vmem>>
        tpu.vector_store_idx %scatter3A_423[%shift_right_arithmetic3A_23, %add3A_419], %get3A_418 : memref<32x132xf32, #tpu.memory_space<vmem>>[vector<16xi32>, vector<16xi32>], vector<16xf32>,
        %get3A_424 = arith.index_cast %select_n3A_325 : i32 to index
        %get3A_425 = arith.index_cast %add3A_389 : i32 to index
        %get3A_426 = arith.constant 64 : index
        %get3A_427 = tpu.vector_load %arg5[%get3A_424, %get3A_425, %get3A_426] {strides = array<i32>} : memref<3x32x129xf32, #tpu.memory_space<vmem>>, vector<16xf32>,
        %add3A_428 = arith.addi %mul3A_91, %broadcast_in_dim3A : vector<16xi32>
        %scatter3A_429 = arith.constant 0 : i32
        %scatter3A_430 = arith.constant 0 : i32
        %scatter3A_431 = tpu.memref_slice %arg6[%select_n3A_341, %scatter3A_429, %scatter3A_430] : memref<2x32x132xf32, #tpu.memory_space<vmem>> -> memref<1x32x132xf32, #tpu.memory_space<vmem>>
        %scatter3A_432 = tpu.memref_squeeze %scatter3A_431 : memref<1x32x132xf32, #tpu.memory_space<vmem>> -> memref<32x132xf32, #tpu.memory_space<vmem>>
        tpu.vector_store_idx %scatter3A_432[%shift_right_arithmetic3A_29, %add3A_428], %get3A_427 : memref<32x132xf32, #tpu.memory_space<vmem>>[vector<16xi32>, vector<16xi32>], vector<16xf32>,
        %get3A_433 = arith.index_cast %select_n3A_325 : i32 to index
        %get3A_434 = arith.index_cast %add3A_389 : i32 to index
        %get3A_435 = arith.constant 80 : index
        %get3A_436 = tpu.vector_load %arg5[%get3A_433, %get3A_434, %get3A_435] {strides = array<i32>} : memref<3x32x129xf32, #tpu.memory_space<vmem>>, vector<16xf32>,
        %add3A_437 = arith.addi %mul3A_100, %broadcast_in_dim3A : vector<16xi32>
        %scatter3A_438 = arith.constant 0 : i32
        %scatter3A_439 = arith.constant 0 : i32
        %scatter3A_440 = tpu.memref_slice %arg6[%select_n3A_341, %scatter3A_438, %scatter3A_439] : memref<2x32x132xf32, #tpu.memory_space<vmem>> -> memref<1x32x132xf32, #tpu.memory_space<vmem>>
        %scatter3A_441 = tpu.memref_squeeze %scatter3A_440 : memref<1x32x132xf32, #tpu.memory_space<vmem>> -> memref<32x132xf32, #tpu.memory_space<vmem>>
        tpu.vector_store_idx %scatter3A_441[%shift_right_arithmetic3A_35, %add3A_437], %get3A_436 : memref<32x132xf32, #tpu.memory_space<vmem>>[vector<16xi32>, vector<16xi32>], vector<16xf32>,
        %get3A_442 = arith.index_cast %select_n3A_325 : i32 to index
        %get3A_443 = arith.index_cast %add3A_389 : i32 to index
        %get3A_444 = arith.constant 96 : index
        %get3A_445 = tpu.vector_load %arg5[%get3A_442, %get3A_443, %get3A_444] {strides = array<i32>} : memref<3x32x129xf32, #tpu.memory_space<vmem>>, vector<16xf32>,
        %add3A_446 = arith.addi %mul3A_109, %broadcast_in_dim3A : vector<16xi32>
        %scatter3A_447 = arith.constant 0 : i32
        %scatter3A_448 = arith.constant 0 : i32
        %scatter3A_449 = tpu.memref_slice %arg6[%select_n3A_341, %scatter3A_447, %scatter3A_448] : memref<2x32x132xf32, #tpu.memory_space<vmem>> -> memref<1x32x132xf32, #tpu.memory_space<vmem>>
        %scatter3A_450 = tpu.memref_squeeze %scatter3A_449 : memref<1x32x132xf32, #tpu.memory_space<vmem>> -> memref<32x132xf32, #tpu.memory_space<vmem>>
        tpu.vector_store_idx %scatter3A_450[%shift_right_arithmetic3A_41, %add3A_446], %get3A_445 : memref<32x132xf32, #tpu.memory_space<vmem>>[vector<16xi32>, vector<16xi32>], vector<16xf32>,
        %get3A_451 = arith.index_cast %select_n3A_325 : i32 to index
        %get3A_452 = arith.index_cast %add3A_389 : i32 to index
        %get3A_453 = arith.constant 112 : index
        %get3A_454 = tpu.vector_load %arg5[%get3A_451, %get3A_452, %get3A_453] {strides = array<i32>} : memref<3x32x129xf32, #tpu.memory_space<vmem>>, vector<16xf32>,
        %add3A_455 = arith.addi %mul3A_118, %broadcast_in_dim3A : vector<16xi32>
        %scatter3A_456 = arith.constant 0 : i32
        %scatter3A_457 = arith.constant 0 : i32
        %scatter3A_458 = tpu.memref_slice %arg6[%select_n3A_341, %scatter3A_456, %scatter3A_457] : memref<2x32x132xf32, #tpu.memory_space<vmem>> -> memref<1x32x132xf32, #tpu.memory_space<vmem>>
        %scatter3A_459 = tpu.memref_squeeze %scatter3A_458 : memref<1x32x132xf32, #tpu.memory_space<vmem>> -> memref<32x132xf32, #tpu.memory_space<vmem>>
        tpu.vector_store_idx %scatter3A_459[%shift_right_arithmetic3A_47, %add3A_455], %get3A_454 : memref<32x132xf32, #tpu.memory_space<vmem>>[vector<16xi32>, vector<16xi32>], vector<16xf32>,
        %mul3A_460 = arith.constant 2 : i32
        %mul3A_461 = arith.muli %scan3A_385, %mul3A_460 : i32
        %add3A_462 = arith.constant 1 : i32
        %add3A_463 = arith.addi %mul3A_461, %add3A_462 : i32
        %broadcast_in_dim3A_464 = vector.broadcast %add3A_463 : i32 to vector<16xi32>
        %get3A_465 = arith.index_cast %select_n3A_325 : i32 to index
        %get3A_466 = arith.index_cast %add3A_463 : i32 to index
        %get3A_467 = arith.constant 0 : index
        %get3A_468 = tpu.vector_load %arg5[%get3A_465, %get3A_466, %get3A_467] {strides = array<i32>} : memref<3x32x129xf32, #tpu.memory_space<vmem>>, vector<16xf32>,
        %add3A_469 = arith.addi %mul3A_55, %broadcast_in_dim3A_464 : vector<16xi32>
        %scatter3A_470 = arith.constant 0 : i32
        %scatter3A_471 = arith.constant 0 : i32
        %scatter3A_472 = tpu.memref_slice %arg6[%select_n3A_341, %scatter3A_470, %scatter3A_471] : memref<2x32x132xf32, #tpu.memory_space<vmem>> -> memref<1x32x132xf32, #tpu.memory_space<vmem>>
        %scatter3A_473 = tpu.memref_squeeze %scatter3A_472 : memref<1x32x132xf32, #tpu.memory_space<vmem>> -> memref<32x132xf32, #tpu.memory_space<vmem>>
        tpu.vector_store_idx %scatter3A_473[%shift_right_arithmetic3A_5, %add3A_469], %get3A_468 : memref<32x132xf32, #tpu.memory_space<vmem>>[vector<16xi32>, vector<16xi32>], vector<16xf32>,
        %get3A_474 = arith.index_cast %select_n3A_325 : i32 to index
        %get3A_475 = arith.index_cast %add3A_463 : i32 to index
        %get3A_476 = arith.constant 16 : index
        %get3A_477 = tpu.vector_load %arg5[%get3A_474, %get3A_475, %get3A_476] {strides = array<i32>} : memref<3x32x129xf32, #tpu.memory_space<vmem>>, vector<16xf32>,
        %add3A_478 = arith.addi %mul3A_64, %broadcast_in_dim3A_464 : vector<16xi32>
        %scatter3A_479 = arith.constant 0 : i32
        %scatter3A_480 = arith.constant 0 : i32
        %scatter3A_481 = tpu.memref_slice %arg6[%select_n3A_341, %scatter3A_479, %scatter3A_480] : memref<2x32x132xf32, #tpu.memory_space<vmem>> -> memref<1x32x132xf32, #tpu.memory_space<vmem>>
        %scatter3A_482 = tpu.memref_squeeze %scatter3A_481 : memref<1x32x132xf32, #tpu.memory_space<vmem>> -> memref<32x132xf32, #tpu.memory_space<vmem>>
        tpu.vector_store_idx %scatter3A_482[%shift_right_arithmetic3A_11, %add3A_478], %get3A_477 : memref<32x132xf32, #tpu.memory_space<vmem>>[vector<16xi32>, vector<16xi32>], vector<16xf32>,
        %get3A_483 = arith.index_cast %select_n3A_325 : i32 to index
        %get3A_484 = arith.index_cast %add3A_463 : i32 to index
        %get3A_485 = arith.constant 32 : index
        %get3A_486 = tpu.vector_load %arg5[%get3A_483, %get3A_484, %get3A_485] {strides = array<i32>} : memref<3x32x129xf32, #tpu.memory_space<vmem>>, vector<16xf32>,
        %add3A_487 = arith.addi %mul3A_73, %broadcast_in_dim3A_464 : vector<16xi32>
        %scatter3A_488 = arith.constant 0 : i32
        %scatter3A_489 = arith.constant 0 : i32
        %scatter3A_490 = tpu.memref_slice %arg6[%select_n3A_341, %scatter3A_488, %scatter3A_489] : memref<2x32x132xf32, #tpu.memory_space<vmem>> -> memref<1x32x132xf32, #tpu.memory_space<vmem>>
        %scatter3A_491 = tpu.memref_squeeze %scatter3A_490 : memref<1x32x132xf32, #tpu.memory_space<vmem>> -> memref<32x132xf32, #tpu.memory_space<vmem>>
        tpu.vector_store_idx %scatter3A_491[%shift_right_arithmetic3A_17, %add3A_487], %get3A_486 : memref<32x132xf32, #tpu.memory_space<vmem>>[vector<16xi32>, vector<16xi32>], vector<16xf32>,
        %get3A_492 = arith.index_cast %select_n3A_325 : i32 to index
        %get3A_493 = arith.index_cast %add3A_463 : i32 to index
        %get3A_494 = arith.constant 48 : index
        %get3A_495 = tpu.vector_load %arg5[%get3A_492, %get3A_493, %get3A_494] {strides = array<i32>} : memref<3x32x129xf32, #tpu.memory_space<vmem>>, vector<16xf32>,
        %add3A_496 = arith.addi %mul3A_82, %broadcast_in_dim3A_464 : vector<16xi32>
        %scatter3A_497 = arith.constant 0 : i32
        %scatter3A_498 = arith.constant 0 : i32
        %scatter3A_499 = tpu.memref_slice %arg6[%select_n3A_341, %scatter3A_497, %scatter3A_498] : memref<2x32x132xf32, #tpu.memory_space<vmem>> -> memref<1x32x132xf32, #tpu.memory_space<vmem>>
        %scatter3A_500 = tpu.memref_squeeze %scatter3A_499 : memref<1x32x132xf32, #tpu.memory_space<vmem>> -> memref<32x132xf32, #tpu.memory_space<vmem>>
        tpu.vector_store_idx %scatter3A_500[%shift_right_arithmetic3A_23, %add3A_496], %get3A_495 : memref<32x132xf32, #tpu.memory_space<vmem>>[vector<16xi32>, vector<16xi32>], vector<16xf32>,
        %get3A_501 = arith.index_cast %select_n3A_325 : i32 to index
        %get3A_502 = arith.index_cast %add3A_463 : i32 to index
        %get3A_503 = arith.constant 64 : index
        %get3A_504 = tpu.vector_load %arg5[%get3A_501, %get3A_502, %get3A_503] {strides = array<i32>} : memref<3x32x129xf32, #tpu.memory_space<vmem>>, vector<16xf32>,
        %add3A_505 = arith.addi %mul3A_91, %broadcast_in_dim3A_464 : vector<16xi32>
        %scatter3A_506 = arith.constant 0 : i32
        %scatter3A_507 = arith.constant 0 : i32
        %scatter3A_508 = tpu.memref_slice %arg6[%select_n3A_341, %scatter3A_506, %scatter3A_507] : memref<2x32x132xf32, #tpu.memory_space<vmem>> -> memref<1x32x132xf32, #tpu.memory_space<vmem>>
        %scatter3A_509 = tpu.memref_squeeze %scatter3A_508 : memref<1x32x132xf32, #tpu.memory_space<vmem>> -> memref<32x132xf32, #tpu.memory_space<vmem>>
        tpu.vector_store_idx %scatter3A_509[%shift_right_arithmetic3A_29, %add3A_505], %get3A_504 : memref<32x132xf32, #tpu.memory_space<vmem>>[vector<16xi32>, vector<16xi32>], vector<16xf32>,
        %get3A_510 = arith.index_cast %select_n3A_325 : i32 to index
        %get3A_511 = arith.index_cast %add3A_463 : i32 to index
        %get3A_512 = arith.constant 80 : index
        %get3A_513 = tpu.vector_load %arg5[%get3A_510, %get3A_511, %get3A_512] {strides = array<i32>} : memref<3x32x129xf32, #tpu.memory_space<vmem>>, vector<16xf32>,
        %add3A_514 = arith.addi %mul3A_100, %broadcast_in_dim3A_464 : vector<16xi32>
        %scatter3A_515 = arith.constant 0 : i32
        %scatter3A_516 = arith.constant 0 : i32
        %scatter3A_517 = tpu.memref_slice %arg6[%select_n3A_341, %scatter3A_515, %scatter3A_516] : memref<2x32x132xf32, #tpu.memory_space<vmem>> -> memref<1x32x132xf32, #tpu.memory_space<vmem>>
        %scatter3A_518 = tpu.memref_squeeze %scatter3A_517 : memref<1x32x132xf32, #tpu.memory_space<vmem>> -> memref<32x132xf32, #tpu.memory_space<vmem>>
        tpu.vector_store_idx %scatter3A_518[%shift_right_arithmetic3A_35, %add3A_514], %get3A_513 : memref<32x132xf32, #tpu.memory_space<vmem>>[vector<16xi32>, vector<16xi32>], vector<16xf32>,
        %get3A_519 = arith.index_cast %select_n3A_325 : i32 to index
        %get3A_520 = arith.index_cast %add3A_463 : i32 to index
        %get3A_521 = arith.constant 96 : index
        %get3A_522 = tpu.vector_load %arg5[%get3A_519, %get3A_520, %get3A_521] {strides = array<i32>} : memref<3x32x129xf32, #tpu.memory_space<vmem>>, vector<16xf32>,
        %add3A_523 = arith.addi %mul3A_109, %broadcast_in_dim3A_464 : vector<16xi32>
        %scatter3A_524 = arith.constant 0 : i32
        %scatter3A_525 = arith.constant 0 : i32
        %scatter3A_526 = tpu.memref_slice %arg6[%select_n3A_341, %scatter3A_524, %scatter3A_525] : memref<2x32x132xf32, #tpu.memory_space<vmem>> -> memref<1x32x132xf32, #tpu.memory_space<vmem>>
        %scatter3A_527 = tpu.memref_squeeze %scatter3A_526 : memref<1x32x132xf32, #tpu.memory_space<vmem>> -> memref<32x132xf32, #tpu.memory_space<vmem>>
        tpu.vector_store_idx %scatter3A_527[%shift_right_arithmetic3A_41, %add3A_523], %get3A_522 : memref<32x132xf32, #tpu.memory_space<vmem>>[vector<16xi32>, vector<16xi32>], vector<16xf32>,
        %get3A_528 = arith.index_cast %select_n3A_325 : i32 to index
        %get3A_529 = arith.index_cast %add3A_463 : i32 to index
        %get3A_530 = arith.constant 112 : index
        %get3A_531 = tpu.vector_load %arg5[%get3A_528, %get3A_529, %get3A_530] {strides = array<i32>} : memref<3x32x129xf32, #tpu.memory_space<vmem>>, vector<16xf32>,
        %add3A_532 = arith.addi %mul3A_118, %broadcast_in_dim3A_464 : vector<16xi32>
        %scatter3A_533 = arith.constant 0 : i32
        %scatter3A_534 = arith.constant 0 : i32
        %scatter3A_535 = tpu.memref_slice %arg6[%select_n3A_341, %scatter3A_533, %scatter3A_534] : memref<2x32x132xf32, #tpu.memory_space<vmem>> -> memref<1x32x132xf32, #tpu.memory_space<vmem>>
        %scatter3A_536 = tpu.memref_squeeze %scatter3A_535 : memref<1x32x132xf32, #tpu.memory_space<vmem>> -> memref<32x132xf32, #tpu.memory_space<vmem>>
        tpu.vector_store_idx %scatter3A_536[%shift_right_arithmetic3A_47, %add3A_532], %get3A_531 : memref<32x132xf32, #tpu.memory_space<vmem>>[vector<16xi32>, vector<16xi32>], vector<16xf32>,
      }
      %scan3A_346 = arith.constant 16 : i32
      %mul3A_347 = arith.constant 32 : i32
      %mul3A_348 = arith.muli %add3A_309, %mul3A_347 : i32
      %dma_start3A_349 = arith.constant 0 : i32
      %dma_start3A_350 = arith.constant 0 : i32
      %dma_start3A_351 = tpu.memref_slice %arg6[%select_n3A_341, %dma_start3A_349, %dma_start3A_350] : memref<2x32x132xf32, #tpu.memory_space<vmem>> -> memref<1x32x128xf32, #tpu.memory_space<vmem>>
      %dma_start3A_352 = tpu.memref_squeeze %dma_start3A_351 : memref<1x32x128xf32, #tpu.memory_space<vmem>> -> memref<32x128xf32, #tpu.memory_space<vmem>>
      %dma_start3A_353 = arith.constant 0 : i32
      %dma_start3A_354 = tpu.memref_slice %arg4[%while3A_256, %mul3A_348, %dma_start3A_353] : memref<26x25000x128xf32, #tpu.memory_space<hbm>> -> memref<1x32x128xf32, #tpu.memory_space<hbm>>
      %dma_start3A_355 = tpu.memref_squeeze %dma_start3A_354 : memref<1x32x128xf32, #tpu.memory_space<hbm>> -> memref<32x128xf32, #tpu.memory_space<hbm>>
      %dma_start3A_356 = tpu.memref_slice %arg9[%select_n3A_341] : memref<2x!tpu.dma_semaphore, #tpu.memory_space<semaphore_mem>> -> memref<1x!tpu.dma_semaphore, #tpu.memory_space<semaphore_mem>>
      %dma_start3A_357 = tpu.memref_squeeze %dma_start3A_356 : memref<1x!tpu.dma_semaphore, #tpu.memory_space<semaphore_mem>> -> memref<!tpu.dma_semaphore, #tpu.memory_space<semaphore_mem>>
      %dma_start3A_358 = arith.constant 0 : i32
      %dma_start3A_359 = tpu.memref_slice %arg4[%while3A_256, %mul3A_348, %dma_start3A_358] : memref<26x25000x128xf32, #tpu.memory_space<hbm>> -> memref<1x32x128xf32, #tpu.memory_space<hbm>>
      %dma_start3A_360 = tpu.memref_squeeze %dma_start3A_359 : memref<1x32x128xf32, #tpu.memory_space<hbm>> -> memref<32x128xf32, #tpu.memory_space<hbm>>
      %dma_start3A_361 = arith.constant 0 : i32
      %dma_start3A_362 = arith.constant 0 : i32
      %dma_start3A_363 = tpu.memref_slice %arg6[%select_n3A_341, %dma_start3A_361, %dma_start3A_362] : memref<2x32x132xf32, #tpu.memory_space<vmem>> -> memref<1x32x128xf32, #tpu.memory_space<vmem>>
      %dma_start3A_364 = tpu.memref_squeeze %dma_start3A_363 : memref<1x32x128xf32, #tpu.memory_space<vmem>> -> memref<32x128xf32, #tpu.memory_space<vmem>>
      tpu.enqueue_dma source(%dma_start3A_364 : memref<32x128xf32, #tpu.memory_space<vmem>>) target(%dma_start3A_360 : memref<32x128xf32, #tpu.memory_space<hbm>>) target_semaphore(%dma_start3A_357 : memref<!tpu.dma_semaphore, #tpu.memory_space<semaphore_mem>>)
      %add3A_365 = arith.constant 1 : i32
      %add3A_366 = arith.addi %while3A_257, %add3A_365 : i32
      %ge3A_367 = arith.cmpi sge, %add3A_366, %select_n3A : i32
      %add3A_368 = arith.constant 1 : i32
      %add3A_369 = arith.addi %while3A_256, %add3A_368 : i32
      %select_n3A_370 = arith.select %ge3A_367, %add3A_369, %while3A_256 : i32
      %add3A_371 = arith.constant 1 : i32
      %add3A_372 = arith.addi %while3A_257, %add3A_371 : i32
      %jit3A_373 = arith.constant 0 : i32
      %select_n3A_374 = arith.select %ge3A_367, %jit3A_373, %add3A_372 : i32
      %add3A_375 = arith.constant 1 : i32
      %add3A_376 = arith.addi %while3A_259, %add3A_375 : i32
      %ge3A_377 = arith.cmpi sge, %add3A_376, %select_n3A : i32
      %add3A_378 = arith.constant 1 : i32
      %add3A_379 = arith.addi %while3A_258, %add3A_378 : i32
      %select_n3A_380 = arith.select %ge3A_377, %add3A_379, %while3A_258 : i32
      %add3A_381 = arith.constant 1 : i32
      %add3A_382 = arith.addi %while3A_259, %add3A_381 : i32
      %jit3A_383 = arith.constant 0 : i32
      %select_n3A_384 = arith.select %ge3A_377, %jit3A_383, %add3A_382 : i32
      scf.yield %select_n3A_370, %select_n3A_374, %select_n3A_380, %select_n3A_384 : i32, i32, i32, i32
    }
    %jit3A_180 = arith.constant 2 : i32
    %eq3A = arith.constant 0 : i32
    %eq3A_181 = arith.cmpi eq, %jit3A_180, %eq3A : i32
    %jit3A_182 = arith.constant 1 : i32
    %select_n3A_183 = arith.select %eq3A_181, %jit3A_182, %jit3A_180 : i32
    %rem3A = arith.remsi %mul3A_122, %select_n3A_183 : i32
    %ne3A = arith.constant 0 : i32
    %ne3A_184 = arith.cmpi ne, %rem3A, %ne3A : i32
    %lt3A_185 = arith.constant 0 : i32
    %lt3A_186 = arith.cmpi slt, %rem3A, %lt3A_185 : i32
    %lt3A_187 = arith.constant 0 : i32
    %lt3A_188 = arith.cmpi slt, %select_n3A_183, %lt3A_187 : i32
    %ne3A_189 = arith.xori %lt3A_186, %lt3A_188 : i1
    %and3A_190 = arith.andi %ne3A_189, %ne3A_184 : i1
    %add3A_191 = arith.addi %rem3A, %select_n3A_183 : i32
    %select_n3A_192 = arith.select %and3A_190, %add3A_191, %rem3A : i32
    %dma_wait3A = arith.constant 0 : i32
    %dma_wait3A_193 = arith.constant 0 : i32
    %dma_wait3A_194 = arith.constant 0 : i32
    %dma_wait3A_195 = arith.constant 0 : i32
    %dma_wait3A_196 = tpu.memref_slice %arg6[%dma_wait3A, %dma_wait3A_194, %dma_wait3A_195] : memref<2x32x132xf32, #tpu.memory_space<vmem>> -> memref<1x32x128xf32, #tpu.memory_space<vmem>>
    %dma_wait3A_197 = tpu.memref_squeeze %dma_wait3A_196 : memref<1x32x128xf32, #tpu.memory_space<vmem>> -> memref<32x128xf32, #tpu.memory_space<vmem>>
    %dma_wait3A_198 = arith.constant 0 : i32
    %dma_wait3A_199 = arith.constant 0 : i32
    %dma_wait3A_200 = tpu.memref_slice %arg4[%dma_wait3A_193, %dma_wait3A_198, %dma_wait3A_199] : memref<26x25000x128xf32, #tpu.memory_space<hbm>> -> memref<1x32x128xf32, #tpu.memory_space<hbm>>
    %dma_wait3A_201 = tpu.memref_squeeze %dma_wait3A_200 : memref<1x32x128xf32, #tpu.memory_space<hbm>> -> memref<32x128xf32, #tpu.memory_space<hbm>>
    %dma_wait3A_202 = tpu.memref_slice %arg9[%select_n3A_192] : memref<2x!tpu.dma_semaphore, #tpu.memory_space<semaphore_mem>> -> memref<1x!tpu.dma_semaphore, #tpu.memory_space<semaphore_mem>>
    %dma_wait3A_203 = tpu.memref_squeeze %dma_wait3A_202 : memref<1x!tpu.dma_semaphore, #tpu.memory_space<semaphore_mem>> -> memref<!tpu.dma_semaphore, #tpu.memory_space<semaphore_mem>>
    %dma_wait3A_204 = arith.constant 0 : i32
    %dma_wait3A_205 = arith.constant 0 : i32
    %dma_wait3A_206 = tpu.memref_slice %arg4[%dma_wait3A_193, %dma_wait3A_204, %dma_wait3A_205] : memref<26x25000x128xf32, #tpu.memory_space<hbm>> -> memref<1x32x128xf32, #tpu.memory_space<hbm>>
    %dma_wait3A_207 = tpu.memref_squeeze %dma_wait3A_206 : memref<1x32x128xf32, #tpu.memory_space<hbm>> -> memref<32x128xf32, #tpu.memory_space<hbm>>
    %dma_wait3A_208 = arith.constant 0 : i32
    %dma_wait3A_209 = arith.constant 0 : i32
    %dma_wait3A_210 = tpu.memref_slice %arg6[%dma_wait3A, %dma_wait3A_208, %dma_wait3A_209] : memref<2x32x132xf32, #tpu.memory_space<vmem>> -> memref<1x32x128xf32, #tpu.memory_space<vmem>>
    %dma_wait3A_211 = tpu.memref_squeeze %dma_wait3A_210 : memref<1x32x128xf32, #tpu.memory_space<vmem>> -> memref<32x128xf32, #tpu.memory_space<vmem>>
    tpu.wait_dma2 semaphore(%dma_wait3A_203 : memref<!tpu.dma_semaphore, #tpu.memory_space<semaphore_mem>>) src(%dma_wait3A_211 : memref<32x128xf32, #tpu.memory_space<vmem>>) dst(%dma_wait3A_207 : memref<32x128xf32, #tpu.memory_space<hbm>>)
    %add3A_212 = arith.constant 1 : i32
    %add3A_213 = arith.addi %mul3A_122, %add3A_212 : i32
    %jit3A_214 = arith.constant 2 : i32
    %eq3A_215 = arith.constant 0 : i32
    %eq3A_216 = arith.cmpi eq, %jit3A_214, %eq3A_215 : i32
    %jit3A_217 = arith.constant 1 : i32
    %select_n3A_218 = arith.select %eq3A_216, %jit3A_217, %jit3A_214 : i32
    %rem3A_219 = arith.remsi %add3A_213, %select_n3A_218 : i32
    %ne3A_220 = arith.constant 0 : i32
    %ne3A_221 = arith.cmpi ne, %rem3A_219, %ne3A_220 : i32
    %lt3A_222 = arith.constant 0 : i32
    %lt3A_223 = arith.cmpi slt, %rem3A_219, %lt3A_222 : i32
    %lt3A_224 = arith.constant 0 : i32
    %lt3A_225 = arith.cmpi slt, %select_n3A_218, %lt3A_224 : i32
    %ne3A_226 = arith.xori %lt3A_223, %lt3A_225 : i1
    %and3A_227 = arith.andi %ne3A_226, %ne3A_221 : i1
    %add3A_228 = arith.addi %rem3A_219, %select_n3A_218 : i32
    %select_n3A_229 = arith.select %and3A_227, %add3A_228, %rem3A_219 : i32
    %dma_wait3A_230 = arith.constant 0 : i32
    %dma_wait3A_231 = arith.constant 0 : i32
    %dma_wait3A_232 = arith.constant 0 : i32
    %dma_wait3A_233 = arith.constant 0 : i32
    %dma_wait3A_234 = tpu.memref_slice %arg6[%dma_wait3A_230, %dma_wait3A_232, %dma_wait3A_233] : memref<2x32x132xf32, #tpu.memory_space<vmem>> -> memref<1x32x128xf32, #tpu.memory_space<vmem>>
    %dma_wait3A_235 = tpu.memref_squeeze %dma_wait3A_234 : memref<1x32x128xf32, #tpu.memory_space<vmem>> -> memref<32x128xf32, #tpu.memory_space<vmem>>
    %dma_wait3A_236 = arith.constant 0 : i32
    %dma_wait3A_237 = arith.constant 0 : i32
    %dma_wait3A_238 = tpu.memref_slice %arg4[%dma_wait3A_231, %dma_wait3A_236, %dma_wait3A_237] : memref<26x25000x128xf32, #tpu.memory_space<hbm>> -> memref<1x32x128xf32, #tpu.memory_space<hbm>>
    %dma_wait3A_239 = tpu.memref_squeeze %dma_wait3A_238 : memref<1x32x128xf32, #tpu.memory_space<hbm>> -> memref<32x128xf32, #tpu.memory_space<hbm>>
    %dma_wait3A_240 = tpu.memref_slice %arg9[%select_n3A_229] : memref<2x!tpu.dma_semaphore, #tpu.memory_space<semaphore_mem>> -> memref<1x!tpu.dma_semaphore, #tpu.memory_space<semaphore_mem>>
    %dma_wait3A_241 = tpu.memref_squeeze %dma_wait3A_240 : memref<1x!tpu.dma_semaphore, #tpu.memory_space<semaphore_mem>> -> memref<!tpu.dma_semaphore, #tpu.memory_space<semaphore_mem>>
    %dma_wait3A_242 = arith.constant 0 : i32
    %dma_wait3A_243 = arith.constant 0 : i32
    %dma_wait3A_244 = tpu.memref_slice %arg4[%dma_wait3A_231, %dma_wait3A_242, %dma_wait3A_243] : memref<26x25000x128xf32, #tpu.memory_space<hbm>> -> memref<1x32x128xf32, #tpu.memory_space<hbm>>
    %dma_wait3A_245 = tpu.memref_squeeze %dma_wait3A_244 : memref<1x32x128xf32, #tpu.memory_space<hbm>> -> memref<32x128xf32, #tpu.memory_space<hbm>>
    %dma_wait3A_246 = arith.constant 0 : i32
    %dma_wait3A_247 = arith.constant 0 : i32
    %dma_wait3A_248 = tpu.memref_slice %arg6[%dma_wait3A_230, %dma_wait3A_246, %dma_wait3A_247] : memref<2x32x132xf32, #tpu.memory_space<vmem>> -> memref<1x32x128xf32, #tpu.memory_space<vmem>>
    %dma_wait3A_249 = tpu.memref_squeeze %dma_wait3A_248 : memref<1x32x128xf32, #tpu.memory_space<vmem>> -> memref<32x128xf32, #tpu.memory_space<vmem>>
    tpu.wait_dma2 semaphore(%dma_wait3A_241 : memref<!tpu.dma_semaphore, #tpu.memory_space<semaphore_mem>>) src(%dma_wait3A_249 : memref<32x128xf32, #tpu.memory_space<vmem>>) dst(%dma_wait3A_245 : memref<32x128xf32, #tpu.memory_space<hbm>>)
    %lt3A_250 = arith.constant 26 : i32
    %lt3A_251 = arith.cmpi slt, %add3A, %lt3A_250 : i32
    %convert_element_type3A_252 = arith.extui %lt3A_251 : i1 to i32
    %cond3A_253 = arith.constant 0 : i32
    %cond3A_254 = arith.cmpi ne, %convert_element_type3A_252, %cond3A_253 : i32
    scf.if %cond3A_254 {
      "tpu.region"() ({
        %run_scoped3A = tpu.sem_alloc : memref<!tpu.dma_semaphore, #tpu.memory_space<semaphore_mem>>
        %dma_start3A_255 = arith.constant 0 : i32
        %dma_start3A_256 = arith.constant 0 : i32
        %dma_start3A_257 = tpu.memref_slice %arg3[%add3A, %dma_start3A_255, %dma_start3A_256] : memref<26x8x128xf32, #tpu.memory_space<hbm>> -> memref<1x8x128xf32, #tpu.memory_space<hbm>>
        %dma_start3A_258 = tpu.memref_squeeze %dma_start3A_257 : memref<1x8x128xf32, #tpu.memory_space<hbm>> -> memref<8x128xf32, #tpu.memory_space<hbm>>
        %dma_start3A_259 = arith.constant 0 : i32
        %dma_start3A_260 = arith.constant 0 : i32
        %dma_start3A_261 = tpu.memref_slice %arg3[%add3A, %dma_start3A_259, %dma_start3A_260] : memref<26x8x128xf32, #tpu.memory_space<hbm>> -> memref<1x8x128xf32, #tpu.memory_space<hbm>>
        %dma_start3A_262 = tpu.memref_squeeze %dma_start3A_261 : memref<1x8x128xf32, #tpu.memory_space<hbm>> -> memref<8x128xf32, #tpu.memory_space<hbm>>
        tpu.enqueue_dma source(%dma_start3A_262 : memref<8x128xf32, #tpu.memory_space<hbm>>) target(%arg7 : memref<8x128xf32, #tpu.memory_space<vmem>>) target_semaphore(%run_scoped3A : memref<!tpu.dma_semaphore, #tpu.memory_space<semaphore_mem>>)
        %dma_wait3A_263 = arith.constant 0 : i32
        %dma_wait3A_264 = arith.constant 0 : i32
        %dma_wait3A_265 = tpu.memref_slice %arg3[%add3A, %dma_wait3A_263, %dma_wait3A_264] : memref<26x8x128xf32, #tpu.memory_space<hbm>> -> memref<1x8x128xf32, #tpu.memory_space<hbm>>
        %dma_wait3A_266 = tpu.memref_squeeze %dma_wait3A_265 : memref<1x8x128xf32, #tpu.memory_space<hbm>> -> memref<8x128xf32, #tpu.memory_space<hbm>>
        %dma_wait3A_267 = arith.constant 0 : i32
        %dma_wait3A_268 = arith.constant 0 : i32
        %dma_wait3A_269 = tpu.memref_slice %arg3[%add3A, %dma_wait3A_267, %dma_wait3A_268] : memref<26x8x128xf32, #tpu.memory_space<hbm>> -> memref<1x8x128xf32, #tpu.memory_space<hbm>>
        %dma_wait3A_270 = tpu.memref_squeeze %dma_wait3A_269 : memref<1x8x128xf32, #tpu.memory_space<hbm>> -> memref<8x128xf32, #tpu.memory_space<hbm>>
        tpu.wait_dma2 semaphore(%run_scoped3A : memref<!tpu.dma_semaphore, #tpu.memory_space<semaphore_mem>>) src(%dma_wait3A_270 : memref<8x128xf32, #tpu.memory_space<hbm>>) dst(%arg7 : memref<8x128xf32, #tpu.memory_space<vmem>>)
        tpu.yield
      }) : () -> ()
      "tpu.region"() ({
        %run_scoped3A = tpu.sem_alloc : memref<!tpu.dma_semaphore, #tpu.memory_space<semaphore_mem>>
        %dma_start3A_255 = arith.constant 24992 : i32
        %dma_start3A_256 = arith.constant 0 : i32
        %dma_start3A_257 = tpu.memref_slice %arg4[%add3A, %dma_start3A_255, %dma_start3A_256] : memref<26x25000x128xf32, #tpu.memory_space<hbm>> -> memref<1x8x128xf32, #tpu.memory_space<hbm>>
        %dma_start3A_258 = tpu.memref_squeeze %dma_start3A_257 : memref<1x8x128xf32, #tpu.memory_space<hbm>> -> memref<8x128xf32, #tpu.memory_space<hbm>>
        %dma_start3A_259 = arith.constant 24992 : i32
        %dma_start3A_260 = arith.constant 0 : i32
        %dma_start3A_261 = tpu.memref_slice %arg4[%add3A, %dma_start3A_259, %dma_start3A_260] : memref<26x25000x128xf32, #tpu.memory_space<hbm>> -> memref<1x8x128xf32, #tpu.memory_space<hbm>>
        %dma_start3A_262 = tpu.memref_squeeze %dma_start3A_261 : memref<1x8x128xf32, #tpu.memory_space<hbm>> -> memref<8x128xf32, #tpu.memory_space<hbm>>
        tpu.enqueue_dma source(%arg7 : memref<8x128xf32, #tpu.memory_space<vmem>>) target(%dma_start3A_262 : memref<8x128xf32, #tpu.memory_space<hbm>>) target_semaphore(%run_scoped3A : memref<!tpu.dma_semaphore, #tpu.memory_space<semaphore_mem>>)
        %dma_wait3A_263 = arith.constant 24992 : i32
        %dma_wait3A_264 = arith.constant 0 : i32
        %dma_wait3A_265 = tpu.memref_slice %arg4[%add3A, %dma_wait3A_263, %dma_wait3A_264] : memref<26x25000x128xf32, #tpu.memory_space<hbm>> -> memref<1x8x128xf32, #tpu.memory_space<hbm>>
        %dma_wait3A_266 = tpu.memref_squeeze %dma_wait3A_265 : memref<1x8x128xf32, #tpu.memory_space<hbm>> -> memref<8x128xf32, #tpu.memory_space<hbm>>
        %dma_wait3A_267 = arith.constant 24992 : i32
        %dma_wait3A_268 = arith.constant 0 : i32
        %dma_wait3A_269 = tpu.memref_slice %arg4[%add3A, %dma_wait3A_267, %dma_wait3A_268] : memref<26x25000x128xf32, #tpu.memory_space<hbm>> -> memref<1x8x128xf32, #tpu.memory_space<hbm>>
        %dma_wait3A_270 = tpu.memref_squeeze %dma_wait3A_269 : memref<1x8x128xf32, #tpu.memory_space<hbm>> -> memref<8x128xf32, #tpu.memory_space<hbm>>
        tpu.wait_dma2 semaphore(%run_scoped3A : memref<!tpu.dma_semaphore, #tpu.memory_space<semaphore_mem>>) src(%arg7 : memref<8x128xf32, #tpu.memory_space<vmem>>) dst(%dma_wait3A_270 : memref<8x128xf32, #tpu.memory_space<hbm>>)
        tpu.yield
      }) : () -> ()
    } else {
    }
    return
  }
}

</mosaic_0001>

<sc_bundles>
// kernel: kernel.4.cloned.1.call-start
scs
__scs_entry_jumppad:
0x0: {  	(pc) =	sbr.rel $0x88, $3  }
0x1: {  	(tag) =	ssettag $0x0;
	lr =	simm.s32 $0x1  }
0x2: {  	[smem:$0x3F9F] =	sst lr;
	_ =	strace $0xD0000000  }
0x3: {  	_ = 	snop  }
0x4: {  	_ = 	snop  }
0x5: {  	_ = 	snop  }
0x6: {  	_ = 	snop  }
0x7: {  	_ = 	snop  }
__scs_overlays_trampoline_lowered:
0x8: {  	[smem:$0x3FAE] =	sst s0  }
0x9: {  	[smem:$0x3FAF] =	sst s1  }
0xa: {  	[smem:$0x3FB0] =	sst s2  }
0xb: {  	[smem:$0x3FB1] =	sst s3  }
0xc: {  	[smem:$0x3FB2] =	sst s4  }
0xd: {  	[smem:$0x3FB3] =	sst s5  }
0xe: {  	[smem:$0x3FB4] =	sst s6  }
0xf: {  	[smem:$0x3FB5] =	sst s7  }
0x10: {  	[smem:$0x3FB6] =	sst s8  }
0x11: {  	[smem:$0x3FB7] =	sst s9;
	s0 =	simm.s32 @!p0 $0x0  }
0x12: {  	s1 =	sld [smem:$0x3F9D];
	s0 =	simm.s32 @p0 $0x1  }
0x13: {  	[smem:$0x3FB8] =	sst s0;
	s0 =	simm.s32 @!p1 $0x0  }
0x14: {  	s2 =	sld [smem:$0x3F9C];
	s0 =	simm.s32 @p1 $0x1  }
0x15: {  	[smem:$0x3FB9] =	sst s0;
	s0 =	simm.s32 @!p2 $0x0  }
0x16: {  	s3 =	sld [smem:$0x3FDB];
	s0 =	simm.s32 @p2 $0x1  }
0x17: {  	s4 =	simm.s32 $0x1BF5;
	[smem:$0x3FBB] =	sst s0  }
0x18: {  	s0 =	sld [smem:$0x3F9E];
	_ =	swait.ge [sflag:s4], $0x0  }
0x19: {  	s7 =	sld [smem:$0x3F9F]  }
0x1a: {  	s8 =	sadd.s32 $0xFFFFE003, lr  }
0x1b: {  	s9 =	sadd.s32 $0xFFFFFEF7, lr;
	s5 =	simm.s32 $0xFFFFFFFF;
	p2 =	slt.u32 s8, $0xFFFFF086  }
0x1c: {  	p1 =	slt.u32 s9, $0xF7A;
	s5 =	simm.s32 @!p2 $0x0  }
0x1d: {  	s5 =	simm.s32 @p1 $0x1;
	p0 =	seq.s32 s7, s2  }
0x1e: {  	s7 =	smul.u32 @!p0 $0xF7A, s2;
	p2 =	seq.s32 @!p0 s5, $0x0  }
0x1f: {  	s9 =	smul.u32 $0xF7A, s1;
	s8 =	simm.s32 @!p0 $0x1BF5;
	p2 =	por !p2, p0  }
0x20: {  	[sflag:s8] =	ssyncset.s32 @!p0 $0xFFFFF086;
	s6 =	sadd.s32 @!p0 s3, s7;
	s7 =	simm.s32 @!p0 $0x108  }
0x21: {  	s3 =	sadd.s32 s3, s9;
	s6 =	sadd.s32 @!p0 $0x88, s6;
	s7 =	simm.s32 @p2 $0x1082  }
0x22: {  	[simem:s7], [sflag:s8] =	dma.local @!p0 [hbm:s6], $0xF7A  }
0x23: {  	s9 =	sor.u32 $0xD0000000, s2;
	s6 =	simm.s32 $0x108;
	_ =	swait.ge @!p0 [sflag:s8], $0x0  }
0x24: {  	s3 =	sadd.s32 $0x88, s3;
	s6 =	simm.s32 @!p1 $0x1082;
	[sflag:s4] =	ssyncset.s32 $0xFFFFF086  }
0x25: {  	[simem:s6], [sflag:s4] =	dma.local [hbm:s3], $0xF7A  }
0x26: {  	[smem:$0x3F9F] =	sst s1;
	(tag) =	ssettag s2;
	_ =	strace s9  }
0x27: {  	s1 =	sld [smem:$0x3FAF]  }
0x28: {  	s2 =	sld [smem:$0x3FB0]  }
0x29: {  	s4 =	sld [smem:$0x3FB2]  }
0x2a: {  	p0 =	seq.s32 s5, $0x0;
	s5 =	sld [smem:$0x3FB3]  }
0x2b: {  	s6 =	sld [smem:$0x3FB4]  }
0x2c: {  	s7 =	sld [smem:$0x3FB5]  }
0x2d: {  	s3 =	simm.s32 $0x108;
	s8 =	sld [smem:$0x3FB6]  }
0x2e: {  	s3 =	simm.s32 @!p0 $0x1082;
	s9 =	sld [smem:$0x3FB7]  }
0x2f: {  	lr =	sadd.s32 s0, s3;
	s0 =	sld [smem:$0x3FAE]  }
0x30: {  	s3 =	sld [smem:$0x3FB1]  }
0x31: {  	[smem:$0x3FBA] =	sst s10  }
0x32: {  	s10 =	sld [smem:$0x3FB8];
	_ =	sdelay $0x3  }
0x33: {  	p0 =	seq.s32 s10, $0x1;
	s10 =	sld [smem:$0x3FBA];
	_ =	sdelay $0x3  }
0x34: {  	[smem:$0x3FBA] =	sst s10  }
0x35: {  	s10 =	sld [smem:$0x3FB9];
	_ =	sdelay $0x3  }
0x36: {  	p1 =	seq.s32 s10, $0x1;
	s10 =	sld [smem:$0x3FBA];
	_ =	sdelay $0x3  }
0x37: {  	[smem:$0x3FBA] =	sst s10  }
0x38: {  	s10 =	sld [smem:$0x3FBB]  }
0x39: {  	_ = 	snop;
	(pc) =	sbr.ind lr, $3  }
0x3a: {  	_ = 	snop  }
0x3b: {  	_ = 	snop  }
0x3c: {  	p2 =	seq.s32 s10, $0x1;
	s10 =	sld [smem:$0x3FBA]  }
0x3d: {  	_ =	shalt  }
0x3e: {  	_ =	shalt  }
0x3f: {  	_ =	shalt  }
0x40: {  	_ =	shalt  }
0x41: {  	_ =	shalt  }
0x42: {  	_ =	shalt  }
0x43: {  	_ =	shalt  }
0x44: {  	_ =	shalt  }
0x45: {  	_ =	shalt  }
0x46: {  	_ =	shalt  }
0x47: {  	_ =	shalt  }
0x48: {  	_ =	shalt  }
0x49: {  	_ =	shalt  }
0x4a: {  	_ =	shalt  }
0x4b: {  	_ =	shalt  }
0x4c: {  	_ =	shalt  }
0x4d: {  	_ =	shalt  }
0x4e: {  	_ =	shalt  }
0x4f: {  	_ =	shalt  }
0x50: {  	_ =	shalt  }
0x51: {  	_ =	shalt  }
0x52: {  	_ =	shalt  }
0x53: {  	_ =	shalt  }
0x54: {  	_ =	shalt  }
0x55: {  	_ =	shalt  }
0x56: {  	_ =	shalt  }
0x57: {  	_ =	shalt  }
0x58: {  	_ =	shalt  }
0x59: {  	_ =	shalt  }
0x5a: {  	_ =	shalt  }
0x5b: {  	_ =	shalt  }
0x5c: {  	_ =	shalt  }
0x5d: {  	_ =	shalt  }
0x5e: {  	_ =	shalt  }
0x5f: {  	_ =	shalt  }
0x60: {  	_ =	shalt  }
0x61: {  	_ =	shalt  }
0x62: {  	_ =	shalt  }
0x63: {  	_ =	shalt  }
0x64: {  	_ =	shalt  }
0x65: {  	_ =	shalt  }
0x66: {  	_ =	shalt  }
0x67: {  	_ =	shalt  }
0x68: {  	_ =	shalt  }
0x69: {  	_ =	shalt  }
0x6a: {  	_ =	shalt  }
0x6b: {  	_ =	shalt  }
0x6c: {  	_ =	shalt  }
0x6d: {  	_ =	shalt  }
0x6e: {  	_ =	shalt  }
0x6f: {  	_ =	shalt  }
0x70: {  	_ =	shalt  }
0x71: {  	_ =	shalt  }
0x72: {  	_ =	shalt  }
0x73: {  	_ =	shalt  }
0x74: {  	_ =	shalt  }
0x75: {  	_ =	shalt  }
0x76: {  	_ =	shalt  }
0x77: {  	_ =	shalt  }
0x78: {  	_ =	shalt  }
0x79: {  	_ =	shalt  }
0x7a: {  	_ =	shalt  }
0x7b: {  	_ =	shalt  }
0x7c: {  	_ =	shalt  }
0x7d: {  	_ =	shalt  }
0x7e: {  	_ =	shalt  }
0x7f: {  	_ =	shalt  }
0x80: {  	_ =	shalt  }
0x81: {  	_ =	shalt  }
0x82: {  	_ =	shalt  }
0x83: {  	_ =	shalt  }
0x84: {  	_ =	shalt  }
0x85: {  	_ =	shalt  }
0x86: {  	_ =	shalt  }
0x87: {  	_ =	shalt  }
.Lfunc_end0:
.L_simem_size_0:
called_computation_lowered:
.L_overlay_start_0:
0x88: {  	s2 =	sld [smem:$0x3FD9]  }
0x89: {  	s3 =	sld [smem:$0x3FFE];
	_ =	sdelay $0x1  }
0x8a: {  	s1 =	srdreg.scid  }
0x8b: {  	s0 =	sand.u32 $0x1, s1  }
0x8c: {  	s17 =	sshll.u32 s0, $0xA;
	s2 =	sadd.s32 s3, s2  }
0x8d: {  	s2 =	sadd.s32 s2, s17  }
0x8e: {  	[smem:$0x3FC6] =	sst s2  }
0x8f: {  	_ = 	snop  }
0x90: {  	s2 =	sld [smem:$0x3FC8]  }
0x91: {  	s18 =	sld [smem:$0x3FD0];
	(tm) =	ssettm $0x1  }
0x92: {  	s4 =	sld [smem:$0x3FFB];
	_ =	sdelay $0x3  }
0x93: {  	_ =	strace s4  }
0x94: {  	s4 =	sld [smem:$0x3FFC];
	_ =	sdelay $0x3  }
0x95: {  	_ =	strace s4  }
0x96: {  	s4 =	sld [smem:$0x3FFD];
	_ =	sdelay $0x3  }
0x97: {  	_ =	strace s4  }
0x98: {  	_ =	strace $0x8FFFFFFF  }
0x99: {  	s19 =	sld [smem:$0x3FDB];
	_ =	sdelay $0x1  }
0x9a: {  	s5 =	simm.s32 $_scs_section_size  }
0x9b: {  	s6 =	simm.s32 $_size__tile_overlayer_lowered;
	s7 =	simm.s32 $_tile_overlayer_lowered  }
0x9c: {  	s22 =	simm.s32 $0x1BFF;
	s21 =	sshll.u32 s7, $0x1;
	s4 =	sadd.s32 s5, s19  }
0x9d: {  	s8 =	simm.s32 $0x0;
	s20 =	sshll.u32 s6, $0x1;
	s6 =	sadd.s32 s21, s4  }
0x9e: {  	[timem:s8], [sflag:s22] =	dma.local [hbm:s6], s20  }
0x9f: {  	_ =	swait.ge [sflag:s22], s20  }
0xa0: {  	s5 =	ssub.s32 $0x0, s20;
	[sflag:s22] =	ssyncset.done $0x0  }
0xa1: {  	[sflag:s22] =	ssyncadd.s32 s5;
	_ =	sdelay $0x1  }
0xa2: {  	s23 =	simm.s32 $0x1B8B  }
0xa3: {  	_ =	swait.ge [sflag:s23], $0x1  }
0xa4: {  	[sflag:s23] =	ssyncset.done $0x0  }
0xa5: {  	s25 =	simm.s32 $0x1B8E;
	s24 =	sld [smem:$0x3FFE];
	[sflag:s23] =	ssyncadd.s32 $0xFFFFFFFF  }
0xa6: {  	s26 =	simm.s32 $execute0_lowered;
	[smem:$0x3FD2] =	sst s25  }
0xa7: {  	s6 =	sshll.u32 s26, $0x1;
	_ =	strace $0x80000046;
	[dreg:$0x1] =	wrdreg $0xFFFFFFFF  }
0xa8: {  	s28 =	simm.s32 $_size_execute0_lowered;
	s4 =	sadd.s32 s4, s6;
	[dreg:$0x0] =	wrdreg $0x0  }
0xa9: {  	s6 =	sshll.u32 s28, $0x1;
	[dreg:$0x2] =	wrdreg s4  }
0xaa: {  	[dreg:$0x3] =	wrdreg s6  }
0xab: {  	[dreg:$0x4] =	wrdreg $0xC0  }
0xac: {  	_ =	task [dreg:s8], $0x5FFFF  }
0xad: {  	[dreg:$0x1] =	wrdreg $0xFFFFFFFF  }
0xae: {  	[dreg:$0x0] =	wrdreg $0x60  }
0xaf: {  	[dreg:$0x2] =	wrdreg s2  }
0xb0: {  	[dreg:$0x3] =	wrdreg s18  }
0xb1: {  	[dreg:$0x4] =	wrdreg s24  }
0xb2: {  	[dreg:$0x5] =	wrdreg $0x9  }
0xb3: {  	_ =	task.clear_ibuf [dreg:s8], $0x6FFFF;
	_ =	strace $0x90000046  }
0xb4: {  	s29 =	simm.s32 $0x9;
	_ =	strace $0x80000048  }
0xb5: {  	_ =	swait.ge [sflag:s29], $0x1  }
0xb6: {  	[sflag:s29] =	ssyncadd.s32 $0xFFFFFFFF  }
0xb7: {  	_ =	strace $0x90000048  }
0xb8: {  	_ =	sfence  }
0xb9: {  	s30 =	sld [smem:$0x0];
	_ =	sdelay $0x2  }
0xba: {  	s31 =	sshll.u32 s1, $0xD;
	s1 =	sshrl.u32 s1, $0x2  }
0xbb: {  	s3 =	sand.u32 $0x4000, s31;
	s1 =	sadd.s32 s1, s30  }
0xbc: {  	s0 =	sor.u32 s3, s0;
	s1 =	sshll.u32 s1, $0x11  }
0xbd: {  	s0 =	sor.u32 s1, s0  }
0xbe: {  	s0 =	sadd.s32 $0x8F2B, s0  }
0xbf: {  	[sflag:s0] =	ssyncadd.remote.s32 $0x1  }
0xc0: {  	_ =	sfence.sel $0xFFFF  }
0xc1: {  	[dreg:$0x0] =	wrdreg $0xFFFFFFFF;
	(pc) =	sbr.abs _section_cstart, $3  }
0xc2: {  	[dreg:$0x1] =	wrdreg $0xFFFFFFFF  }
0xc3: {  	_ =	task.clear_ibuf [dreg:s8], $0x2FFFF;
	_ =	strace $0x9FFFFFFF  }
0xc4: {  	(tm) =	ssettm $0x7FFFFFFF  }
0xc5: {  	_ =	shalt  }
tec
execute0_lowered:
.L_overlay_start_1:
0x0: {  	(tag) =	ssettag $0x1  }
0x1: {  	s1 =	rddreg [dreg:$0x0]  }
0x2: {  	s0 =	rddreg [dreg:$0x1]  }
0x3: {  	s2 =	rddreg [dreg:$0x2];
	s3 =	simm.s32 $0x0;
	s4 =	srdreg.scid  }
0x4: {  	s13 =	stileid.u32;
	s28 =	simm.s32 $0x4;
	s29 =	simm.s32 $0x5  }
0x5: {  	s30 =	simm.s32 $0x0;
	[smem:$0x7FF] =	sst s3;
	s5 =	sand.u32 $0x1, s4  }
0x6: {  	s7 =	sshll.u32 s13, $0x1;
	s4 =	sadd.s32 $0xA00, s2;
	_ =	strace $0x80000047  }
0x7: {  	s6 =	ssub.s32 $0x2, s5;
	s9 =	sor.u32 s5, s7;
	s5 =	simm.s32 $0x19  }
0x8: {  	s24 =	sshrl.u32 s6, $0x1;
	p0 =	slt.u32 s9, $0xD;
	s8 =	smul.u32 $0x30D400, s9  }
0x9: {  	s11 =	sshll.u32 s9, $0x7;
	s2 =	ssub.s32 s6, s24;
	s5 =	simm.s32 @!p0 $0x18  }
0xa: {  	s7 =	sadd.s32 s1, s11;
	s0 =	sadd.s32 s0, s11;
	p0 =	sgt.u32 s13, $0xC  }
0xb: {  	v0 =	vlaneseq.u32;
	s6 =	smul.u32 $0x1A, s5;
	s10 =	sshrl.u32 s8, $0x3;
	s8 =	sshll.u32 s9, $0xA  }
0xc: {  	v0 =	vmul.u32 $0x20, v0;
	s12 =	sadd.s32 $0x1000, s7;
	[dreg:$0x5] =	wrdreg s0;
	s31 =	smax.u32 s2, $0x1  }
0xd: {  	s14 =	sadd.s32 $0x18700, s7;
	s15 =	sadd.s32 $0x30E00, s7;
	s16 =	sadd.s32 $0x49500, s7  }
0xe: {  	v1 =	vor.u32 $0x200, v0;
	s17 =	sadd.s32 $0x19700, s7;
	[dreg:$0x4] =	wrdreg s12;
	s25 =	sadd.s32 s4, s10  }
0xf: {  	v2 =	vor.u32 $0x800, v0;
	v3 =	vor.u32 $0xA00, v0;
	v4 =	vor.u32 $0x1000, v0;
	s18 =	sadd.s32 $0x31E00, s7;
	[dreg:$0x7] =	wrdreg s31;
	s26 =	sadd.s32 $0x61A00, s25  }
0x10: {  	v5 =	vor.u32 $0x1200, v0;
	v6 =	vor.u32 $0x1800, v0;
	v7 =	vor.u32 $0x1A00, v0;
	s19 =	sadd.s32 $0x4A500, s7;
	s10 =	sshll.u32 s9, $0xC;
	[dreg:$0x6] =	wrdreg s26  }
.LBB2_1:
0x11: {  	[tilespmem:s3], [sflag:$0x1] =	stream.linear.gather [hbm4b:s7+s3], $0x400, $0x38;
	[tilespmem:$0xA400] =	vst v63  }
0x12: {  	s0 =	simm.s32 $0x800  }
0x13: {  	[tilespmem:s0], [sflag:$0x1] =	stream.linear.gather [hbm4b:s14+s3], $0x400, $0x38;
	[tilespmem:$0xA400] =	vst v63  }
0x14: {  	s21 =	simm.s32 $0x1000  }
0x15: {  	[tilespmem:s21], [sflag:$0x1] =	stream.linear.gather [hbm4b:s15+s3], $0x400, $0x38;
	[tilespmem:$0xA400] =	vst v63  }
0x16: {  	s22 =	simm.s32 $0x1800  }
0x17: {  	[tilespmem:s22], [sflag:$0x1] =	stream.linear.gather [hbm4b:s16+s3], $0x400, $0x38;
	[tilespmem:$0xA400] =	vst v63  }
0x18: {  	s23 =	rddreg [dreg:$0x4];
	s2 =	simm.s32 $0x2000  }
0x19: {  	[tilespmem:s2], [sflag:$0x2] =	stream.linear.gather [hbm4b:s23+s3], $0x400, $0x38;
	[tilespmem:$0xA400] =	vst v63  }
0x1a: {  	s24 =	simm.s32 $0x2800;
	s25 =	simm.s32 $0x3000  }
0x1b: {  	[tilespmem:s24], [sflag:$0x2] =	stream.linear.gather [hbm4b:s17+s3], $0x400, $0x38;
	[tilespmem:$0xA400] =	vst v63  }
0x1c: {  	s26 =	simm.s32 $0x3800;
	s31 =	simm.s32 $0x2;
	s20 =	simm.s32 $0x0  }
0x1d: {  	[tilespmem:s25], [sflag:$0x2] =	stream.linear.gather [hbm4b:s18+s3], $0x400, $0x38;
	[tilespmem:$0xA400] =	vst v63  }
0x1e: {  	s0 =	simm.s32 $0x0;
	s21 =	simm.s32 $0x0;
	s2 =	simm.s32 $0x0  }
0x1f: {  	[tilespmem:s26], [sflag:$0x2] =	stream.linear.gather [hbm4b:s19+s3], $0x400, $0x38;
	[tilespmem:$0xA400] =	vst v63  }
.LBB2_2:
0x20: {  	s9 =	sadd.s32 $0x2, s21  }
0x21: {  	p1 =	sge.u32 s9, s6  }
0x22: {  	s11 =	smulhi.u32 @!p1 $0xAAAAAAAB, s9;
	_ =	sdelay $0x1  }
0x23: {  	s12 =	smul.u32 @!p1 $0x30E000, s0;
	s11 =	sshrl.u32 @!p1 s11, $0x1  }
0x24: {  	s11 =	smul.u32 @!p1 $0x3, s11  }
0x25: {  	s13 =	sshll.u32 @!p1 s31, $0xF;
	s12 =	sadd.s32 @!p1 s8, s12  }
0x26: {  	s9 =	ssub.s32 @!p1 s9, s11;
	s11 =	sadd.s32 @!p1 s13, s12  }
0x27: {  	s13 =	simm.s32 @!p1 $0x0;
	s11 =	sshrl.u32 @!p1 s11, $0x3  }
0x28: {  	s12 =	sadd.s32 @!p1 $0x1, s9;
	s9 =	sshll.u32 @!p1 s9, $0xD;
	s11 =	sadd.s32 @!p1 s1, s11  }
0x29: {  	[tilespmem:s9], [sflag:s12] =	stream.linear.gather @!p1 [hbm4b:s11+s13], $0x400, $0x38;
	[tilespmem:$0xA400] =	vst v63  }
0x2a: {  	s24 =	smulhi.u32 $0xAAAAAAAB, s21;
	s23 =	sor.u32 @!p1 $0x800, s9;
	s22 =	sadd.s32 @!p1 $0x18700, s11  }
0x2b: {  	[tilespmem:s23], [sflag:s12] =	stream.linear.gather @!p1 [hbm4b:s22+s13], $0x400, $0x38;
	[tilespmem:$0xA400] =	vst v63  }
0x2c: {  	s26 =	sshrl.u32 s24, $0x1;
	s22 =	sadd.s32 @!p1 $0x30E00, s11;
	s23 =	sor.u32 @!p1 $0x1000, s9  }
0x2d: {  	[tilespmem:s23], [sflag:s12] =	stream.linear.gather @!p1 [hbm4b:s22+s13], $0x400, $0x38;
	[tilespmem:$0xA400] =	vst v63  }
0x2e: {  	s11 =	sadd.s32 @!p1 $0x49500, s11;
	s9 =	sor.u32 @!p1 $0x1800, s9;
	s22 =	smul.u32 $0x3, s26  }
0x2f: {  	[tilespmem:s9], [sflag:s12] =	stream.linear.gather @!p1 [hbm4b:s11+s13], $0x400, $0x38;
	[tilespmem:$0xA400] =	vst v63  }
0x30: {  	s22 =	ssub.s32 s21, s22  }
0x31: {  	s23 =	sadd.s32 $0x1, s22  }
0x32: {  	p1 =	slt.u32 s21, $0x2;
	s9 =	sshll.u32 s22, $0xD;
	_ =	swait.ge [sflag:s23], $0x1000  }
0x33: {  	s22 =	sand.u32 @!p1 $0x1, s21;
	v8 =	vmov s9;
	[sflag:s23] =	ssyncset.done $0x0  }
0x34: {  	s9 =	sor.u32 @!p1 $0x4, s22;
	[sflag:s23] =	ssyncadd.s32 $0xFFFFF000  }
0x35: {  	s11 =	simm.s32 $0x0;
	_ =	swait.ge @!p1 [sflag:s9], $0x1000  }
0x36: {  	s12 =	sand.u32 $0x1800, s11;
	s24 =	sand.u32 $0x300, s11;
	[sflag:s9] =	ssyncset.done @!p1 $0x0  }
0x37: {  	s25 =	sor.u32 s24, s12;
	[sflag:s9] =	ssyncadd.s32 @!p1 $0xFFFFF000  }
0x38: {  	v10 =	vor.u32 s11, v0;
	v9 =	vld.idx.msk [tilespmem:v8+s25+$0x0 ss:$0x1], $0xffff  }
0x39: {  	s22 =	smov.u32 @p1 s21  }
0x3a: {  	s26 =	sshll.u32 s22, $0xD  }
0x3b: {  	s23 =	sand.u32 $0x3FFFE000, s26  }
0x3c: {  	s24 =	sadd.s32 $0x6000, s23  }
0x3d: {  	[tilespmem:v10+s24+$0x0] =	vst.idx.msk $0xffff, v9  }
0x3e: {  	v10 =	vor.u32 s11, v1;
	v9 =	vld.idx.msk [tilespmem:v8+s25+$0x10 ss:$0x1], $0xffff;
	_ =	sdelay $0x4  }
0x3f: {  	[tilespmem:v10+s24+$0x0] =	vst.idx.msk $0xffff, v9  }
0x40: {  	v10 =	vor.u32 s11, v2;
	v9 =	vld.idx.msk [tilespmem:v8+s25+$0x20 ss:$0x1], $0xffff;
	_ =	sdelay $0x4  }
0x41: {  	[tilespmem:v10+s24+$0x0] =	vst.idx.msk $0xffff, v9  }
0x42: {  	v10 =	vor.u32 s11, v3;
	v9 =	vld.idx.msk [tilespmem:v8+s25+$0x30 ss:$0x1], $0xffff;
	_ =	sdelay $0x4  }
0x43: {  	[tilespmem:v10+s24+$0x0] =	vst.idx.msk $0xffff, v9  }
0x44: {  	v10 =	vor.u32 s11, v4;
	v9 =	vld.idx.msk [tilespmem:v8+s25+$0x40 ss:$0x1], $0xffff;
	_ =	sdelay $0x4  }
0x45: {  	[tilespmem:v10+s24+$0x0] =	vst.idx.msk $0xffff, v9  }
0x46: {  	v10 =	vor.u32 s11, v5;
	v9 =	vld.idx.msk [tilespmem:v8+s25+$0x50 ss:$0x1], $0xffff;
	_ =	sdelay $0x4  }
0x47: {  	[tilespmem:v10+s24+$0x0] =	vst.idx.msk $0xffff, v9  }
0x48: {  	v10 =	vor.u32 s11, v6;
	v9 =	vld.idx.msk [tilespmem:v8+s25+$0x60 ss:$0x1], $0xffff;
	_ =	sdelay $0x4  }
0x49: {  	[tilespmem:v10+s24+$0x0] =	vst.idx.msk $0xffff, v9  }
0x4a: {  	v10 =	vor.u32 s11, v7;
	v9 =	vld.idx.msk [tilespmem:v8+s25+$0x70 ss:$0x1], $0xffff;
	_ =	sdelay $0x2  }
0x4b: {  	s11 =	simm.s32 $0x80  }
0x4c: {  	s9 =	sand.u32 $0x380, s11  }
0x4d: {  	s13 =	simm.s32 $0x1;
	s12 =	sor.u32 s9, s12;
	[tilespmem:v10+s24+$0x0] =	vst.idx.msk $0xffff, v9  }
0x4e: {  	v10 =	vor.u32 s13, v0;
	v9 =	vld.idx.msk [tilespmem:v8+s12+$0x0 ss:$0x1], $0xffff;
	_ =	sdelay $0x4  }
0x4f: {  	[tilespmem:v10+s24+$0x0] =	vst.idx.msk $0xffff, v9  }
0x50: {  	v10 =	vor.u32 s13, v1;
	v9 =	vld.idx.msk [tilespmem:v8+s12+$0x10 ss:$0x1], $0xffff;
	_ =	sdelay $0x4  }
0x51: {  	[tilespmem:v10+s24+$0x0] =	vst.idx.msk $0xffff, v9  }
0x52: {  	v10 =	vor.u32 s13, v2;
	v9 =	vld.idx.msk [tilespmem:v8+s12+$0x20 ss:$0x1], $0xffff;
	_ =	sdelay $0x4  }
0x53: {  	[tilespmem:v10+s24+$0x0] =	vst.idx.msk $0xffff, v9  }
0x54: {  	v10 =	vor.u32 s13, v3;
	v9 =	vld.idx.msk [tilespmem:v8+s12+$0x30 ss:$0x1], $0xffff;
	_ =	sdelay $0x4  }
0x55: {  	[tilespmem:v10+s24+$0x0] =	vst.idx.msk $0xffff, v9  }
0x56: {  	v10 =	vor.u32 s13, v4;
	v9 =	vld.idx.msk [tilespmem:v8+s12+$0x40 ss:$0x1], $0xffff;
	_ =	sdelay $0x4  }
0x57: {  	[tilespmem:v10+s24+$0x0] =	vst.idx.msk $0xffff, v9  }
0x58: {  	v10 =	vor.u32 s13, v5;
	v9 =	vld.idx.msk [tilespmem:v8+s12+$0x50 ss:$0x1], $0xffff;
	_ =	sdelay $0x4  }
0x59: {  	[tilespmem:v10+s24+$0x0] =	vst.idx.msk $0xffff, v9  }
0x5a: {  	v10 =	vor.u32 s13, v6;
	v9 =	vld.idx.msk [tilespmem:v8+s12+$0x60 ss:$0x1], $0xffff;
	_ =	sdelay $0x4  }
0x5b: {  	[tilespmem:v10+s24+$0x0] =	vst.idx.msk $0xffff, v9  }
0x5c: {  	v10 =	vor.u32 s13, v7;
	v9 =	vld.idx.msk [tilespmem:v8+s12+$0x70 ss:$0x1], $0xffff;
	_ =	sdelay $0x2  }
0x5d: {  	s26 =	simm.s32 $0x100;
	s25 =	simm.s32 $0x2;
	s9 =	simm.s32 $0x200  }
0x5e: {  	s11 =	simm.s32 $0x4;
	s13 =	sand.u32 $0x300, s26;
	s12 =	sand.u32 $0x1800, s9  }
.LBB2_3:
0x5f: {  	p1 =	sne.s32 s11, $0x1E;
	s13 =	sor.u32 s13, s12;
	[tilespmem:v10+s24+$0x0] =	vst.idx.msk $0xffff, v9  }
0x60: {  	v9 =	vld.idx.msk [tilespmem:v8+s13+$0x0 ss:$0x1], $0xffff  }
0x61: {  	v10 =	vor.u32 s25, v0;
	_ =	sdelay $0x4  }
0x62: {  	[tilespmem:v10+s24+$0x0] =	vst.idx.msk $0xffff, v9  }
0x63: {  	v9 =	vld.idx.msk [tilespmem:v8+s13+$0x10 ss:$0x1], $0xffff  }
0x64: {  	v10 =	vor.u32 s25, v1;
	_ =	sdelay $0x4  }
0x65: {  	[tilespmem:v10+s24+$0x0] =	vst.idx.msk $0xffff, v9  }
0x66: {  	v9 =	vld.idx.msk [tilespmem:v8+s13+$0x20 ss:$0x1], $0xffff  }
0x67: {  	v10 =	vor.u32 s25, v2;
	_ =	sdelay $0x4  }
0x68: {  	[tilespmem:v10+s24+$0x0] =	vst.idx.msk $0xffff, v9  }
0x69: {  	v9 =	vld.idx.msk [tilespmem:v8+s13+$0x30 ss:$0x1], $0xffff  }
0x6a: {  	v10 =	vor.u32 s25, v3;
	_ =	sdelay $0x4  }
0x6b: {  	[tilespmem:v10+s24+$0x0] =	vst.idx.msk $0xffff, v9  }
0x6c: {  	v9 =	vld.idx.msk [tilespmem:v8+s13+$0x40 ss:$0x1], $0xffff  }
0x6d: {  	v10 =	vor.u32 s25, v4;
	_ =	sdelay $0x4  }
0x6e: {  	[tilespmem:v10+s24+$0x0] =	vst.idx.msk $0xffff, v9  }
0x6f: {  	v9 =	vld.idx.msk [tilespmem:v8+s13+$0x50 ss:$0x1], $0xffff  }
0x70: {  	v10 =	vor.u32 s25, v5;
	_ =	sdelay $0x4  }
0x71: {  	[tilespmem:v10+s24+$0x0] =	vst.idx.msk $0xffff, v9  }
0x72: {  	v9 =	vld.idx.msk [tilespmem:v8+s13+$0x60 ss:$0x1], $0xffff  }
0x73: {  	v10 =	vor.u32 s25, v6;
	_ =	sdelay $0x4  }
0x74: {  	[tilespmem:v10+s24+$0x0] =	vst.idx.msk $0xffff, v9  }
0x75: {  	v9 =	vld.idx.msk [tilespmem:v8+s13+$0x70 ss:$0x1], $0xffff  }
0x76: {  	v10 =	vor.u32 s25, v7;
	_ =	sdelay $0x2  }
0x77: {  	s13 =	sadd.s32 $0x80, s26  }
0x78: {  	s13 =	sand.u32 $0x380, s13  }
0x79: {  	s13 =	sor.u32 s13, s12;
	[tilespmem:v10+s24+$0x0] =	vst.idx.msk $0xffff, v9  }
0x7a: {  	s12 =	sadd.s32 $0x1, s25;
	s25 =	smov.u32 s11;
	v9 =	vld.idx.msk [tilespmem:v8+s13+$0x0 ss:$0x1], $0xffff  }
0x7b: {  	v10 =	vor.u32 s12, v0;
	_ =	sdelay $0x4  }
0x7c: {  	[tilespmem:v10+s24+$0x0] =	vst.idx.msk $0xffff, v9  }
0x7d: {  	v9 =	vld.idx.msk [tilespmem:v8+s13+$0x10 ss:$0x1], $0xffff  }
0x7e: {  	v10 =	vor.u32 s12, v1;
	_ =	sdelay $0x4  }
0x7f: {  	[tilespmem:v10+s24+$0x0] =	vst.idx.msk $0xffff, v9  }
0x80: {  	v9 =	vld.idx.msk [tilespmem:v8+s13+$0x20 ss:$0x1], $0xffff  }
0x81: {  	v10 =	vor.u32 s12, v2;
	_ =	sdelay $0x4  }
0x82: {  	[tilespmem:v10+s24+$0x0] =	vst.idx.msk $0xffff, v9  }
0x83: {  	v9 =	vld.idx.msk [tilespmem:v8+s13+$0x30 ss:$0x1], $0xffff  }
0x84: {  	v10 =	vor.u32 s12, v3;
	_ =	sdelay $0x4  }
0x85: {  	[tilespmem:v10+s24+$0x0] =	vst.idx.msk $0xffff, v9  }
0x86: {  	v9 =	vld.idx.msk [tilespmem:v8+s13+$0x40 ss:$0x1], $0xffff  }
0x87: {  	v10 =	vor.u32 s12, v4;
	_ =	sdelay $0x4  }
0x88: {  	[tilespmem:v10+s24+$0x0] =	vst.idx.msk $0xffff, v9  }
0x89: {  	v9 =	vld.idx.msk [tilespmem:v8+s13+$0x50 ss:$0x1], $0xffff  }
0x8a: {  	v10 =	vor.u32 s12, v5;
	_ =	sdelay $0x4  }
0x8b: {  	[tilespmem:v10+s24+$0x0] =	vst.idx.msk $0xffff, v9  }
0x8c: {  	v9 =	vld.idx.msk [tilespmem:v8+s13+$0x60 ss:$0x1], $0xffff  }
0x8d: {  	v10 =	vor.u32 s12, v6;
	_ =	sdelay $0x4  }
0x8e: {  	[tilespmem:v10+s24+$0x0] =	vst.idx.msk $0xffff, v9  }
0x8f: {  	v9 =	vld.idx.msk [tilespmem:v8+s13+$0x70 ss:$0x1], $0xffff  }
.Ltmp0:
0x90: {  	v10 =	vor.u32 s12, v7;
	(pc) =	sbr.rel @p1 .LBB2_3-.Ltmp0, $3  }
0x91: {  	_ =	sdelay $0x1  }
0x92: {  	s9 =	sadd.s32 $0x200, s9;
	s26 =	sadd.s32 $0x100, s26  }
0x93: {  	s11 =	sadd.s32 $0x2, s11;
	s12 =	sand.u32 $0x1800, s9;
	s13 =	sand.u32 $0x300, s26  }
0x94: {  	_ =	sdelay $0x3  }
0x95: {  	s9 =	sor.u32 s13, s12;
	[tilespmem:v10+s24+$0x0] =	vst.idx.msk $0xffff, v9  }
0x96: {  	v48 =	vor.u32 s25, v0;
	v9 =	vld.idx.msk [tilespmem:v8+s9+$0x0 ss:$0x1], $0xffff;
	_ =	sdelay $0x4  }
0x97: {  	[tilespmem:v48+s24+$0x0] =	vst.idx.msk $0xffff, v9  }
0x98: {  	v49 =	vor.u32 s25, v1;
	v9 =	vld.idx.msk [tilespmem:v8+s9+$0x10 ss:$0x1], $0xffff;
	_ =	sdelay $0x4  }
0x99: {  	[tilespmem:v49+s24+$0x0] =	vst.idx.msk $0xffff, v9  }
0x9a: {  	v50 =	vor.u32 s25, v2;
	v9 =	vld.idx.msk [tilespmem:v8+s9+$0x20 ss:$0x1], $0xffff;
	_ =	sdelay $0x4  }
0x9b: {  	[tilespmem:v50+s24+$0x0] =	vst.idx.msk $0xffff, v9  }
0x9c: {  	v51 =	vor.u32 s25, v3;
	v9 =	vld.idx.msk [tilespmem:v8+s9+$0x30 ss:$0x1], $0xffff;
	_ =	sdelay $0x4  }
0x9d: {  	[tilespmem:v51+s24+$0x0] =	vst.idx.msk $0xffff, v9  }
0x9e: {  	v52 =	vor.u32 s25, v4;
	v9 =	vld.idx.msk [tilespmem:v8+s9+$0x40 ss:$0x1], $0xffff;
	_ =	sdelay $0x4  }
0x9f: {  	[tilespmem:v52+s24+$0x0] =	vst.idx.msk $0xffff, v9  }
0xa0: {  	v53 =	vor.u32 s25, v5;
	v9 =	vld.idx.msk [tilespmem:v8+s9+$0x50 ss:$0x1], $0xffff;
	_ =	sdelay $0x4  }
0xa1: {  	[tilespmem:v53+s24+$0x0] =	vst.idx.msk $0xffff, v9  }
0xa2: {  	v54 =	vor.u32 s25, v6;
	v9 =	vld.idx.msk [tilespmem:v8+s9+$0x60 ss:$0x1], $0xffff;
	_ =	sdelay $0x4  }
0xa3: {  	[tilespmem:v54+s24+$0x0] =	vst.idx.msk $0xffff, v9  }
0xa4: {  	v55 =	vor.u32 s25, v7;
	v9 =	vld.idx.msk [tilespmem:v8+s9+$0x70 ss:$0x1], $0xffff;
	_ =	sdelay $0x2  }
0xa5: {  	s26 =	sadd.s32 $0x80, s26  }
0xa6: {  	s9 =	sand.u32 $0x380, s26  }
0xa7: {  	s11 =	sadd.s32 $0x1, s25;
	s9 =	sor.u32 s9, s12;
	[tilespmem:v55+s24+$0x0] =	vst.idx.msk $0xffff, v9  }
0xa8: {  	v56 =	vor.u32 s11, v0;
	v9 =	vld.idx.msk [tilespmem:v8+s9+$0x0 ss:$0x1], $0xffff;
	_ =	sdelay $0x4  }
0xa9: {  	[tilespmem:v56+s24+$0x0] =	vst.idx.msk $0xffff, v9  }
0xaa: {  	v57 =	vor.u32 s11, v1;
	v9 =	vld.idx.msk [tilespmem:v8+s9+$0x10 ss:$0x1], $0xffff;
	_ =	sdelay $0x4  }
0xab: {  	[tilespmem:v57+s24+$0x0] =	vst.idx.msk $0xffff, v9  }
0xac: {  	v58 =	vor.u32 s11, v2;
	v9 =	vld.idx.msk [tilespmem:v8+s9+$0x20 ss:$0x1], $0xffff;
	_ =	sdelay $0x4  }
0xad: {  	[tilespmem:v58+s24+$0x0] =	vst.idx.msk $0xffff, v9  }
0xae: {  	v59 =	vor.u32 s11, v3;
	v9 =	vld.idx.msk [tilespmem:v8+s9+$0x30 ss:$0x1], $0xffff;
	_ =	sdelay $0x4  }
0xaf: {  	[tilespmem:v59+s24+$0x0] =	vst.idx.msk $0xffff, v9  }
0xb0: {  	v60 =	vor.u32 s11, v4;
	v9 =	vld.idx.msk [tilespmem:v8+s9+$0x40 ss:$0x1], $0xffff;
	_ =	sdelay $0x4  }
0xb1: {  	[tilespmem:v60+s24+$0x0] =	vst.idx.msk $0xffff, v9  }
0xb2: {  	v61 =	vor.u32 s11, v5;
	v9 =	vld.idx.msk [tilespmem:v8+s9+$0x50 ss:$0x1], $0xffff;
	_ =	sdelay $0x4  }
0xb3: {  	[tilespmem:v61+s24+$0x0] =	vst.idx.msk $0xffff, v9  }
0xb4: {  	v62 =	vor.u32 s11, v6;
	v9 =	vld.idx.msk [tilespmem:v8+s9+$0x60 ss:$0x1], $0xffff;
	_ =	sdelay $0x4  }
0xb5: {  	[tilespmem:v62+s24+$0x0] =	vst.idx.msk $0xffff, v9  }
0xb6: {  	v63 =	vor.u32 s11, v7;
	s11 =	smul.u32 $0x30D400, s20;
	v8 =	vld.idx.msk [tilespmem:v8+s9+$0x70 ss:$0x1], $0xffff;
	_ =	sdelay $0x1  }
0xb7: {  	s12 =	sshll.u32 s2, $0x11;
	s9 =	sadd.s32 s10, s11  }
0xb8: {  	s9 =	sadd.s32 s12, s9  }
0xb9: {  	s9 =	sshrl.u32 s9, $0x3  }
0xba: {  	s11 =	sadd.s32 $0x4, s22;
	s9 =	sadd.s32 s4, s9;
	[tilespmem:v63+s24+$0x0] =	vst.idx.msk $0xffff, v8  }
0xbb: {  	[hbm4b:s9+s3] =	stream.linear.scatter [tilespmem:s24], [sflag:s11], $0x400, $0x38;
	[tilespmem:$0xA400] =	vst v63  }
0xbc: {  	s13 =	sadd.s32 $0x6800, s23;
	s22 =	sadd.s32 $0x80, s9  }
0xbd: {  	[hbm4b:s22+s3] =	stream.linear.scatter [tilespmem:s13], [sflag:s11], $0x400, $0x38;
	[tilespmem:$0xA400] =	vst v63  }
0xbe: {  	s25 =	sadd.s32 $0x100, s9;
	s24 =	sadd.s32 $0x7000, s23  }
0xbf: {  	[hbm4b:s25+s3] =	stream.linear.scatter [tilespmem:s24], [sflag:s11], $0x400, $0x38;
	[tilespmem:$0xA400] =	vst v63  }
0xc0: {  	s26 =	sadd.s32 $0x7800, s23;
	s2 =	sadd.s32 $0x1, s2;
	s9 =	sadd.s32 $0x180, s9  }
0xc1: {  	[hbm4b:s9+s3] =	stream.linear.scatter [tilespmem:s26], [sflag:s11], $0x400, $0x38;
	[tilespmem:$0xA400] =	vst v63  }
0xc2: {  	s21 =	sadd.s32 $0x1, s21;
	p1 =	sge.s32 s2, s5;
	s9 =	simm.s32 $0x1  }
0xc3: {  	s2 =	simm.s32 @p1 $0x0;
	s9 =	simm.s32 @!p1 $0x0;
	p1 =	sne.s32 s21, s6  }
.Ltmp1:
0xc4: {  	_ = 	snop;
	(pc) =	sbr.rel @p1 .LBB2_2-.Ltmp1, $4  }
0xc5: {  	s31 =	sadd.s32 $0x1, s31  }
0xc6: {  	p2 =	sge.s32 s31, s5;
	s11 =	simm.s32 $0x1  }
0xc7: {  	s11 =	simm.s32 @!p2 $0x0  }
0xc8: {  	s31 =	simm.s32 @p2 $0x0;
	s20 =	sadd.s32 s9, s20;
	s0 =	sadd.s32 s11, s0  }
0xc9: {  	_ =	swait.ge [sflag:s28], $0x1000  }
0xca: {  	[sflag:s28] =	ssyncset.done $0x0  }
0xcb: {  	[sflag:s28] =	ssyncadd.s32 $0xFFFFF000  }
0xcc: {  	_ =	swait.ge [sflag:s29], $0x1000  }
0xcd: {  	s0 =	simm.s32 @!p0 $0x0;
	[sflag:s29] =	ssyncset.done $0x0  }
0xce: {  	s2 =	simm.s32 @!p0 $0xA000;
	s9 =	rddreg [dreg:$0x5];
	[sflag:s29] =	ssyncadd.s32 $0xFFFFF000  }
0xcf: {  	[tilespmem:s2], [sflag:$0x6] =	stream.linear.gather @!p0 [hbm4b:s9+s0], $0x400, $0x38;
	[tilespmem:$0xA400] =	vst v63  }
0xd0: {  	s9 =	simm.s32 @!p0 $0x6  }
0xd1: {  	_ =	swait.ge @!p0 [sflag:s9], $0x400  }
0xd2: {  	[sflag:s9] =	ssyncset.done @!p0 $0x0  }
0xd3: {  	s11 =	rddreg [dreg:$0x6];
	[sflag:s9] =	ssyncadd.s32 @!p0 $0xFFFFFC00  }
0xd4: {  	[hbm4b:s11+s0] =	stream.linear.scatter @!p0 [tilespmem:s2], [sflag:$0x6], $0x400, $0x38;
	[tilespmem:$0xA400] =	vst v63  }
0xd5: {  	_ =	swait.ge @!p0 [sflag:s9], $0x400  }
0xd6: {  	s30 =	sadd.s32 $0x1, s30;
	s31 =	rddreg [dreg:$0x7]  }
0xd7: {  	p1 =	sne.s32 s30, s31  }
.Ltmp2:
0xd8: {  	_ = 	snop;
	(pc) =	sbr.rel @p1 .LBB2_1-.Ltmp2, $3  }
0xd9: {  	_ =	sdelay $0x1  }
0xda: {  	[sflag:s9] =	ssyncset.done @!p0 $0x0  }
0xdb: {  	[sflag:s9] =	ssyncadd.s32 @!p0 $0xFFFFFC00  }
0xdc: {  	_ =	sfence.sel $0x180000  }
0xdd: {  	[bflag:$0x0] =	sbarrier.arrive $0xFFFF  }
0xde: {  	_ =	strace $0x90000047  }
0xdf: {  	s0 =	stileid.u32;
	[bflag:$0x2] =	sbarrier.arrive $0xFFFF  }
0xe0: {  	p0 =	sne.s32 s0, $0x0;
	s0 =	rddreg [dreg:$0x3]  }
0xe1: {  	s0 =	sadd.s32 @!p0 $0x100000, s0  }
0xe2: {  	[sflag:s0] =	ssyncadd.tile.s32 @!p0 $0x1;
	_ =	shalt  }
.Lfunc_end2:
_tile_overlayer_lowered:
.L_overlay_start_2:
0xe3: {  	(tag) =	ssettag $0x2  }
0xe4: {  	s0 =	rddreg [dreg:$0x0];
	s2 =	stileid.u32  }
0xe5: {  	s1 =	rddreg [dreg:$0x1];
	p0 =	sne.s32 s2, $0x0  }
0xe6: {  	s3 =	rddreg [dreg:$0x2];
	[bflag:$0x3] =	sbarrier.arrive $0xFFFF;
	s2 =	simm.s32 @!p0 $0x1C06  }
0xe7: {  	[timem:s3], [sflag:s2] =	dma.local @!p0 [hbm:s0], s1  }
0xe8: {  	s0 =	simm.s32 @!p0 $0x6  }
0xe9: {  	_ =	swait.ge @!p0 [sflag:s0], s1  }
0xea: {  	s1 =	ssub.s32 @!p0 $0x0, s1;
	[sflag:s0] =	ssyncset.done @!p0 $0x0  }
0xeb: {  	[sflag:s0] =	ssyncadd.s32 @!p0 s1  }
0xec: {  	[bflag:$0x3] =	sbarrier.arrive $0xFFFF  }
0xed: {  	_ =	shalt  }

// kernel: kernel.7.cloned.1.call-start
scs
__scs_entry_jumppad:
0x0: {  	(pc) =	sbr.rel $0x88, $3  }
0x1: {  	(tag) =	ssettag $0x0;
	lr =	simm.s32 $0x1  }
0x2: {  	[smem:$0x3F9F] =	sst lr;
	_ =	strace $0xD0000000  }
0x3: {  	_ = 	snop  }
0x4: {  	_ = 	snop  }
0x5: {  	_ = 	snop  }
0x6: {  	_ = 	snop  }
0x7: {  	_ = 	snop  }
__scs_overlays_trampoline_lowered:
0x8: {  	[smem:$0x3FAE] =	sst s0  }
0x9: {  	[smem:$0x3FAF] =	sst s1  }
0xa: {  	[smem:$0x3FB0] =	sst s2  }
0xb: {  	[smem:$0x3FB1] =	sst s3  }
0xc: {  	[smem:$0x3FB2] =	sst s4  }
0xd: {  	[smem:$0x3FB3] =	sst s5  }
0xe: {  	[smem:$0x3FB4] =	sst s6  }
0xf: {  	[smem:$0x3FB5] =	sst s7  }
0x10: {  	[smem:$0x3FB6] =	sst s8  }
0x11: {  	[smem:$0x3FB7] =	sst s9;
	s0 =	simm.s32 @!p0 $0x0  }
0x12: {  	s1 =	sld [smem:$0x3F9D];
	s0 =	simm.s32 @p0 $0x1  }
0x13: {  	[smem:$0x3FB8] =	sst s0;
	s0 =	simm.s32 @!p1 $0x0  }
0x14: {  	s2 =	sld [smem:$0x3F9C];
	s0 =	simm.s32 @p1 $0x1  }
0x15: {  	[smem:$0x3FB9] =	sst s0;
	s0 =	simm.s32 @!p2 $0x0  }
0x16: {  	s3 =	sld [smem:$0x3FDB];
	s0 =	simm.s32 @p2 $0x1  }
0x17: {  	s4 =	simm.s32 $0x1BF5;
	[smem:$0x3FBB] =	sst s0  }
0x18: {  	s0 =	sld [smem:$0x3F9E];
	_ =	swait.ge [sflag:s4], $0x0  }
0x19: {  	s7 =	sld [smem:$0x3F9F]  }
0x1a: {  	s8 =	sadd.s32 $0xFFFFE003, lr  }
0x1b: {  	s9 =	sadd.s32 $0xFFFFFEF7, lr;
	s5 =	simm.s32 $0xFFFFFFFF;
	p2 =	slt.u32 s8, $0xFFFFF086  }
0x1c: {  	p1 =	slt.u32 s9, $0xF7A;
	s5 =	simm.s32 @!p2 $0x0  }
0x1d: {  	s5 =	simm.s32 @p1 $0x1;
	p0 =	seq.s32 s7, s2  }
0x1e: {  	s7 =	smul.u32 @!p0 $0xF7A, s2;
	p2 =	seq.s32 @!p0 s5, $0x0  }
0x1f: {  	s9 =	smul.u32 $0xF7A, s1;
	s8 =	simm.s32 @!p0 $0x1BF5;
	p2 =	por !p2, p0  }
0x20: {  	[sflag:s8] =	ssyncset.s32 @!p0 $0xFFFFF086;
	s6 =	sadd.s32 @!p0 s3, s7;
	s7 =	simm.s32 @!p0 $0x108  }
0x21: {  	s3 =	sadd.s32 s3, s9;
	s6 =	sadd.s32 @!p0 $0x88, s6;
	s7 =	simm.s32 @p2 $0x1082  }
0x22: {  	[simem:s7], [sflag:s8] =	dma.local @!p0 [hbm:s6], $0xF7A  }
0x23: {  	s9 =	sor.u32 $0xD0000000, s2;
	s6 =	simm.s32 $0x108;
	_ =	swait.ge @!p0 [sflag:s8], $0x0  }
0x24: {  	s3 =	sadd.s32 $0x88, s3;
	s6 =	simm.s32 @!p1 $0x1082;
	[sflag:s4] =	ssyncset.s32 $0xFFFFF086  }
0x25: {  	[simem:s6], [sflag:s4] =	dma.local [hbm:s3], $0xF7A  }
0x26: {  	[smem:$0x3F9F] =	sst s1;
	(tag) =	ssettag s2;
	_ =	strace s9  }
0x27: {  	s1 =	sld [smem:$0x3FAF]  }
0x28: {  	s2 =	sld [smem:$0x3FB0]  }
0x29: {  	s4 =	sld [smem:$0x3FB2]  }
0x2a: {  	p0 =	seq.s32 s5, $0x0;
	s5 =	sld [smem:$0x3FB3]  }
0x2b: {  	s6 =	sld [smem:$0x3FB4]  }
0x2c: {  	s7 =	sld [smem:$0x3FB5]  }
0x2d: {  	s3 =	simm.s32 $0x108;
	s8 =	sld [smem:$0x3FB6]  }
0x2e: {  	s3 =	simm.s32 @!p0 $0x1082;
	s9 =	sld [smem:$0x3FB7]  }
0x2f: {  	lr =	sadd.s32 s0, s3;
	s0 =	sld [smem:$0x3FAE]  }
0x30: {  	s3 =	sld [smem:$0x3FB1]  }
0x31: {  	[smem:$0x3FBA] =	sst s10  }
0x32: {  	s10 =	sld [smem:$0x3FB8];
	_ =	sdelay $0x3  }
0x33: {  	p0 =	seq.s32 s10, $0x1;
	s10 =	sld [smem:$0x3FBA];
	_ =	sdelay $0x3  }
0x34: {  	[smem:$0x3FBA] =	sst s10  }
0x35: {  	s10 =	sld [smem:$0x3FB9];
	_ =	sdelay $0x3  }
0x36: {  	p1 =	seq.s32 s10, $0x1;
	s10 =	sld [smem:$0x3FBA];
	_ =	sdelay $0x3  }
0x37: {  	[smem:$0x3FBA] =	sst s10  }
0x38: {  	s10 =	sld [smem:$0x3FBB]  }
0x39: {  	_ = 	snop;
	(pc) =	sbr.ind lr, $3  }
0x3a: {  	_ = 	snop  }
0x3b: {  	_ = 	snop  }
0x3c: {  	p2 =	seq.s32 s10, $0x1;
	s10 =	sld [smem:$0x3FBA]  }
0x3d: {  	_ =	shalt  }
0x3e: {  	_ =	shalt  }
0x3f: {  	_ =	shalt  }
0x40: {  	_ =	shalt  }
0x41: {  	_ =	shalt  }
0x42: {  	_ =	shalt  }
0x43: {  	_ =	shalt  }
0x44: {  	_ =	shalt  }
0x45: {  	_ =	shalt  }
0x46: {  	_ =	shalt  }
0x47: {  	_ =	shalt  }
0x48: {  	_ =	shalt  }
0x49: {  	_ =	shalt  }
0x4a: {  	_ =	shalt  }
0x4b: {  	_ =	shalt  }
0x4c: {  	_ =	shalt  }
0x4d: {  	_ =	shalt  }
0x4e: {  	_ =	shalt  }
0x4f: {  	_ =	shalt  }
0x50: {  	_ =	shalt  }
0x51: {  	_ =	shalt  }
0x52: {  	_ =	shalt  }
0x53: {  	_ =	shalt  }
0x54: {  	_ =	shalt  }
0x55: {  	_ =	shalt  }
0x56: {  	_ =	shalt  }
0x57: {  	_ =	shalt  }
0x58: {  	_ =	shalt  }
0x59: {  	_ =	shalt  }
0x5a: {  	_ =	shalt  }
0x5b: {  	_ =	shalt  }
0x5c: {  	_ =	shalt  }
0x5d: {  	_ =	shalt  }
0x5e: {  	_ =	shalt  }
0x5f: {  	_ =	shalt  }
0x60: {  	_ =	shalt  }
0x61: {  	_ =	shalt  }
0x62: {  	_ =	shalt  }
0x63: {  	_ =	shalt  }
0x64: {  	_ =	shalt  }
0x65: {  	_ =	shalt  }
0x66: {  	_ =	shalt  }
0x67: {  	_ =	shalt  }
0x68: {  	_ =	shalt  }
0x69: {  	_ =	shalt  }
0x6a: {  	_ =	shalt  }
0x6b: {  	_ =	shalt  }
0x6c: {  	_ =	shalt  }
0x6d: {  	_ =	shalt  }
0x6e: {  	_ =	shalt  }
0x6f: {  	_ =	shalt  }
0x70: {  	_ =	shalt  }
0x71: {  	_ =	shalt  }
0x72: {  	_ =	shalt  }
0x73: {  	_ =	shalt  }
0x74: {  	_ =	shalt  }
0x75: {  	_ =	shalt  }
0x76: {  	_ =	shalt  }
0x77: {  	_ =	shalt  }
0x78: {  	_ =	shalt  }
0x79: {  	_ =	shalt  }
0x7a: {  	_ =	shalt  }
0x7b: {  	_ =	shalt  }
0x7c: {  	_ =	shalt  }
0x7d: {  	_ =	shalt  }
0x7e: {  	_ =	shalt  }
0x7f: {  	_ =	shalt  }
0x80: {  	_ =	shalt  }
0x81: {  	_ =	shalt  }
0x82: {  	_ =	shalt  }
0x83: {  	_ =	shalt  }
0x84: {  	_ =	shalt  }
0x85: {  	_ =	shalt  }
0x86: {  	_ =	shalt  }
0x87: {  	_ =	shalt  }
.Lfunc_end0:
.L_simem_size_0:
called_computation.1_lowered:
.L_overlay_start_0:
0x88: {  	s2 =	sld [smem:$0x3FD9]  }
0x89: {  	s3 =	sld [smem:$0x3FFE];
	_ =	sdelay $0x1  }
0x8a: {  	s1 =	srdreg.scid  }
0x8b: {  	s0 =	sand.u32 $0x1, s1  }
0x8c: {  	s17 =	sshll.u32 s0, $0xA;
	s2 =	sadd.s32 s3, s2  }
0x8d: {  	s2 =	sadd.s32 s2, s17  }
0x8e: {  	[smem:$0x3FC6] =	sst s2  }
0x8f: {  	_ = 	snop  }
0x90: {  	s2 =	sld [smem:$0x3FD0];
	(tm) =	ssettm $0x1  }
0x91: {  	s18 =	sld [smem:$0x3FFB];
	_ =	sdelay $0x3  }
0x92: {  	_ =	strace s18  }
0x93: {  	s3 =	sld [smem:$0x3FFC];
	_ =	sdelay $0x3  }
0x94: {  	_ =	strace s3  }
0x95: {  	s3 =	sld [smem:$0x3FFD];
	_ =	sdelay $0x3  }
0x96: {  	_ =	strace s3  }
0x97: {  	_ =	strace $0x8FFFFFFF  }
0x98: {  	s19 =	sld [smem:$0x3FDB];
	_ =	sdelay $0x1  }
0x99: {  	s4 =	simm.s32 $_scs_section_size  }
0x9a: {  	s5 =	simm.s32 $_size__tile_overlayer_lowered;
	s6 =	simm.s32 $_tile_overlayer_lowered  }
0x9b: {  	s22 =	simm.s32 $0x1BFF;
	s21 =	sshll.u32 s6, $0x1;
	s3 =	sadd.s32 s4, s19  }
0x9c: {  	s7 =	simm.s32 $0x0;
	s20 =	sshll.u32 s5, $0x1;
	s5 =	sadd.s32 s21, s3  }
0x9d: {  	[timem:s7], [sflag:s22] =	dma.local [hbm:s5], s20  }
0x9e: {  	_ =	swait.ge [sflag:s22], s20  }
0x9f: {  	s4 =	ssub.s32 $0x0, s20;
	[sflag:s22] =	ssyncset.done $0x0  }
0xa0: {  	[sflag:s22] =	ssyncadd.s32 s4;
	_ =	sdelay $0x1  }
0xa1: {  	s23 =	simm.s32 $0x1B8B  }
0xa2: {  	_ =	swait.ge [sflag:s23], $0x1  }
0xa3: {  	[sflag:s23] =	ssyncset.done $0x0  }
0xa4: {  	s25 =	simm.s32 $0x1B8E;
	s24 =	sld [smem:$0x3FFE];
	[sflag:s23] =	ssyncadd.s32 $0xFFFFFFFF  }
0xa5: {  	s26 =	simm.s32 $execute0_lowered;
	[smem:$0x3FD2] =	sst s25  }
0xa6: {  	s5 =	sshll.u32 s26, $0x1;
	_ =	strace $0x80000049;
	[dreg:$0x1] =	wrdreg $0xFFFFFFFF  }
0xa7: {  	s28 =	simm.s32 $_size_execute0_lowered;
	s3 =	sadd.s32 s3, s5;
	[dreg:$0x0] =	wrdreg $0x0  }
0xa8: {  	s5 =	sshll.u32 s28, $0x1;
	[dreg:$0x2] =	wrdreg s3  }
0xa9: {  	[dreg:$0x3] =	wrdreg s5  }
0xaa: {  	[dreg:$0x4] =	wrdreg $0xC0  }
0xab: {  	_ =	task [dreg:s7], $0x5FFFF  }
0xac: {  	[dreg:$0x1] =	wrdreg $0xFFFFFFFF  }
0xad: {  	[dreg:$0x0] =	wrdreg $0x60  }
0xae: {  	[dreg:$0x2] =	wrdreg s24  }
0xaf: {  	[dreg:$0x3] =	wrdreg s2  }
0xb0: {  	[dreg:$0x4] =	wrdreg $0x9  }
0xb1: {  	_ =	task.clear_ibuf [dreg:s7], $0x5FFFF;
	_ =	strace $0x90000049  }
0xb2: {  	s29 =	simm.s32 $0x9;
	_ =	strace $0x8000004B  }
0xb3: {  	_ =	swait.ge [sflag:s29], $0x1  }
0xb4: {  	[sflag:s29] =	ssyncadd.s32 $0xFFFFFFFF  }
0xb5: {  	_ =	strace $0x9000004B  }
0xb6: {  	_ =	sfence  }
0xb7: {  	s30 =	sld [smem:$0x0];
	_ =	sdelay $0x2  }
0xb8: {  	s31 =	sshll.u32 s1, $0xD;
	s1 =	sshrl.u32 s1, $0x2  }
0xb9: {  	s3 =	sand.u32 $0x4000, s31;
	s1 =	sadd.s32 s1, s30  }
0xba: {  	s0 =	sor.u32 s3, s0;
	s1 =	sshll.u32 s1, $0x11  }
0xbb: {  	s0 =	sor.u32 s1, s0  }
0xbc: {  	s0 =	sadd.s32 $0x8F2B, s0  }
0xbd: {  	[sflag:s0] =	ssyncadd.remote.s32 $0x1  }
0xbe: {  	_ =	sfence.sel $0xFFFF  }
0xbf: {  	[dreg:$0x0] =	wrdreg $0xFFFFFFFF;
	(pc) =	sbr.abs _section_cstart, $3  }
0xc0: {  	[dreg:$0x1] =	wrdreg $0xFFFFFFFF  }
0xc1: {  	_ =	task.clear_ibuf [dreg:s7], $0x2FFFF;
	_ =	strace $0x9FFFFFFF  }
0xc2: {  	(tm) =	ssettm $0x7FFFFFFF  }
0xc3: {  	_ =	shalt  }
tec
execute0_lowered:
.L_overlay_start_1:
0x0: {  	(tag) =	ssettag $0x1  }
0x1: {  	s0 =	rddreg [dreg:$0x0]  }
0x2: {  	s1 =	rddreg [dreg:$0x1];
	s3 =	simm.s32 $0x0;
	s2 =	srdreg.scid  }
0x3: {  	s4 =	stileid.u32;
	s9 =	simm.s32 $0x17;
	s10 =	simm.s32 $0x80  }
0x4: {  	s17 =	simm.s32 $0xFA00;
	s18 =	simm.s32 $0x800;
	s19 =	simm.s32 $0x10A00  }
0x5: {  	s20 =	simm.s32 $0x880;
	s21 =	simm.s32 $0x11A00;
	s22 =	simm.s32 $0x900  }
0x6: {  	s23 =	simm.s32 $0x12A00;
	s24 =	simm.s32 $0x980;
	s25 =	simm.s32 $0x13A00  }
0x7: {  	s26 =	simm.s32 $0x15;
	s28 =	simm.s32 $0x16;
	s2 =	sand.u32 $0x1, s2  }
0x8: {  	s30 =	simm.s32 $0x0;
	[smem:$0x7FF] =	sst s3;
	s6 =	ssub.s32 $0x2, s2  }
0x9: {  	v0 =	vlaneseq.u32;
	s5 =	sshll.u32 s4, $0x1;
	s4 =	sadd.s32 $0x9EBC00, s0;
	s7 =	sshrl.u32 s6, $0x1  }
0xa: {  	v0 =	vmul.u32 $0x88, v0;
	_ =	strace $0x8000004A;
	s2 =	sor.u32 s2, s5;
	s31 =	ssub.s32 s6, s7  }
0xb: {  	s5 =	sadd.s32 $0xA00, s0;
	s6 =	smul.u32 $0xA00, s2;
	s0 =	smax.u32 s31, $0x1  }
0xc: {  	v1 =	vadd.s32 $0x880, v0;
	s7 =	smul.u32 $0x14, s2;
	s2 =	simm.s32 $0x0;
	[dreg:$0x3] =	wrdreg s0  }
.LBB2_1:
0xd: {  	[dreg:$0x4] =	wrdreg s2;
	s29 =	simm.s32 $0x0  }
.LBB2_2:
0xe: {  	s0 =	smul.u32 $0x14000, s29;
	_ =	sdelay $0x1  }
0xf: {  	s0 =	sadd.s32 s6, s0  }
0x10: {  	s0 =	sshrl.u32 s0, $0x3  }
0x11: {  	s0 =	sadd.s32 s4, s0  }
0x12: {  	[tilespmem:s30], [sflag:$0x17] =	stream.linear.gather [hbm4b:s0+s30], $0xA00, $0x38;
	[tilespmem:$0x16C00] =	vst v63  }
0x13: {  	s14 =	smul.u32 $0x61A80, s29;
	_ =	swait.ge [sflag:s9], $0xA00  }
0x14: {  	[sflag:s9] =	ssyncset.done $0x0  }
0x15: {  	s2 =	simm.s32 $0xA00;
	s0 =	sadd.s32 s5, s14;
	[sflag:s9] =	ssyncadd.s32 $0xFFFFF600  }
0x16: {  	[tilespmem:s2], [sflag:$0x1] =	stream.indirect.gather [hbm4b:s0+s10], $0x20, s30, s10, $0xb8;
	[tilespmem:$0x16C00] =	vst v63  }
0x17: {  	s15 =	simm.s32 $0x1A00  }
0x18: {  	[tilespmem:s15], [sflag:$0x2] =	stream.indirect.gather [hbm4b:s0+s10], $0x20, s10, s10, $0xb8;
	[tilespmem:$0x16C00] =	vst v63  }
0x19: {  	s16 =	simm.s32 $0x100;
	s8 =	simm.s32 $0x2A00  }
0x1a: {  	[tilespmem:s8], [sflag:$0x3] =	stream.indirect.gather [hbm4b:s0+s10], $0x20, s16, s10, $0xb8;
	[tilespmem:$0x16C00] =	vst v63  }
0x1b: {  	s11 =	simm.s32 $0x180;
	s12 =	simm.s32 $0x3A00  }
0x1c: {  	[tilespmem:s12], [sflag:$0x4] =	stream.indirect.gather [hbm4b:s0+s10], $0x20, s11, s10, $0xb8;
	[tilespmem:$0x16C00] =	vst v63  }
0x1d: {  	s13 =	simm.s32 $0x200;
	s14 =	simm.s32 $0x4A00  }
0x1e: {  	[tilespmem:s14], [sflag:$0x5] =	stream.indirect.gather [hbm4b:s0+s10], $0x20, s13, s10, $0xb8;
	[tilespmem:$0x16C00] =	vst v63  }
0x1f: {  	s15 =	simm.s32 $0x280;
	s16 =	simm.s32 $0x5A00  }
0x20: {  	[tilespmem:s16], [sflag:$0x6] =	stream.indirect.gather [hbm4b:s0+s10], $0x20, s15, s10, $0xb8;
	[tilespmem:$0x16C00] =	vst v63  }
0x21: {  	s11 =	simm.s32 $0x300;
	s12 =	simm.s32 $0x6A00  }
0x22: {  	[tilespmem:s12], [sflag:$0x7] =	stream.indirect.gather [hbm4b:s0+s10], $0x20, s11, s10, $0xb8;
	[tilespmem:$0x16C00] =	vst v63  }
0x23: {  	s13 =	simm.s32 $0x380;
	s14 =	simm.s32 $0x7A00  }
0x24: {  	[tilespmem:s14], [sflag:$0x8] =	stream.indirect.gather [hbm4b:s0+s10], $0x20, s13, s10, $0xb8;
	[tilespmem:$0x16C00] =	vst v63  }
0x25: {  	s15 =	simm.s32 $0x400;
	s16 =	simm.s32 $0x8A00  }
0x26: {  	[tilespmem:s16], [sflag:$0x9] =	stream.indirect.gather [hbm4b:s0+s10], $0x20, s15, s10, $0xb8;
	[tilespmem:$0x16C00] =	vst v63  }
0x27: {  	s11 =	simm.s32 $0x480;
	s12 =	simm.s32 $0x9A00  }
0x28: {  	[tilespmem:s12], [sflag:$0xA] =	stream.indirect.gather [hbm4b:s0+s10], $0x20, s11, s10, $0xb8;
	[tilespmem:$0x16C00] =	vst v63  }
0x29: {  	s13 =	simm.s32 $0x500;
	s14 =	simm.s32 $0xAA00  }
0x2a: {  	[tilespmem:s14], [sflag:$0xB] =	stream.indirect.gather [hbm4b:s0+s10], $0x20, s13, s10, $0xb8;
	[tilespmem:$0x16C00] =	vst v63  }
0x2b: {  	s15 =	simm.s32 $0x580;
	s16 =	simm.s32 $0xBA00  }
0x2c: {  	[tilespmem:s16], [sflag:$0xC] =	stream.indirect.gather [hbm4b:s0+s10], $0x20, s15, s10, $0xb8;
	[tilespmem:$0x16C00] =	vst v63  }
0x2d: {  	s8 =	simm.s32 $0x600;
	s11 =	simm.s32 $0xCA00  }
0x2e: {  	[tilespmem:s11], [sflag:$0xD] =	stream.indirect.gather [hbm4b:s0+s10], $0x20, s8, s10, $0xb8;
	[tilespmem:$0x16C00] =	vst v63  }
0x2f: {  	s12 =	simm.s32 $0x680;
	s13 =	simm.s32 $0xDA00  }
0x30: {  	[tilespmem:s13], [sflag:$0xE] =	stream.indirect.gather [hbm4b:s0+s10], $0x20, s12, s10, $0xb8;
	[tilespmem:$0x16C00] =	vst v63  }
0x31: {  	s14 =	simm.s32 $0x700;
	s15 =	simm.s32 $0xEA00  }
0x32: {  	[tilespmem:s15], [sflag:$0xF] =	stream.indirect.gather [hbm4b:s0+s10], $0x20, s14, s10, $0xb8;
	[tilespmem:$0x16C00] =	vst v63  }
0x33: {  	s16 =	simm.s32 $0x780  }
0x34: {  	[tilespmem:s17], [sflag:$0x10] =	stream.indirect.gather [hbm4b:s0+s10], $0x20, s16, s10, $0xb8;
	[tilespmem:$0x16C00] =	vst v63  }
0x35: {  	_ = 	snop  }
0x36: {  	[tilespmem:s19], [sflag:$0x11] =	stream.indirect.gather [hbm4b:s0+s10], $0x20, s18, s10, $0xb8;
	[tilespmem:$0x16C00] =	vst v63  }
0x37: {  	_ = 	snop  }
0x38: {  	[tilespmem:s21], [sflag:$0x12] =	stream.indirect.gather [hbm4b:s0+s10], $0x20, s20, s10, $0xb8;
	[tilespmem:$0x16C00] =	vst v63  }
0x39: {  	_ = 	snop  }
0x3a: {  	[tilespmem:s23], [sflag:$0x13] =	stream.indirect.gather [hbm4b:s0+s10], $0x20, s22, s10, $0xb8;
	[tilespmem:$0x16C00] =	vst v63  }
0x3b: {  	s31 =	smul.u32 $0x280000, s29;
	s2 =	simm.s32 $0x0;
	s14 =	simm.s32 $0xA20  }
0x3c: {  	[tilespmem:s25], [sflag:$0x14] =	stream.indirect.gather [hbm4b:s0+s10], $0x20, s24, s10, $0xb8;
	[tilespmem:$0x16C00] =	vst v63  }
.LBB2_3:
0x3d: {  	s8 =	sadd.s32 $0x1, s2  }
0x3e: {  	p0 =	slt.u32 s2, $0x2;
	_ =	swait.ge [sflag:s8], $0x1000  }
0x3f: {  	s0 =	sand.u32 @!p0 $0x1, s2;
	[sflag:s8] =	ssyncset.done $0x0  }
0x40: {  	s0 =	sadd.s32 @!p0 $0x15, s0;
	[sflag:s8] =	ssyncadd.s32 $0xFFFFF000  }
0x41: {  	_ =	swait.ge @!p0 [sflag:s0], $0x1000  }
0x42: {  	v2 =	vmov s30;
	[sflag:s0] =	ssyncset.done @!p0 $0x0  }
0x43: {  	v2 =	vand.u32 $0x7E, v2;
	[sflag:s0] =	ssyncadd.s32 @!p0 $0xFFFFF000  }
0x44: {  	v4 =	vadd.s32 v0, v2;
	v3 =	vld [tilespmem:s14+$0xFFFFFFE0];
	_ =	sdelay $0x1  }
0x45: {  	s11 =	sand.u32 $0x1, s2  }
0x46: {  	s12 =	simm.s32 $0x15B00;
	p0 =	seq.s32 s11, $0x1  }
0x47: {  	s12 =	simm.s32 @!p0 $0x14A00  }
0x48: {  	[tilespmem:v4+s12+$0x0] =	vst.idx.msk $0xffff, v3  }
0x49: {  	v2 =	vadd.s32 v1, v2;
	v3 =	vld [tilespmem:s14+$0xFFFFFFF0];
	_ =	sdelay $0x2  }
0x4a: {  	s16 =	simm.s32 $0x1  }
0x4b: {  	v4 =	vmov s16  }
0x4c: {  	[tilespmem:v2+s12+$0x0] =	vst.idx.msk $0xffff, v3;
	v3 =	vand.u32 $0x7F, v4  }
0x4d: {  	v2 =	vld [tilespmem:s14+$0x0];
	v4 =	vadd.s32 v0, v3;
	_ =	sdelay $0x4  }
0x4e: {  	[tilespmem:v4+s12+$0x0] =	vst.idx.msk $0xffff, v2  }
0x4f: {  	v3 =	vadd.s32 v1, v3;
	v2 =	vld [tilespmem:s14+$0x10];
	_ =	sdelay $0x2  }
0x50: {  	s13 =	simm.s32 $0x2  }
0x51: {  	s15 =	simm.s32 $0x4;
	s0 =	smov.u32 s14;
	v4 =	vmov s13  }
.LBB2_4:
0x52: {  	p0 =	sne.s32 s15, $0x7E;
	v4 =	vand.u32 $0x7E, v4;
	[tilespmem:v3+s12+$0x0] =	vst.idx.msk $0xffff, v2;
	s0 =	sadd.s32 $0x40, s0  }
0x53: {  	v2 =	vld [tilespmem:s0+$0xFFFFFFE0];
	v3 =	vadd.s32 v0, v4;
	_ =	sdelay $0x4  }
0x54: {  	[tilespmem:v3+s12+$0x0] =	vst.idx.msk $0xffff, v2  }
0x55: {  	v3 =	vadd.s32 v1, v4;
	v2 =	vld [tilespmem:s0+$0xFFFFFFF0];
	_ =	sdelay $0x2  }
0x56: {  	s16 =	sadd.s32 $0x1, s13;
	s13 =	smov.u32 s15  }
0x57: {  	v4 =	vmov s16  }
0x58: {  	[tilespmem:v3+s12+$0x0] =	vst.idx.msk $0xffff, v2;
	v3 =	vand.u32 $0x7F, v4  }
0x59: {  	v2 =	vld [tilespmem:s0+$0x0];
	v4 =	vadd.s32 v0, v3;
	_ =	sdelay $0x4  }
0x5a: {  	[tilespmem:v4+s12+$0x0] =	vst.idx.msk $0xffff, v2  }
.Ltmp0:
0x5b: {  	v3 =	vadd.s32 v1, v3;
	v2 =	vld [tilespmem:s0+$0x10];
	(pc) =	sbr.rel @p0 .LBB2_4-.Ltmp0, $2  }
0x5c: {  	_ =	sdelay $0x2  }
0x5d: {  	s15 =	sadd.s32 $0x2, s15;
	v4 =	vmov s13  }
0x5e: {  	_ =	sdelay $0x3  }
0x5f: {  	v4 =	vand.u32 $0x7E, v4;
	[tilespmem:v3+s12+$0x0] =	vst.idx.msk $0xffff, v2;
	s0 =	sadd.s32 $0x40, s0  }
0x60: {  	v2 =	vld [tilespmem:s0+$0xFFFFFFE0];
	v3 =	vadd.s32 v0, v4;
	_ =	sdelay $0x4  }
0x61: {  	[tilespmem:v3+s12+$0x0] =	vst.idx.msk $0xffff, v2  }
0x62: {  	v3 =	vadd.s32 v1, v4;
	v2 =	vld [tilespmem:s0+$0xFFFFFFF0];
	_ =	sdelay $0x2  }
0x63: {  	s13 =	sadd.s32 $0x1, s13  }
0x64: {  	v63 =	vmov s13  }
0x65: {  	[tilespmem:v3+s12+$0x0] =	vst.idx.msk $0xffff, v2;
	v2 =	vand.u32 $0x7F, v63  }
0x66: {  	v3 =	vld [tilespmem:s0+$0x0];
	v4 =	vadd.s32 v0, v2;
	_ =	sdelay $0x4  }
0x67: {  	[tilespmem:v4+s12+$0x0] =	vst.idx.msk $0xffff, v3  }
0x68: {  	v2 =	vadd.s32 v1, v2;
	v3 =	vld [tilespmem:s0+$0x10]  }
0x69: {  	s15 =	sadd.s32 s7, s2  }
0x6a: {  	s16 =	smul.u32 $0x4400, s11;
	s0 =	sshll.u32 s15, $0xA  }
0x6b: {  	s0 =	sadd.s32 s31, s0  }
0x6c: {  	s2 =	sshrl.u32 s16, $0x2;
	s0 =	sshrl.u32 s0, $0x3  }
0x6d: {  	s11 =	sadd.s32 $0x15, s11;
	s13 =	sadd.s32 $0x14A00, s2;
	[tilespmem:v2+s12+$0x0] =	vst.idx.msk $0xffff, v3;
	s12 =	sadd.s32 s1, s0  }
0x6e: {  	[hbm4b:s12+s3] =	stream.linear.scatter [tilespmem:s13], [sflag:s11], $0x80, $0x38;
	[tilespmem:$0x16C00] =	vst v63  }
0x6f: {  	s15 =	sadd.s32 $0x14A88, s2;
	s16 =	sadd.s32 $0x10, s12  }
0x70: {  	[hbm4b:s16+s3] =	stream.linear.scatter [tilespmem:s15], [sflag:s11], $0x80, $0x38;
	[tilespmem:$0x16C00] =	vst v63  }
0x71: {  	s15 =	sadd.s32 $0x14B10, s2;
	s16 =	sadd.s32 $0x20, s12  }
0x72: {  	[hbm4b:s16+s3] =	stream.linear.scatter [tilespmem:s15], [sflag:s11], $0x80, $0x38;
	[tilespmem:$0x16C00] =	vst v63  }
0x73: {  	s15 =	sadd.s32 $0x14B98, s2;
	s16 =	sadd.s32 $0x30, s12  }
0x74: {  	[hbm4b:s16+s3] =	stream.linear.scatter [tilespmem:s15], [sflag:s11], $0x80, $0x38;
	[tilespmem:$0x16C00] =	vst v63  }
0x75: {  	s15 =	sadd.s32 $0x14C20, s2;
	s16 =	sadd.s32 $0x40, s12  }
0x76: {  	[hbm4b:s16+s3] =	stream.linear.scatter [tilespmem:s15], [sflag:s11], $0x80, $0x38;
	[tilespmem:$0x16C00] =	vst v63  }
0x77: {  	s15 =	sadd.s32 $0x14CA8, s2;
	s16 =	sadd.s32 $0x50, s12  }
0x78: {  	[hbm4b:s16+s3] =	stream.linear.scatter [tilespmem:s15], [sflag:s11], $0x80, $0x38;
	[tilespmem:$0x16C00] =	vst v63  }
0x79: {  	s15 =	sadd.s32 $0x14D30, s2;
	s16 =	sadd.s32 $0x60, s12  }
0x7a: {  	[hbm4b:s16+s3] =	stream.linear.scatter [tilespmem:s15], [sflag:s11], $0x80, $0x38;
	[tilespmem:$0x16C00] =	vst v63  }
0x7b: {  	s15 =	sadd.s32 $0x14DB8, s2;
	s16 =	sadd.s32 $0x70, s12  }
0x7c: {  	[hbm4b:s16+s3] =	stream.linear.scatter [tilespmem:s15], [sflag:s11], $0x80, $0x38;
	[tilespmem:$0x16C00] =	vst v63  }
0x7d: {  	s13 =	sadd.s32 $0x14000, s12;
	s15 =	sadd.s32 $0x14E40, s2  }
0x7e: {  	[hbm4b:s13+s3] =	stream.linear.scatter [tilespmem:s15], [sflag:s11], $0x80, $0x38;
	[tilespmem:$0x16C00] =	vst v63  }
0x7f: {  	s16 =	sadd.s32 $0x14EC8, s2;
	s15 =	sadd.s32 $0x10, s13  }
0x80: {  	[hbm4b:s15+s3] =	stream.linear.scatter [tilespmem:s16], [sflag:s11], $0x80, $0x38;
	[tilespmem:$0x16C00] =	vst v63  }
0x81: {  	s15 =	sadd.s32 $0x14F50, s2;
	s16 =	sadd.s32 $0x20, s13  }
0x82: {  	[hbm4b:s16+s3] =	stream.linear.scatter [tilespmem:s15], [sflag:s11], $0x80, $0x38;
	[tilespmem:$0x16C00] =	vst v63  }
0x83: {  	s15 =	sadd.s32 $0x14FD8, s2;
	s16 =	sadd.s32 $0x30, s13  }
0x84: {  	[hbm4b:s16+s3] =	stream.linear.scatter [tilespmem:s15], [sflag:s11], $0x80, $0x38;
	[tilespmem:$0x16C00] =	vst v63  }
0x85: {  	s15 =	sadd.s32 $0x15060, s2;
	s16 =	sadd.s32 $0x40, s13  }
0x86: {  	[hbm4b:s16+s3] =	stream.linear.scatter [tilespmem:s15], [sflag:s11], $0x80, $0x38;
	[tilespmem:$0x16C00] =	vst v63  }
0x87: {  	s15 =	sadd.s32 $0x150E8, s2;
	s16 =	sadd.s32 $0x50, s13  }
0x88: {  	[hbm4b:s16+s3] =	stream.linear.scatter [tilespmem:s15], [sflag:s11], $0x80, $0x38;
	[tilespmem:$0x16C00] =	vst v63  }
0x89: {  	s15 =	sadd.s32 $0x15170, s2;
	s16 =	sadd.s32 $0x60, s13  }
0x8a: {  	[hbm4b:s16+s3] =	stream.linear.scatter [tilespmem:s15], [sflag:s11], $0x80, $0x38;
	[tilespmem:$0x16C00] =	vst v63  }
0x8b: {  	s13 =	sadd.s32 $0x70, s13;
	s15 =	sadd.s32 $0x151F8, s2  }
0x8c: {  	[hbm4b:s13+s3] =	stream.linear.scatter [tilespmem:s15], [sflag:s11], $0x80, $0x38;
	[tilespmem:$0x16C00] =	vst v63  }
0x8d: {  	s16 =	sadd.s32 $0x15280, s2;
	s13 =	sadd.s32 $0x28000, s12  }
0x8e: {  	[hbm4b:s13+s3] =	stream.linear.scatter [tilespmem:s16], [sflag:s11], $0x80, $0x38;
	[tilespmem:$0x16C00] =	vst v63  }
0x8f: {  	s15 =	sadd.s32 $0x15308, s2;
	s16 =	sadd.s32 $0x10, s13  }
0x90: {  	[hbm4b:s16+s3] =	stream.linear.scatter [tilespmem:s15], [sflag:s11], $0x80, $0x38;
	[tilespmem:$0x16C00] =	vst v63  }
0x91: {  	s15 =	sadd.s32 $0x15390, s2;
	s16 =	sadd.s32 $0x20, s13  }
0x92: {  	[hbm4b:s16+s3] =	stream.linear.scatter [tilespmem:s15], [sflag:s11], $0x80, $0x38;
	[tilespmem:$0x16C00] =	vst v63  }
0x93: {  	s15 =	sadd.s32 $0x15418, s2;
	s16 =	sadd.s32 $0x30, s13  }
0x94: {  	[hbm4b:s16+s3] =	stream.linear.scatter [tilespmem:s15], [sflag:s11], $0x80, $0x38;
	[tilespmem:$0x16C00] =	vst v63  }
0x95: {  	s15 =	sadd.s32 $0x154A0, s2;
	s16 =	sadd.s32 $0x40, s13  }
0x96: {  	[hbm4b:s16+s3] =	stream.linear.scatter [tilespmem:s15], [sflag:s11], $0x80, $0x38;
	[tilespmem:$0x16C00] =	vst v63  }
0x97: {  	s15 =	sadd.s32 $0x15528, s2;
	s16 =	sadd.s32 $0x50, s13  }
0x98: {  	[hbm4b:s16+s3] =	stream.linear.scatter [tilespmem:s15], [sflag:s11], $0x80, $0x38;
	[tilespmem:$0x16C00] =	vst v63  }
0x99: {  	s15 =	sadd.s32 $0x155B0, s2;
	s16 =	sadd.s32 $0x60, s13  }
0x9a: {  	[hbm4b:s16+s3] =	stream.linear.scatter [tilespmem:s15], [sflag:s11], $0x80, $0x38;
	[tilespmem:$0x16C00] =	vst v63  }
0x9b: {  	s13 =	sadd.s32 $0x70, s13;
	s16 =	sadd.s32 $0x15638, s2  }
0x9c: {  	[hbm4b:s13+s3] =	stream.linear.scatter [tilespmem:s16], [sflag:s11], $0x80, $0x38;
	[tilespmem:$0x16C00] =	vst v63  }
0x9d: {  	s12 =	sadd.s32 $0x3C000, s12;
	s13 =	sadd.s32 $0x156C0, s2  }
0x9e: {  	[hbm4b:s12+s3] =	stream.linear.scatter [tilespmem:s13], [sflag:s11], $0x80, $0x38;
	[tilespmem:$0x16C00] =	vst v63  }
0x9f: {  	s15 =	sadd.s32 $0x15748, s2;
	s16 =	sadd.s32 $0x10, s12  }
0xa0: {  	[hbm4b:s16+s3] =	stream.linear.scatter [tilespmem:s15], [sflag:s11], $0x80, $0x38;
	[tilespmem:$0x16C00] =	vst v63  }
0xa1: {  	s15 =	sadd.s32 $0x157D0, s2;
	s16 =	sadd.s32 $0x20, s12  }
0xa2: {  	[hbm4b:s16+s3] =	stream.linear.scatter [tilespmem:s15], [sflag:s11], $0x80, $0x38;
	[tilespmem:$0x16C00] =	vst v63  }
0xa3: {  	s15 =	sadd.s32 $0x15858, s2;
	s16 =	sadd.s32 $0x30, s12  }
0xa4: {  	[hbm4b:s16+s3] =	stream.linear.scatter [tilespmem:s15], [sflag:s11], $0x80, $0x38;
	[tilespmem:$0x16C00] =	vst v63  }
0xa5: {  	s15 =	sadd.s32 $0x158E0, s2;
	s16 =	sadd.s32 $0x40, s12  }
0xa6: {  	[hbm4b:s16+s3] =	stream.linear.scatter [tilespmem:s15], [sflag:s11], $0x80, $0x38;
	[tilespmem:$0x16C00] =	vst v63  }
0xa7: {  	p0 =	sne.s32 s8, $0x14;
	s15 =	sadd.s32 $0x15968, s2;
	s16 =	sadd.s32 $0x50, s12  }
0xa8: {  	[hbm4b:s16+s3] =	stream.linear.scatter [tilespmem:s15], [sflag:s11], $0x80, $0x38;
	[tilespmem:$0x16C00] =	vst v63  }
.Ltmp1:
0xa9: {  	_ = 	snop;
	(pc) =	sbr.rel @p0 .LBB2_3-.Ltmp1, $4  }
0xaa: {  	s14 =	sadd.s32 $0x1000, s14;
	s15 =	sadd.s32 $0x159F0, s2;
	s16 =	sadd.s32 $0x60, s12  }
0xab: {  	[hbm4b:s16+s3] =	stream.linear.scatter [tilespmem:s15], [sflag:s11], $0x80, $0x38;
	[tilespmem:$0x16C00] =	vst v63  }
0xac: {  	s15 =	sadd.s32 $0x15A78, s2;
	s16 =	sadd.s32 $0x70, s12;
	s2 =	smov.u32 s8  }
0xad: {  	[hbm4b:s16+s3] =	stream.linear.scatter [tilespmem:s15], [sflag:s11], $0x80, $0x38;
	[tilespmem:$0x16C00] =	vst v63  }
0xae: {  	s29 =	sadd.s32 $0x1, s29  }
0xaf: {  	_ =	swait.ge [sflag:s26], $0x1000;
	p0 =	sne.s32 s29, $0x1A  }
.Ltmp2:
0xb0: {  	[sflag:s26] =	ssyncset.done $0x0;
	(pc) =	sbr.rel @p0 .LBB2_2-.Ltmp2, $4  }
0xb1: {  	[sflag:s26] =	ssyncadd.s32 $0xFFFFF000  }
0xb2: {  	_ =	swait.ge [sflag:s28], $0x1000  }
0xb3: {  	[sflag:s28] =	ssyncset.done $0x0  }
0xb4: {  	[sflag:s28] =	ssyncadd.s32 $0xFFFFF000  }
0xb5: {  	s2 =	rddreg [dreg:$0x4]  }
0xb6: {  	s0 =	rddreg [dreg:$0x3];
	s2 =	sadd.s32 $0x1, s2  }
0xb7: {  	p0 =	sne.s32 s2, s0  }
.Ltmp3:
0xb8: {  	_ = 	snop;
	(pc) =	sbr.rel @p0 .LBB2_1-.Ltmp3, $1  }
0xb9: {  	_ =	sdelay $0x3  }
0xba: {  	_ =	sfence.sel $0x180000  }
0xbb: {  	[bflag:$0x0] =	sbarrier.arrive $0xFFFF  }
0xbc: {  	_ =	strace $0x9000004A  }
0xbd: {  	s0 =	stileid.u32;
	[bflag:$0x2] =	sbarrier.arrive $0xFFFF  }
0xbe: {  	p0 =	sne.s32 s0, $0x0;
	s0 =	rddreg [dreg:$0x2]  }
0xbf: {  	s0 =	sadd.s32 @!p0 $0x100000, s0  }
0xc0: {  	[sflag:s0] =	ssyncadd.tile.s32 @!p0 $0x1;
	_ =	shalt  }
.Lfunc_end2:
_tile_overlayer_lowered:
.L_overlay_start_2:
0xc1: {  	(tag) =	ssettag $0x2  }
0xc2: {  	s0 =	rddreg [dreg:$0x0];
	s2 =	stileid.u32  }
0xc3: {  	s1 =	rddreg [dreg:$0x1];
	p0 =	sne.s32 s2, $0x0  }
0xc4: {  	s3 =	rddreg [dreg:$0x2];
	[bflag:$0x3] =	sbarrier.arrive $0xFFFF;
	s2 =	simm.s32 @!p0 $0x1C17  }
0xc5: {  	[timem:s3], [sflag:s2] =	dma.local @!p0 [hbm:s0], s1  }
0xc6: {  	s0 =	simm.s32 @!p0 $0x17  }
0xc7: {  	_ =	swait.ge @!p0 [sflag:s0], s1  }
0xc8: {  	s1 =	ssub.s32 @!p0 $0x0, s1;
	[sflag:s0] =	ssyncset.done @!p0 $0x0  }
0xc9: {  	[sflag:s0] =	ssyncadd.s32 @!p0 s1  }
0xca: {  	[bflag:$0x3] =	sbarrier.arrive $0xFFFF  }
0xcb: {  	_ =	shalt  }

</sc_bundles>
